<compile_context>
chip_gen: v7x
topology: tpu7x:2x2x1
jax: 0.10.2.dev20260603
libtpu: 0.0.44.dev20260713+nightly
codegen_flags: <defaults>
</compile_context>

<pallas_src>
import functools

import jax
import jax.numpy as jnp
from jax import lax
from jax.experimental import pallas as pl
from jax.experimental.pallas import tpu as pltpu
from jax.experimental.pallas import tpu_sc as plsc

IN_DIM = 50000
H = 64
NUM_RELS = 256
SEQ_LEN = 10
E = 800000
ES = E // SEQ_LEN

NC = 2
NS = 16
L = 16

EPT = ES // NS
K = 64
EPT_PAD = 5120
NB = EPT_PAD // K

QTR = 8960
NSUB = 3
TPT = QTR // NS
DUMP = QTR
AGG_ROWS = QTR + 8
NCH = 56
NPAD = 51968
W = H + 8

_f32 = jnp.float32


def _sc_aggregate(srcp, dstp, rtp, ent_pad, wrel_flat, xself):
  mesh = plsc.VectorSubcoreMesh(core_axis_name="c", subcore_axis_name="s",
                                num_cores=NC, num_subcores=NS)

  @functools.partial(
      pl.kernel,
      out_type=jax.ShapeDtypeStruct((NC, NS, SEQ_LEN, H), _f32),
      mesh=mesh,
      scratch_types=[
          pltpu.VMEM((EPT_PAD,), jnp.int32),
          pltpu.VMEM((EPT_PAD,), jnp.int32),
          pltpu.VMEM((EPT_PAD,), jnp.int32),
          pltpu.VMEM((EPT_PAD + K + L,), jnp.int32),
          pltpu.VMEM((EPT_PAD + K + L,), jnp.int32),
          pltpu.VMEM((EPT_PAD + K + L,), jnp.int32),
          pltpu.VMEM((NB, K), jnp.int32),
          pltpu.VMEM((NUM_RELS * H,), _f32),
          pltpu.VMEM((2 * K, H), _f32),
          pltpu.VMEM((2 * K, W), _f32),
          pltpu.VMEM((2 * NCH, W), _f32),
          pltpu.VMEM((2 * NCH, H), _f32),
          pltpu.VMEM((1, H), _f32),
          pltpu.VMEM_SHARED((AGG_ROWS, W), _f32),
          pltpu.SemaphoreType.DMA,
          pltpu.SemaphoreType.DMA,
          pltpu.SemaphoreType.DMA,
          pltpu.SemaphoreType.DMA,
      ],
      compiler_params=pltpu.CompilerParams(use_tc_tiling_on_sc=False,
                                           needs_layout_passes=False),
  )
  def body(src_h, dst_h, rt_h, ent_h, wrel_h, xself_h, out_h,
           src_v, rt_v, dstraw_v, csrc_v, crt_v, cdst_v, dst2_v,
           wrel_v, gbuf_v, sbuf_v, agg_v, xs_v, mymax_v,
           agg_sh, sem0, sem1, semS0, semS1):
    c = lax.axis_index("c")
    t = lax.axis_index("s")

    pltpu.sync_copy(wrel_h, wrel_v)
    z16 = jnp.zeros((L,), dtype=_f32)
    mix16 = jnp.where(lax.iota(jnp.int32, L) < 8, 0.0, 1.0).astype(_f32)

    def fill_ones(n, _):
      sbuf_v[n, pl.ds(W - L, L)] = mix16
      return 0
    lax.fori_loop(0, 2 * K, fill_ones, 0)


    def snapshot(s, _):
      off = (s * NS + t) * EPT_PAD
      pltpu.sync_copy(src_h.at[pl.ds(off, EPT_PAD)], src_v)
      pltpu.sync_copy(rt_h.at[pl.ds(off, EPT_PAD)], rt_v)
      pltpu.sync_copy(dst_h.at[pl.ds(off, EPT_PAD)], dstraw_v)

      def subrange(sub, mxall):
        lo = c * 25000 + sub * QTR
        hi = jnp.minimum(lo + QTR, IN_DIM)

        def zfill(n, _):
          for k in range(H // L):
            sbuf_v[n, pl.ds(k * L, L)] = z16
          sbuf_v[n, pl.ds(W - L, L)] = z16
          return 0
        lax.fori_loop(0, NCH, zfill, 0)

        def zchunk(i, _):
          r = t * TPT + i * NCH
          pltpu.async_copy(sbuf_v.at[pl.ds(0, NCH)], agg_sh.at[pl.ds(r, NCH)],
                           semS0)
          return 0
        lax.fori_loop(0, TPT // NCH, zchunk, 0)

        dumps = jnp.full((L,), DUMP, dtype=jnp.int32)
        zi = jnp.zeros((L,), dtype=jnp.int32)

        def cgroup(j, cnt):
          d = dstraw_v[pl.ds(j * L, L)]
          inr = (d >= lo) & (d < hi)
          key = jnp.where(inr, 0, 1)
          ld = jnp.where(inr, d - lo, DUMP)
          _, perm = plsc.sort_key_val(key, lax.iota(jnp.int32, L))

          def vperm(x):
            return lax.gather(
                x, perm[:, None],
                lax.GatherDimensionNumbers(offset_dims=(),
                                           collapsed_slice_dims=(0,),
                                           start_index_map=(0,)),
                (1,), mode=lax.GatherScatterMode.PROMISE_IN_BOUNDS)
          s_src = vperm(src_v[pl.ds(j * L, L)])
          s_rt = vperm(rt_v[pl.ds(j * L, L)])
          s_dst = vperm(ld)
          csrc_v[pl.ds(cnt, L)] = s_src
          crt_v[pl.ds(cnt, L)] = s_rt
          cdst_v[pl.ds(cnt, L)] = s_dst
          return cnt + plsc.all_reduce_population_count(inr)[0]
        cnt = lax.fori_loop(0, EPT_PAD // L, cgroup, 0)

        def zdrain(i, _):
          pltpu.make_async_copy(sbuf_v.at[pl.ds(0, NCH)],
                                agg_sh.at[pl.ds(t * TPT, NCH)], semS0).wait()
          return 0
        lax.fori_loop(0, TPT // NCH, zdrain, 0)

        def refix(n, _):
          sbuf_v[n, pl.ds(W - L, L)] = mix16
          return 0
        lax.fori_loop(0, NCH, refix, 0)

        def tfill(j, _):
          csrc_v[pl.ds(cnt + j * L, L)] = zi
          crt_v[pl.ds(cnt + j * L, L)] = zi
          cdst_v[pl.ds(cnt + j * L, L)] = dumps
          return 0
        lax.fori_loop(0, K // L, tfill, 0)
        plsc.subcore_barrier()

        nblk = (cnt + K - 1) // K

        def issue(b):
          @pl.when((b < nblk) & (b % 2 == 0))
          def _():
            pltpu.async_copy(ent_h.at[csrc_v.at[pl.ds(b * K, K)]],
                             gbuf_v.at[pl.ds(0, K)], sem0)

          @pl.when((b < nblk) & (b % 2 == 1))
          def _():
            pltpu.async_copy(ent_h.at[csrc_v.at[pl.ds(b * K, K)]],
                             gbuf_v.at[pl.ds(K, K)], sem1)

        def wait_scat(b):
          @pl.when((b >= 0) & (b % 2 == 0))
          def _():
            pltpu.make_async_copy(sbuf_v.at[pl.ds(0, K)],
                                  agg_sh.at[dst2_v.at[0]], semS0).wait()

          @pl.when((b >= 0) & (b % 2 == 1))
          def _():
            pltpu.make_async_copy(sbuf_v.at[pl.ds(K, K)],
                                  agg_sh.at[dst2_v.at[0]], semS1).wait()

        issue(0)

        def eblock(b, _):
          @pl.when(b < nblk)
          def _():
            def cpy(jj, _):
              dst2_v[b, pl.ds(jj * L, L)] = cdst_v[pl.ds(b * K + jj * L, L)]
              return 0
            lax.fori_loop(0, K // L, cpy, 0)

            @pl.when(b % 2 == 0)
            def _():
              pltpu.make_async_copy(ent_h.at[csrc_v.at[pl.ds(b * K, K)]],
                                    gbuf_v.at[pl.ds(0, K)], sem0).wait()

            @pl.when(b % 2 == 1)
            def _():
              pltpu.make_async_copy(ent_h.at[csrc_v.at[pl.ds(b * K, K)]],
                                    gbuf_v.at[pl.ds(K, K)], sem1).wait()

            issue(b + 1)
            wait_scat(b - 2)
            base = (b % 2) * K

            def emul(j, _):
              rt16 = crt_v[pl.ds(b * K + j * L, L)]
              for ee in range(L):
                e = j * L + ee
                wb = rt16[ee] * H
                for k in range(H // L):
                  sbuf_v[base + e, pl.ds(k * L, L)] = (
                      gbuf_v[base + e, pl.ds(k * L, L)]
                      * wrel_v[pl.ds(wb + k * L, L)])
              return 0
            lax.fori_loop(0, K // L, emul, 0)

            @pl.when(b % 2 == 0)
            def _():
              pltpu.async_copy(sbuf_v.at[pl.ds(0, K)],
                               agg_sh.at[dst2_v.at[b]], semS0, add=True)

            @pl.when(b % 2 == 1)
            def _():
              pltpu.async_copy(sbuf_v.at[pl.ds(K, K)],
                               agg_sh.at[dst2_v.at[b]], semS1, add=True)
          return 0
        lax.fori_loop(0, NB, eblock, 0)
        wait_scat(nblk - 2)
        wait_scat(nblk - 1)
        plsc.subcore_barrier()

        nchunks = TPT // NCH

        def issue_n(i):
          r = t * TPT + i * NCH

          @pl.when((i < nchunks) & (i % 2 == 0))
          def _():
            pltpu.async_copy(agg_sh.at[pl.ds(r, NCH)],
                             agg_v.at[pl.ds(0, NCH)], sem0)
            pltpu.async_copy(xself_h.at[pl.ds(lo + r, NCH)],
                             xs_v.at[pl.ds(0, NCH)], semS0)

          @pl.when((i < nchunks) & (i % 2 == 1))
          def _():
            pltpu.async_copy(agg_sh.at[pl.ds(r, NCH)],
                             agg_v.at[pl.ds(NCH, NCH)], sem1)
            pltpu.async_copy(xself_h.at[pl.ds(lo + r, NCH)],
                             xs_v.at[pl.ds(NCH, NCH)], semS1)

        issue_n(0)

        def nchunk(i, mx):
          r = t * TPT + i * NCH

          @pl.when(i % 2 == 0)
          def _():
            pltpu.make_async_copy(agg_sh.at[pl.ds(r, NCH)],
                                  agg_v.at[pl.ds(0, NCH)], sem0).wait()
            pltpu.make_async_copy(xself_h.at[pl.ds(lo + r, NCH)],
                                  xs_v.at[pl.ds(0, NCH)], semS0).wait()

          @pl.when(i % 2 == 1)
          def _():
            pltpu.make_async_copy(agg_sh.at[pl.ds(r, NCH)],
                                  agg_v.at[pl.ds(NCH, NCH)], sem1).wait()
            pltpu.make_async_copy(xself_h.at[pl.ds(lo + r, NCH)],
                                  xs_v.at[pl.ds(NCH, NCH)], semS1).wait()

          issue_n(i + 1)
          nb = (i % 2) * NCH

          def node(n, mx):
            dtail = agg_v[nb + n, pl.ds(W - L, L)]
            dinv = (1.0 / jnp.maximum(dtail, 1.0))[8]
            new = []
            for k in range(H // L):
              v = (agg_v[nb + n, pl.ds(k * L, L)] * dinv
                   + xs_v[nb + n, pl.ds(k * L, L)])
              v = jnp.maximum(v, 0.0)
              new.append(jnp.maximum(mx[k], v))
            return tuple(new)
          return lax.fori_loop(0, NCH, node, mx)

        mx = lax.fori_loop(0, nchunks, nchunk, mxall)
        return mx

      mx0 = tuple(jnp.zeros((L,), dtype=_f32) for _ in range(H // L))
      mx = lax.fori_loop(0, NSUB, subrange, mx0)
      for k in range(H // L):
        mymax_v[0, pl.ds(k * L, L)] = mx[k]
      pltpu.sync_copy(mymax_v, out_h.at[c, t, pl.ds(s, 1)])
      return 0

    lax.fori_loop(0, SEQ_LEN, snapshot, 0)

  return body(srcp, dstp, rtp, ent_pad, wrel_flat, xself)


def _tc_xself(ent_pad, W_self):
  blk = NPAD // 8

  def body(e_ref, w_ref, o_ref):
    o_ref[...] = jnp.dot(e_ref[...], w_ref[...],
                         preferred_element_type=_f32)

  return pl.pallas_call(
      body,
      grid=(8,),
      in_specs=[
          pl.BlockSpec((blk, H), lambda i: (i, 0)),
          pl.BlockSpec((H, H), lambda i: (0, 0)),
      ],
      out_specs=pl.BlockSpec((blk, H), lambda i: (i, 0)),
      out_shape=jax.ShapeDtypeStruct((NPAD, H), _f32),
  )(ent_pad, W_self)


def _tc_gru(gs2, W_ih, W_hh, b_ih, b_hh):

  def body(g_ref, wi_ref, wh_ref, bi_ref, bh_ref, o_ref):
    gs = jnp.max(g_ref[...], axis=(0, 1))
    bi = bi_ref[...]
    bh = bh_ref[...]

    h = jnp.zeros((1, H), dtype=_f32)
    for s in range(SEQ_LEN):
      x = gs[s:s + 1]
      gi = jnp.dot(x, wi_ref[...], preferred_element_type=_f32) + bi
      gh = jnp.dot(h, wh_ref[...], preferred_element_type=_f32) + bh
      ir, iz, in_ = gi[:, :H], gi[:, H:2 * H], gi[:, 2 * H:]
      hr, hz, hn = gh[:, :H], gh[:, H:2 * H], gh[:, 2 * H:]
      r = jax.nn.sigmoid(ir + hr)
      z = jax.nn.sigmoid(iz + hz)
      n = jnp.tanh(in_ + r * hn)
      h = (1.0 - z) * n + z * h
    o_ref[...] = h

  return pl.pallas_call(
      body,
      out_shape=jax.ShapeDtypeStruct((1, H), _f32),
  )(gs2, W_ih, W_hh, b_ih.reshape(1, 3 * H), b_hh.reshape(1, 3 * H))


LPAD = 50176
LBLK = 1024


def _tc_loss(s_q, W_lin_pad, b_lin_pad, tpo_pad):
  nt = LPAD // LBLK

  def body(sq_ref, w_ref, b_ref, t_ref, o_ref, acc):
    i = pl.program_id(0)

    @pl.when(i == 0)
    def _():
      acc[0] = -1e30
      acc[1] = 0.0
      acc[2] = 0.0

    p = (jnp.dot(sq_ref[...], w_ref[...], preferred_element_type=_f32)
         + b_ref[...])
    tb = jnp.sum(t_ref[...], axis=0, keepdims=True) * (1.0 / 64.0)
    m_old = acc[0]
    m_new = jnp.maximum(m_old, jnp.max(p))
    se = acc[1] * jnp.exp(m_old - m_new) + jnp.sum(jnp.exp(p - m_new))
    acc[0] = m_new
    acc[1] = se
    acc[2] = acc[2] + jnp.sum(tb * p)

    @pl.when(i == nt - 1)
    def _():
      o_ref[...] = jnp.full((1, 1), (acc[0] + jnp.log(acc[1])) - acc[2],
                            dtype=_f32)

  return pl.pallas_call(
      body,
      grid=(nt,),
      in_specs=[
          pl.BlockSpec((1, H), lambda i: (0, 0)),
          pl.BlockSpec((H, LBLK), lambda i: (0, i)),
          pl.BlockSpec((1, LBLK), lambda i: (0, i)),
          pl.BlockSpec((64, LBLK), lambda i: (0, i)),
      ],
      out_specs=pl.BlockSpec((1, 1), lambda i: (0, 0)),
      out_shape=jax.ShapeDtypeStruct((1, 1), _f32),
      scratch_shapes=[pltpu.SMEM((4,), _f32)],
  )(s_q, W_lin_pad, b_lin_pad, tpo_pad)


def kernel(t_list, true_prob_s, true_prob_o, edge_index, edge_type,
           ent_embeds, w_rel, W_self, W_ih, W_hh, b_ih, b_hh, W_lin, b_lin):
  del t_list, true_prob_s

  src = edge_index[0].reshape(SEQ_LEN, NS, EPT)
  dst = edge_index[1].reshape(SEQ_LEN, NS, EPT)
  rt = edge_type.reshape(SEQ_LEN, NS, EPT)
  pad = ((0, 0), (0, 0), (0, EPT_PAD - EPT))
  srcp = jnp.pad(src, pad).reshape(-1)
  dstp = jnp.pad(dst, pad, constant_values=-1).reshape(-1)
  rtp = jnp.pad(rt, pad).reshape(-1)

  ent_pad = jnp.pad(ent_embeds, ((0, NPAD - IN_DIM), (0, 0)))
  wrel_flat = w_rel.reshape(-1)

  xself = _tc_xself(ent_pad, W_self)
  gs2 = _sc_aggregate(srcp, dstp, rtp, ent_pad, wrel_flat, xself)
  s_q = _tc_gru(gs2, W_ih, W_hh, b_ih, b_hh)

  W_lin_pad = jnp.pad(W_lin, ((0, 0), (0, LPAD - IN_DIM)))
  b_lin_pad = jnp.pad(b_lin.reshape(1, IN_DIM), ((0, 0), (0, LPAD - IN_DIM)),
                      constant_values=-1e9)
  tpo_pad = jnp.pad(true_prob_o, ((0, 0), (0, LPAD - IN_DIM)))
  loss = _tc_loss(s_q, W_lin_pad, b_lin_pad, tpo_pad)
  return loss[0, 0]

# --- scband reference (transcript-rebuilt; emitter-appended) ---
"""Pipeline reference for scband-renet-global-23639499997552 (READ-ONLY COPY).

The authoritative reference and input builder live on the scoring server;
editing this copy changes nothing except your own understanding.
"""

import jax, jax.numpy as jnp
import numpy as np

IN_DIM = 50000
H = 64
NUM_RELS = 256
SEQ_LEN = 10
B = 64
E = 800000


def setup_inputs(seed: int = 0):
    key = jax.random.key(seed)
    ks = jax.random.split(key, 14)
    t_list = jax.random.randint(ks[0], (B,), 0, 1000)
    tps = jax.random.uniform(ks[1], (B, IN_DIM), dtype=jnp.float32)
    true_prob_s = tps / jnp.sum(tps, axis=-1, keepdims=True)
    tpo = jax.random.uniform(ks[2], (B, IN_DIM), dtype=jnp.float32)
    true_prob_o = tpo / jnp.sum(tpo, axis=-1, keepdims=True)
    edge_index = jax.random.randint(ks[3], (2, E), 0, IN_DIM)
    edge_type = jax.random.randint(ks[4], (E,), 0, NUM_RELS)
    ent_embeds = jax.random.normal(ks[5], (IN_DIM, H), dtype=jnp.float32) * 0.05
    w_rel = jax.random.normal(ks[6], (NUM_RELS, H), dtype=jnp.float32) * 0.1
    W_self = jax.random.normal(ks[7], (H, H), dtype=jnp.float32) * (1.0 / np.sqrt(H))
    W_ih = jax.random.normal(ks[8], (H, 3 * H), dtype=jnp.float32) * (1.0 / np.sqrt(H))
    W_hh = jax.random.normal(ks[9], (H, 3 * H), dtype=jnp.float32) * (1.0 / np.sqrt(H))
    b_ih = jnp.zeros((3 * H,), dtype=jnp.float32)
    b_hh = jnp.zeros((3 * H,), dtype=jnp.float32)
    W_lin = jax.random.normal(ks[10], (H, IN_DIM), dtype=jnp.float32) * (1.0 / np.sqrt(H))
    b_lin = jnp.zeros((IN_DIM,), dtype=jnp.float32)
    return {"t_list": t_list, "true_prob_s": true_prob_s, "true_prob_o": true_prob_o,
            "edge_index": edge_index, "edge_type": edge_type, "ent_embeds": ent_embeds,
            "w_rel": w_rel, "W_self": W_self, "W_ih": W_ih, "W_hh": W_hh,
            "b_ih": b_ih, "b_hh": b_hh, "W_lin": W_lin, "b_lin": b_lin}


def _forward(t_list, true_prob_o, edge_index, edge_type, ent_embeds, w_rel,
             W_self, W_ih, W_hh, b_ih, b_hh, W_lin, b_lin):
    # sort timestamps descending (as in torch: t_list.sort(0, descending=True))
    idx = jnp.argsort(-t_list)
    src = edge_index[0]
    dst = edge_index[1]
    es = E // SEQ_LEN
    x_self = ent_embeds @ W_self
    gs = []
    # RGCNAggregator_global: one relational message-passing layer per history
    # snapshot (edges partitioned into SEQ_LEN snapshots), then max-pool over
    # nodes (maxpool=1) to get a graph-level embedding per step.
    for s in range(SEQ_LEN):
        ss = jax.lax.dynamic_slice_in_dim(src, s * es, es)
        dd = jax.lax.dynamic_slice_in_dim(dst, s * es, es)
        rt = jax.lax.dynamic_slice_in_dim(edge_type, s * es, es)
        msg = jnp.take(ent_embeds, ss, axis=0) * jnp.take(w_rel, rt, axis=0)
        agg = jnp.zeros((IN_DIM, H), dtype=msg.dtype).at[dd].add(msg)
        deg = jnp.zeros((IN_DIM,), dtype=msg.dtype).at[dd].add(1.0)
        agg = agg / jnp.clip(deg, 1.0, None)[:, None]
        hn = jax.nn.relu(agg + x_self)
        gs.append(jnp.max(hn, axis=0))
    seq = jnp.stack(gs, axis=0)
    xseq = jnp.broadcast_to(seq[None, :, :], (t_list.shape[0], SEQ_LEN, H))
    h0 = jnp.zeros((t_list.shape[0], H), dtype=jnp.float32)

    def step(h, x):
        gi = x @ W_ih + b_ih
        gh = h @ W_hh + b_hh
        ir, iz, in_ = jnp.split(gi, 3, axis=-1)
        hr, hz, hn_ = jnp.split(gh, 3, axis=-1)
        r = jax.nn.sigmoid(ir + hr)
        z = jax.nn.sigmoid(iz + hz)
        n = jnp.tanh(in_ + r * hn_)
        h_new = (1.0 - z) * n + z * h
        return h_new, None

    s_q, _ = jax.lax.scan(step, h0, jnp.swapaxes(xseq, 0, 1))
    pred = s_q @ W_lin + b_lin  # linear_s
    target = jnp.take(true_prob_o, idx, axis=0)
    logp = jax.nn.log_softmax(pred, axis=-1)
    loss = -jnp.mean(jnp.sum(target * logp, axis=-1))  # soft_cross_entropy
    return loss


def reference(t_list, true_prob_s, true_prob_o, edge_index, edge_type, ent_embeds,
              w_rel, W_self, W_ih, W_hh, b_ih, b_hh, W_lin, b_lin):
    # subject=True branch: uses linear_s and true_prob_o
    return _forward(t_list, true_prob_o, edge_index, edge_type, ent_embeds, w_rel,
                    W_self, W_ih, W_hh, b_ih, b_hh, W_lin, b_lin)

if __name__ == "__main__":
    import jax
    _d = setup_inputs()
    print(jax.jit(kernel)(*tuple(_d.values())))

</pallas_src>

<mosaic_0001>
#map = affine_map<(d0, d1) -> (0)>
#map1 = affine_map<(d0, d1) -> (0, 0)>
#map2 = affine_map<(d0, d1) -> (0, 0, 0, 0)>
module attributes {stable_mosaic.version = 14 : i64} {
  func.func @body(%arg0: i32, %arg1: i32, %arg2: memref<819200xi32, #tpu.memory_space<hbm>>, %arg3: memref<819200xi32, #tpu.memory_space<hbm>>, %arg4: memref<819200xi32, #tpu.memory_space<hbm>>, %arg5: memref<51968x64xf32, #tpu.memory_space<hbm>>, %arg6: memref<16384xf32, #tpu.memory_space<hbm>>, %arg7: memref<51968x64xf32, #tpu.memory_space<hbm>>, %arg8: memref<2x16x10x64xf32, #tpu.memory_space<hbm>>, %arg9: memref<5120xi32, #tpu.memory_space<vmem>>, %arg10: memref<5120xi32, #tpu.memory_space<vmem>>, %arg11: memref<5120xi32, #tpu.memory_space<vmem>>, %arg12: memref<5200xi32, #tpu.memory_space<vmem>>, %arg13: memref<5200xi32, #tpu.memory_space<vmem>>, %arg14: memref<5200xi32, #tpu.memory_space<vmem>>, %arg15: memref<80x64xi32, #tpu.memory_space<vmem>>, %arg16: memref<16384xf32, #tpu.memory_space<vmem>>, %arg17: memref<128x64xf32, #tpu.memory_space<vmem>>, %arg18: memref<128x72xf32, #tpu.memory_space<vmem>>, %arg19: memref<112x72xf32, #tpu.memory_space<vmem>>, %arg20: memref<112x64xf32, #tpu.memory_space<vmem>>, %arg21: memref<1x64xf32, #tpu.memory_space<vmem>>, %arg22: memref<8968x72xf32, #tpu.memory_space<vmem_shared>>, %arg23: memref<!tpu.dma_semaphore, #tpu.memory_space<semaphore_mem>>, %arg24: memref<!tpu.dma_semaphore, #tpu.memory_space<semaphore_mem>>, %arg25: memref<!tpu.dma_semaphore, #tpu.memory_space<semaphore_mem>>, %arg26: memref<!tpu.dma_semaphore, #tpu.memory_space<semaphore_mem>>) attributes {dimension_semantics = [#tpu.dimension_semantics<core_parallel>, #tpu.dimension_semantics<subcore_parallel>], iteration_bounds = array<i64: 2, 16>, scalar_prefetch = 0 : i64, scratch_operands = 18 : i64, tpu.core_type = #tpu.core_type<sc_vector_subcore>, window_params = [{transform_indices = #map}, {transform_indices = #map}, {transform_indices = #map}, {transform_indices = #map1}, {transform_indices = #map}, {transform_indices = #map1}, {transform_indices = #map2}]} {
    "tpu.region"() ({
      %run_scoped3A = tpu.sem_alloc : memref<!tpu.dma_semaphore, #tpu.memory_space<semaphore_mem>>
      tpu.enqueue_dma source(%arg6 : memref<16384xf32, #tpu.memory_space<hbm>>) target(%arg16 : memref<16384xf32, #tpu.memory_space<vmem>>) target_semaphore(%run_scoped3A : memref<!tpu.dma_semaphore, #tpu.memory_space<semaphore_mem>>)
      tpu.wait_dma2 semaphore(%run_scoped3A : memref<!tpu.dma_semaphore, #tpu.memory_space<semaphore_mem>>) src(%arg6 : memref<16384xf32, #tpu.memory_space<hbm>>) dst(%arg16 : memref<16384xf32, #tpu.memory_space<vmem>>)
      tpu.yield
    }) : () -> ()
    %broadcast_in_dim3A = arith.constant 0.000000e+00 : f32
    %broadcast_in_dim3A_0 = vector.broadcast %broadcast_in_dim3A : f32 to vector<16xf32>
    %iota3A = tpu.iota {dimensions = array<i32: 0>} : vector<16xi32>
    %lt3A = arith.constant 8 : i32
    %lt3A_1 = vector.broadcast %lt3A : i32 to vector<16xi32>
    %lt3A_2 = arith.cmpi slt, %iota3A, %lt3A_1 : vector<16xi32>
    %jit3A = arith.constant 0.000000e+00 : f32
    %jit3A_3 = arith.constant 1.000000e+00 : f32
    %broadcast_in_dim3A_4 = vector.broadcast %jit3A : f32 to vector<16xf32>
    %broadcast_in_dim3A_5 = vector.broadcast %jit3A_3 : f32 to vector<16xf32>
    %select_n3A = arith.select %lt3A_2, %broadcast_in_dim3A_4, %broadcast_in_dim3A_5 : vector<16xi1>, vector<16xf32>
    %scan3A = arith.constant 0 : i32
    %scan3A_6 = arith.constant 0 : i32
    %scan3A_7 = arith.constant 128 : i32
    %scan3A_8 = arith.addi %scan3A_6, %scan3A_7 : i32
    %scan3A_9 = arith.constant 1 : i32
    %scan3A_10 = scf.for %scan3A_19 = %scan3A_6 to %scan3A_8 step %scan3A_9 iter_args(%scan3A_20 = %scan3A) -> (i32)  : i32 {
      %swap3A = arith.index_cast %scan3A_19 : i32 to index
      %swap3A_21 = arith.constant 56 : index
      %swap3A_22 = tpu.vector_load %arg18[%swap3A, %swap3A_21] {strides = array<i32>} : memref<128x72xf32, #tpu.memory_space<vmem>>, vector<16xf32>,
      tpu.vector_store %arg18[%swap3A, %swap3A_21], %select_n3A {strides = array<i32>} : memref<128x72xf32, #tpu.memory_space<vmem>>, vector<16xf32>,
      %scan3A_23 = arith.constant 0 : i32
      scf.yield %scan3A_23 : i32
    }
    %scan3A_11 = arith.constant 128 : i32
    %scan3A_12 = arith.constant 0 : i32
    %scan3A_13 = arith.constant 0 : i32
    %scan3A_14 = arith.constant 10 : i32
    %scan3A_15 = arith.addi %scan3A_13, %scan3A_14 : i32
    %scan3A_16 = arith.constant 1 : i32
    %scan3A_17 = scf.for %scan3A_19 = %scan3A_13 to %scan3A_15 step %scan3A_16 iter_args(%scan3A_20 = %scan3A_12) -> (i32)  : i32 {
      %mul3A = arith.constant 16 : i32
      %mul3A_21 = arith.muli %scan3A_19, %mul3A : i32
      %add3A = arith.addi %mul3A_21, %arg1 : i32
      %mul3A_22 = arith.constant 5120 : i32
      %mul3A_23 = arith.muli %add3A, %mul3A_22 : i32
      "tpu.region"() ({
        %run_scoped3A = tpu.sem_alloc : memref<!tpu.dma_semaphore, #tpu.memory_space<semaphore_mem>>
        %dma_start3A = tpu.memref_slice %arg2[%mul3A_23] : memref<819200xi32, #tpu.memory_space<hbm>> -> memref<5120xi32, #tpu.memory_space<hbm>>
        %dma_start3A_54 = tpu.memref_slice %arg2[%mul3A_23] : memref<819200xi32, #tpu.memory_space<hbm>> -> memref<5120xi32, #tpu.memory_space<hbm>>
        tpu.enqueue_dma source(%dma_start3A_54 : memref<5120xi32, #tpu.memory_space<hbm>>) target(%arg9 : memref<5120xi32, #tpu.memory_space<vmem>>) target_semaphore(%run_scoped3A : memref<!tpu.dma_semaphore, #tpu.memory_space<semaphore_mem>>)
        %dma_wait3A = tpu.memref_slice %arg2[%mul3A_23] : memref<819200xi32, #tpu.memory_space<hbm>> -> memref<5120xi32, #tpu.memory_space<hbm>>
        %dma_wait3A_55 = tpu.memref_slice %arg2[%mul3A_23] : memref<819200xi32, #tpu.memory_space<hbm>> -> memref<5120xi32, #tpu.memory_space<hbm>>
        tpu.wait_dma2 semaphore(%run_scoped3A : memref<!tpu.dma_semaphore, #tpu.memory_space<semaphore_mem>>) src(%dma_wait3A_55 : memref<5120xi32, #tpu.memory_space<hbm>>) dst(%arg9 : memref<5120xi32, #tpu.memory_space<vmem>>)
        tpu.yield
      }) : () -> ()
      "tpu.region"() ({
        %run_scoped3A = tpu.sem_alloc : memref<!tpu.dma_semaphore, #tpu.memory_space<semaphore_mem>>
        %dma_start3A = tpu.memref_slice %arg4[%mul3A_23] : memref<819200xi32, #tpu.memory_space<hbm>> -> memref<5120xi32, #tpu.memory_space<hbm>>
        %dma_start3A_54 = tpu.memref_slice %arg4[%mul3A_23] : memref<819200xi32, #tpu.memory_space<hbm>> -> memref<5120xi32, #tpu.memory_space<hbm>>
        tpu.enqueue_dma source(%dma_start3A_54 : memref<5120xi32, #tpu.memory_space<hbm>>) target(%arg10 : memref<5120xi32, #tpu.memory_space<vmem>>) target_semaphore(%run_scoped3A : memref<!tpu.dma_semaphore, #tpu.memory_space<semaphore_mem>>)
        %dma_wait3A = tpu.memref_slice %arg4[%mul3A_23] : memref<819200xi32, #tpu.memory_space<hbm>> -> memref<5120xi32, #tpu.memory_space<hbm>>
        %dma_wait3A_55 = tpu.memref_slice %arg4[%mul3A_23] : memref<819200xi32, #tpu.memory_space<hbm>> -> memref<5120xi32, #tpu.memory_space<hbm>>
        tpu.wait_dma2 semaphore(%run_scoped3A : memref<!tpu.dma_semaphore, #tpu.memory_space<semaphore_mem>>) src(%dma_wait3A_55 : memref<5120xi32, #tpu.memory_space<hbm>>) dst(%arg10 : memref<5120xi32, #tpu.memory_space<vmem>>)
        tpu.yield
      }) : () -> ()
      "tpu.region"() ({
        %run_scoped3A = tpu.sem_alloc : memref<!tpu.dma_semaphore, #tpu.memory_space<semaphore_mem>>
        %dma_start3A = tpu.memref_slice %arg3[%mul3A_23] : memref<819200xi32, #tpu.memory_space<hbm>> -> memref<5120xi32, #tpu.memory_space<hbm>>
        %dma_start3A_54 = tpu.memref_slice %arg3[%mul3A_23] : memref<819200xi32, #tpu.memory_space<hbm>> -> memref<5120xi32, #tpu.memory_space<hbm>>
        tpu.enqueue_dma source(%dma_start3A_54 : memref<5120xi32, #tpu.memory_space<hbm>>) target(%arg11 : memref<5120xi32, #tpu.memory_space<vmem>>) target_semaphore(%run_scoped3A : memref<!tpu.dma_semaphore, #tpu.memory_space<semaphore_mem>>)
        %dma_wait3A = tpu.memref_slice %arg3[%mul3A_23] : memref<819200xi32, #tpu.memory_space<hbm>> -> memref<5120xi32, #tpu.memory_space<hbm>>
        %dma_wait3A_55 = tpu.memref_slice %arg3[%mul3A_23] : memref<819200xi32, #tpu.memory_space<hbm>> -> memref<5120xi32, #tpu.memory_space<hbm>>
        tpu.wait_dma2 semaphore(%run_scoped3A : memref<!tpu.dma_semaphore, #tpu.memory_space<semaphore_mem>>) src(%dma_wait3A_55 : memref<5120xi32, #tpu.memory_space<hbm>>) dst(%arg11 : memref<5120xi32, #tpu.memory_space<vmem>>)
        tpu.yield
      }) : () -> ()
      %broadcast_in_dim3A_24 = arith.constant 0.000000e+00 : f32
      %broadcast_in_dim3A_25 = vector.broadcast %broadcast_in_dim3A_24 : f32 to vector<16xf32>
      %broadcast_in_dim3A_26 = arith.constant 0.000000e+00 : f32
      %broadcast_in_dim3A_27 = vector.broadcast %broadcast_in_dim3A_26 : f32 to vector<16xf32>
      %broadcast_in_dim3A_28 = arith.constant 0.000000e+00 : f32
      %broadcast_in_dim3A_29 = vector.broadcast %broadcast_in_dim3A_28 : f32 to vector<16xf32>
      %broadcast_in_dim3A_30 = arith.constant 0.000000e+00 : f32
      %broadcast_in_dim3A_31 = vector.broadcast %broadcast_in_dim3A_30 : f32 to vector<16xf32>
      %scan3A_32 = arith.constant 0 : i32
      %scan3A_33 = arith.constant 3 : i32
      %scan3A_34 = arith.addi %scan3A_32, %scan3A_33 : i32
      %scan3A_35 = arith.constant 1 : i32
      %scan3A_36:4 = scf.for %scan3A_54 = %scan3A_32 to %scan3A_34 step %scan3A_35 iter_args(%scan3A_55 = %broadcast_in_dim3A_25, %scan3A_56 = %broadcast_in_dim3A_27, %scan3A_57 = %broadcast_in_dim3A_29, %scan3A_58 = %broadcast_in_dim3A_31) -> (vector<16xf32>, vector<16xf32>, vector<16xf32>, vector<16xf32>)  : i32 {
        %mul3A_59 = arith.constant 25000 : i32
        %mul3A_60 = arith.muli %arg0, %mul3A_59 : i32
        %mul3A_61 = arith.constant 8960 : i32
        %mul3A_62 = arith.muli %scan3A_54, %mul3A_61 : i32
        %add3A_63 = arith.addi %mul3A_60, %mul3A_62 : i32
        %add3A_64 = arith.constant 8960 : i32
        %add3A_65 = arith.addi %add3A_63, %add3A_64 : i32
        %min3A = arith.constant 50000 : i32
        %min3A_66 = arith.minsi %add3A_65, %min3A : i32
        %scan3A_67 = arith.constant 0 : i32
        %scan3A_68 = arith.constant 0 : i32
        %scan3A_69 = arith.constant 56 : i32
        %scan3A_70 = arith.addi %scan3A_68, %scan3A_69 : i32
        %scan3A_71 = arith.constant 1 : i32
        %scan3A_72 = scf.for %scan3A_282 = %scan3A_68 to %scan3A_70 step %scan3A_71 iter_args(%scan3A_283 = %scan3A_67) -> (i32)  : i32 {
          %swap3A_284 = arith.index_cast %scan3A_282 : i32 to index
          %swap3A_285 = arith.constant 0 : index
          %swap3A_286 = tpu.vector_load %arg18[%swap3A_284, %swap3A_285] {strides = array<i32>} : memref<128x72xf32, #tpu.memory_space<vmem>>, vector<16xf32>,
          tpu.vector_store %arg18[%swap3A_284, %swap3A_285], %broadcast_in_dim3A_0 {strides = array<i32>} : memref<128x72xf32, #tpu.memory_space<vmem>>, vector<16xf32>,
          %swap3A_287 = arith.index_cast %scan3A_282 : i32 to index
          %swap3A_288 = arith.constant 16 : index
          %swap3A_289 = tpu.vector_load %arg18[%swap3A_287, %swap3A_288] {strides = array<i32>} : memref<128x72xf32, #tpu.memory_space<vmem>>, vector<16xf32>,
          tpu.vector_store %arg18[%swap3A_287, %swap3A_288], %broadcast_in_dim3A_0 {strides = array<i32>} : memref<128x72xf32, #tpu.memory_space<vmem>>, vector<16xf32>,
          %swap3A_290 = arith.index_cast %scan3A_282 : i32 to index
          %swap3A_291 = arith.constant 32 : index
          %swap3A_292 = tpu.vector_load %arg18[%swap3A_290, %swap3A_291] {strides = array<i32>} : memref<128x72xf32, #tpu.memory_space<vmem>>, vector<16xf32>,
          tpu.vector_store %arg18[%swap3A_290, %swap3A_291], %broadcast_in_dim3A_0 {strides = array<i32>} : memref<128x72xf32, #tpu.memory_space<vmem>>, vector<16xf32>,
          %swap3A_293 = arith.index_cast %scan3A_282 : i32 to index
          %swap3A_294 = arith.constant 48 : index
          %swap3A_295 = tpu.vector_load %arg18[%swap3A_293, %swap3A_294] {strides = array<i32>} : memref<128x72xf32, #tpu.memory_space<vmem>>, vector<16xf32>,
          tpu.vector_store %arg18[%swap3A_293, %swap3A_294], %broadcast_in_dim3A_0 {strides = array<i32>} : memref<128x72xf32, #tpu.memory_space<vmem>>, vector<16xf32>,
          %swap3A_296 = arith.index_cast %scan3A_282 : i32 to index
          %swap3A_297 = arith.constant 56 : index
          %swap3A_298 = tpu.vector_load %arg18[%swap3A_296, %swap3A_297] {strides = array<i32>} : memref<128x72xf32, #tpu.memory_space<vmem>>, vector<16xf32>,
          tpu.vector_store %arg18[%swap3A_296, %swap3A_297], %broadcast_in_dim3A_0 {strides = array<i32>} : memref<128x72xf32, #tpu.memory_space<vmem>>, vector<16xf32>,
          %scan3A_299 = arith.constant 0 : i32
          scf.yield %scan3A_299 : i32
        }
        %scan3A_73 = arith.constant 56 : i32
        %scan3A_74 = arith.constant 0 : i32
        %scan3A_75 = arith.constant 0 : i32
        %scan3A_76 = arith.constant 10 : i32
        %scan3A_77 = arith.addi %scan3A_75, %scan3A_76 : i32
        %scan3A_78 = arith.constant 1 : i32
        %scan3A_79 = scf.for %scan3A_282 = %scan3A_75 to %scan3A_77 step %scan3A_78 iter_args(%scan3A_283 = %scan3A_74) -> (i32)  : i32 {
          %mul3A_284 = arith.constant 560 : i32
          %mul3A_285 = arith.muli %arg1, %mul3A_284 : i32
          %mul3A_286 = arith.constant 56 : i32
          %mul3A_287 = arith.muli %scan3A_282, %mul3A_286 : i32
          %add3A_288 = arith.addi %mul3A_285, %mul3A_287 : i32
          %dma_start3A_289 = arith.constant 0 : i32
          %dma_start3A_290 = arith.constant 0 : i32
          %dma_start3A_291 = tpu.memref_slice %arg18[%dma_start3A_289, %dma_start3A_290] : memref<128x72xf32, #tpu.memory_space<vmem>> -> memref<56x72xf32, #tpu.memory_space<vmem>>
          %dma_start3A_292 = arith.constant 0 : i32
          %dma_start3A_293 = tpu.memref_slice %arg22[%add3A_288, %dma_start3A_292] : memref<8968x72xf32, #tpu.memory_space<vmem_shared>> -> memref<56x72xf32, #tpu.memory_space<vmem_shared>>
          %dma_start3A_294 = arith.constant 0 : i32
          %dma_start3A_295 = tpu.memref_slice %arg22[%add3A_288, %dma_start3A_294] : memref<8968x72xf32, #tpu.memory_space<vmem_shared>> -> memref<56x72xf32, #tpu.memory_space<vmem_shared>>
          %dma_start3A_296 = arith.constant 0 : i32
          %dma_start3A_297 = arith.constant 0 : i32
          %dma_start3A_298 = tpu.memref_slice %arg18[%dma_start3A_296, %dma_start3A_297] : memref<128x72xf32, #tpu.memory_space<vmem>> -> memref<56x72xf32, #tpu.memory_space<vmem>>
          tpu.enqueue_dma source(%dma_start3A_298 : memref<56x72xf32, #tpu.memory_space<vmem>>) target(%dma_start3A_295 : memref<56x72xf32, #tpu.memory_space<vmem_shared>>) target_semaphore(%arg25 : memref<!tpu.dma_semaphore, #tpu.memory_space<semaphore_mem>>)
          %scan3A_299 = arith.constant 0 : i32
          scf.yield %scan3A_299 : i32
        }
        %scan3A_80 = arith.constant 10 : i32
        %broadcast_in_dim3A_81 = arith.constant 8960 : i32
        %broadcast_in_dim3A_82 = vector.broadcast %broadcast_in_dim3A_81 : i32 to vector<16xi32>
        %broadcast_in_dim3A_83 = arith.constant 0 : i32
        %broadcast_in_dim3A_84 = vector.broadcast %broadcast_in_dim3A_83 : i32 to vector<16xi32>
        %scan3A_85 = arith.constant 0 : i32
        %scan3A_86 = arith.constant 0 : i32
        %scan3A_87 = arith.constant 320 : i32
        %scan3A_88 = arith.addi %scan3A_86, %scan3A_87 : i32
        %scan3A_89 = arith.constant 1 : i32
        %scan3A_90 = scf.for %scan3A_282 = %scan3A_86 to %scan3A_88 step %scan3A_89 iter_args(%scan3A_283 = %scan3A_85) -> (i32)  : i32 {
          %mul3A_284 = arith.constant 16 : i32
          %mul3A_285 = arith.muli %scan3A_282, %mul3A_284 : i32
          %get3A = arith.index_cast %mul3A_285 : i32 to index
          %get3A_286 = tpu.vector_load %arg11[%get3A] {strides = array<i32>} : memref<5120xi32, #tpu.memory_space<vmem>>, vector<16xi32>,
          %ge3A_287 = vector.broadcast %add3A_63 : i32 to vector<16xi32>
          %ge3A_288 = arith.cmpi sge, %get3A_286, %ge3A_287 : vector<16xi32>
          %lt3A_289 = vector.broadcast %min3A_66 : i32 to vector<16xi32>
          %lt3A_290 = arith.cmpi slt, %get3A_286, %lt3A_289 : vector<16xi32>
          %and3A_291 = arith.andi %ge3A_288, %lt3A_290 : vector<16xi1>
          %jit3A_292 = arith.constant 0 : i32
          %jit3A_293 = arith.constant 1 : i32
          %broadcast_in_dim3A_294 = vector.broadcast %jit3A_292 : i32 to vector<16xi32>
          %broadcast_in_dim3A_295 = vector.broadcast %jit3A_293 : i32 to vector<16xi32>
          %select_n3A_296 = arith.select %and3A_291, %broadcast_in_dim3A_294, %broadcast_in_dim3A_295 : vector<16xi1>, vector<16xi32>
          %sub3A_297 = vector.broadcast %add3A_63 : i32 to vector<16xi32>
          %sub3A_298 = arith.subi %get3A_286, %sub3A_297 : vector<16xi32>
          %jit3A_299 = arith.constant 8960 : i32
          %broadcast_in_dim3A_300 = vector.broadcast %jit3A_299 : i32 to vector<16xi32>
          %select_n3A_301 = arith.select %and3A_291, %sub3A_298, %broadcast_in_dim3A_300 : vector<16xi1>, vector<16xi32>
          %iota3A_302 = tpu.iota {dimensions = array<i32: 0>} : vector<16xi32>
          %masked_sort3A = arith.constant dense<true> : vector<16xi1>
          %masked_sort3A_303 = arith.constant -2147483648 : i32
          %masked_sort3A_304 = vector.broadcast %masked_sort3A_303 : i32 to vector<16xi32>
          %masked_sort3A_305 = arith.xori %select_n3A_296, %masked_sort3A_304 : vector<16xi32>
          %masked_sort3A_306, %masked_sort3A_307, %masked_sort3A_308 = tpu.sort %masked_sort3A_305, %iota3A_302 masked %masked_sort3A : (vector<16xi32>, vector<16xi32>, vector<16xi1>) -> (vector<16xi1>, vector<16xi32>, vector<16xi32>)
          %masked_sort3A_309 = arith.xori %masked_sort3A_307, %masked_sort3A_304 : vector<16xi32>
          %mul3A_310 = arith.constant 16 : i32
          %mul3A_311 = arith.muli %scan3A_282, %mul3A_310 : i32
          %get3A_312 = arith.index_cast %mul3A_311 : i32 to index
          %get3A_313 = tpu.vector_load %arg9[%get3A_312] {strides = array<i32>} : memref<5120xi32, #tpu.memory_space<vmem>>, vector<16xi32>,
          %broadcast_in_dim3A_314 = vector.shape_cast %masked_sort3A_308 : vector<16xi32> to vector<16x1xi32>
          %gather3A = vector.shape_cast %broadcast_in_dim3A_314 : vector<16x1xi32> to vector<16xi32>
          %gather3A_315 = tpu.dynamic_gather %get3A_313[%gather3A] in [0] : vector<16xi32>, vector<16xi32> -> vector<16xi32>
          %mul3A_316 = arith.constant 16 : i32
          %mul3A_317 = arith.muli %scan3A_282, %mul3A_316 : i32
          %get3A_318 = arith.index_cast %mul3A_317 : i32 to index
          %get3A_319 = tpu.vector_load %arg10[%get3A_318] {strides = array<i32>} : memref<5120xi32, #tpu.memory_space<vmem>>, vector<16xi32>,
          %broadcast_in_dim3A_320 = vector.shape_cast %masked_sort3A_308 : vector<16xi32> to vector<16x1xi32>
          %gather3A_321 = vector.shape_cast %broadcast_in_dim3A_320 : vector<16x1xi32> to vector<16xi32>
          %gather3A_322 = tpu.dynamic_gather %get3A_319[%gather3A_321] in [0] : vector<16xi32>, vector<16xi32> -> vector<16xi32>
          %broadcast_in_dim3A_323 = vector.shape_cast %masked_sort3A_308 : vector<16xi32> to vector<16x1xi32>
          %gather3A_324 = vector.shape_cast %broadcast_in_dim3A_323 : vector<16x1xi32> to vector<16xi32>
          %gather3A_325 = tpu.dynamic_gather %select_n3A_301[%gather3A_324] in [0] : vector<16xi32>, vector<16xi32> -> vector<16xi32>
          %swap3A_326 = arith.index_cast %scan3A_283 : i32 to index
          %swap3A_327 = tpu.vector_load %arg12[%swap3A_326] {strides = array<i32>} : memref<5200xi32, #tpu.memory_space<vmem>>, vector<16xi32>,
          tpu.vector_store %arg12[%swap3A_326], %gather3A_315 {strides = array<i32>} : memref<5200xi32, #tpu.memory_space<vmem>>, vector<16xi32>,
          %swap3A_328 = arith.index_cast %scan3A_283 : i32 to index
          %swap3A_329 = tpu.vector_load %arg13[%swap3A_328] {strides = array<i32>} : memref<5200xi32, #tpu.memory_space<vmem>>, vector<16xi32>,
          tpu.vector_store %arg13[%swap3A_328], %gather3A_322 {strides = array<i32>} : memref<5200xi32, #tpu.memory_space<vmem>>, vector<16xi32>,
          %swap3A_330 = arith.index_cast %scan3A_283 : i32 to index
          %swap3A_331 = tpu.vector_load %arg14[%swap3A_330] {strides = array<i32>} : memref<5200xi32, #tpu.memory_space<vmem>>, vector<16xi32>,
          tpu.vector_store %arg14[%swap3A_330], %gather3A_325 {strides = array<i32>} : memref<5200xi32, #tpu.memory_space<vmem>>, vector<16xi32>,
          %all_reduce_population_count3A = tpu.all_reduce %and3A_291 {dim = 0 : i64, kind = #tpu.reduction_kind<sum>} : vector<16xi1> -> vector<16xi32>
          %slice3A = vector.extract_strided_slice %all_reduce_population_count3A {offsets = [0], sizes = [1], strides = [1]} : vector<16xi32> to vector<1xi32>
          %squeeze3A = vector.extract %slice3A[0] : i32 from vector<1xi32>
          %add3A_332 = arith.addi %scan3A_283, %squeeze3A : i32
          scf.yield %add3A_332 : i32
        }
        %scan3A_91 = arith.constant 320 : i32
        %scan3A_92 = arith.constant 0 : i32
        %scan3A_93 = arith.constant 0 : i32
        %scan3A_94 = arith.constant 10 : i32
        %scan3A_95 = arith.addi %scan3A_93, %scan3A_94 : i32
        %scan3A_96 = arith.constant 1 : i32
        %scan3A_97 = scf.for %scan3A_282 = %scan3A_93 to %scan3A_95 step %scan3A_96 iter_args(%scan3A_283 = %scan3A_92) -> (i32)  : i32 {
          %mul3A_284 = arith.constant 560 : i32
          %mul3A_285 = arith.muli %arg1, %mul3A_284 : i32
          %dma_wait3A = arith.constant 0 : i32
          %dma_wait3A_286 = arith.constant 0 : i32
          %dma_wait3A_287 = tpu.memref_slice %arg18[%dma_wait3A, %dma_wait3A_286] : memref<128x72xf32, #tpu.memory_space<vmem>> -> memref<56x72xf32, #tpu.memory_space<vmem>>
          %dma_wait3A_288 = arith.constant 0 : i32
          %dma_wait3A_289 = tpu.memref_slice %arg22[%mul3A_285, %dma_wait3A_288] : memref<8968x72xf32, #tpu.memory_space<vmem_shared>> -> memref<56x72xf32, #tpu.memory_space<vmem_shared>>
          %dma_wait3A_290 = arith.constant 0 : i32
          %dma_wait3A_291 = tpu.memref_slice %arg22[%mul3A_285, %dma_wait3A_290] : memref<8968x72xf32, #tpu.memory_space<vmem_shared>> -> memref<56x72xf32, #tpu.memory_space<vmem_shared>>
          %dma_wait3A_292 = arith.constant 0 : i32
          %dma_wait3A_293 = arith.constant 0 : i32
          %dma_wait3A_294 = tpu.memref_slice %arg18[%dma_wait3A_292, %dma_wait3A_293] : memref<128x72xf32, #tpu.memory_space<vmem>> -> memref<56x72xf32, #tpu.memory_space<vmem>>
          tpu.wait_dma2 semaphore(%arg25 : memref<!tpu.dma_semaphore, #tpu.memory_space<semaphore_mem>>) src(%dma_wait3A_294 : memref<56x72xf32, #tpu.memory_space<vmem>>) dst(%dma_wait3A_291 : memref<56x72xf32, #tpu.memory_space<vmem_shared>>)
          %scan3A_295 = arith.constant 0 : i32
          scf.yield %scan3A_295 : i32
        }
        %scan3A_98 = arith.constant 10 : i32
        %scan3A_99 = arith.constant 0 : i32
        %scan3A_100 = arith.constant 0 : i32
        %scan3A_101 = arith.constant 56 : i32
        %scan3A_102 = arith.addi %scan3A_100, %scan3A_101 : i32
        %scan3A_103 = arith.constant 1 : i32
        %scan3A_104 = scf.for %scan3A_282 = %scan3A_100 to %scan3A_102 step %scan3A_103 iter_args(%scan3A_283 = %scan3A_99) -> (i32)  : i32 {
          %swap3A_284 = arith.index_cast %scan3A_282 : i32 to index
          %swap3A_285 = arith.constant 56 : index
          %swap3A_286 = tpu.vector_load %arg18[%swap3A_284, %swap3A_285] {strides = array<i32>} : memref<128x72xf32, #tpu.memory_space<vmem>>, vector<16xf32>,
          tpu.vector_store %arg18[%swap3A_284, %swap3A_285], %select_n3A {strides = array<i32>} : memref<128x72xf32, #tpu.memory_space<vmem>>, vector<16xf32>,
          %scan3A_287 = arith.constant 0 : i32
          scf.yield %scan3A_287 : i32
        }
        %scan3A_105 = arith.constant 56 : i32
        %scan3A_106 = arith.constant 0 : i32
        %scan3A_107 = arith.constant 0 : i32
        %scan3A_108 = arith.constant 4 : i32
        %scan3A_109 = arith.addi %scan3A_107, %scan3A_108 : i32
        %scan3A_110 = arith.constant 1 : i32
        %scan3A_111 = scf.for %scan3A_282 = %scan3A_107 to %scan3A_109 step %scan3A_110 iter_args(%scan3A_283 = %scan3A_106) -> (i32)  : i32 {
          %mul3A_284 = arith.constant 16 : i32
          %mul3A_285 = arith.muli %scan3A_282, %mul3A_284 : i32
          %add3A_286 = arith.addi %scan3A_90, %mul3A_285 : i32
          %swap3A_287 = arith.index_cast %add3A_286 : i32 to index
          %swap3A_288 = tpu.vector_load %arg12[%swap3A_287] {strides = array<i32>} : memref<5200xi32, #tpu.memory_space<vmem>>, vector<16xi32>,
          tpu.vector_store %arg12[%swap3A_287], %broadcast_in_dim3A_84 {strides = array<i32>} : memref<5200xi32, #tpu.memory_space<vmem>>, vector<16xi32>,
          %mul3A_289 = arith.constant 16 : i32
          %mul3A_290 = arith.muli %scan3A_282, %mul3A_289 : i32
          %add3A_291 = arith.addi %scan3A_90, %mul3A_290 : i32
          %swap3A_292 = arith.index_cast %add3A_291 : i32 to index
          %swap3A_293 = tpu.vector_load %arg13[%swap3A_292] {strides = array<i32>} : memref<5200xi32, #tpu.memory_space<vmem>>, vector<16xi32>,
          tpu.vector_store %arg13[%swap3A_292], %broadcast_in_dim3A_84 {strides = array<i32>} : memref<5200xi32, #tpu.memory_space<vmem>>, vector<16xi32>,
          %mul3A_294 = arith.constant 16 : i32
          %mul3A_295 = arith.muli %scan3A_282, %mul3A_294 : i32
          %add3A_296 = arith.addi %scan3A_90, %mul3A_295 : i32
          %swap3A_297 = arith.index_cast %add3A_296 : i32 to index
          %swap3A_298 = tpu.vector_load %arg14[%swap3A_297] {strides = array<i32>} : memref<5200xi32, #tpu.memory_space<vmem>>, vector<16xi32>,
          tpu.vector_store %arg14[%swap3A_297], %broadcast_in_dim3A_82 {strides = array<i32>} : memref<5200xi32, #tpu.memory_space<vmem>>, vector<16xi32>,
          %scan3A_299 = arith.constant 0 : i32
          scf.yield %scan3A_299 : i32
        }
        %scan3A_112 = arith.constant 4 : i32
        %barrier3A = arith.constant 0 : index
        tpu.barrier barrier_id(%barrier3A)
        %add3A_113 = arith.constant 64 : i32
        %add3A_114 = arith.addi %scan3A_90, %add3A_113 : i32
        %sub3A = arith.constant 1 : i32
        %sub3A_115 = arith.subi %add3A_114, %sub3A : i32
        %jit3A_116 = arith.constant 64 : i32
        %div3A = arith.divsi %sub3A_115, %jit3A_116 : i32
        %sign3A = arith.constant 0 : i32
        %sign3A_117 = arith.cmpi sgt, %sub3A_115, %sign3A : i32
        %sign3A_118 = arith.extui %sign3A_117 : i1 to i32
        %sign3A_119 = arith.constant 0 : i32
        %sign3A_120 = arith.cmpi slt, %sub3A_115, %sign3A_119 : i32
        %sign3A_121 = arith.extui %sign3A_120 : i1 to i32
        %sign3A_122 = arith.subi %sign3A_118, %sign3A_121 : i32
        %sign3A_123 = arith.constant 0 : i32
        %sign3A_124 = arith.cmpi sgt, %jit3A_116, %sign3A_123 : i32
        %sign3A_125 = arith.extui %sign3A_124 : i1 to i32
        %sign3A_126 = arith.constant 0 : i32
        %sign3A_127 = arith.cmpi slt, %jit3A_116, %sign3A_126 : i32
        %sign3A_128 = arith.extui %sign3A_127 : i1 to i32
        %sign3A_129 = arith.subi %sign3A_125, %sign3A_128 : i32
        %ne3A = arith.cmpi ne, %sign3A_122, %sign3A_129 : i32
        %rem3A = arith.remsi %sub3A_115, %jit3A_116 : i32
        %ne3A_130 = arith.constant 0 : i32
        %ne3A_131 = arith.cmpi ne, %rem3A, %ne3A_130 : i32
        %and3A = arith.andi %ne3A, %ne3A_131 : i1
        %sub3A_132 = arith.constant 1 : i32
        %sub3A_133 = arith.subi %div3A, %sub3A_132 : i32
        %select_n3A_134 = arith.select %and3A, %sub3A_133, %div3A : i32
        %gt3A = arith.constant 0 : i32
        %gt3A_135 = arith.cmpi sgt, %select_n3A_134, %gt3A : i32
        %and3A_136 = arith.constant true
        %and3A_137 = arith.andi %gt3A_135, %and3A_136 : i1
        %convert_element_type3A = arith.extui %and3A_137 : i1 to i32
        %cond3A = arith.constant 0 : i32
        %cond3A_138 = arith.cmpi ne, %convert_element_type3A, %cond3A : i32
        scf.if %cond3A_138 {
          %dma_start3A_282 = arith.constant 0 : i32
          %dma_start3A_283 = arith.constant 0 : i32
          %dma_start3A_284 = tpu.memref_slice %arg17[%dma_start3A_282, %dma_start3A_283] : memref<128x64xf32, #tpu.memory_space<vmem>> -> memref<64x64xf32, #tpu.memory_space<vmem>>
          %dma_start3A_285 = arith.constant 0 : i32
          %dma_start3A_286 = tpu.memref_slice %arg12[%dma_start3A_285] : memref<5200xi32, #tpu.memory_space<vmem>> -> memref<64xi32, #tpu.memory_space<vmem>>
          %dma_start3A_287 = arith.constant 0 : i32
          %dma_start3A_288 = arith.constant 0 : i32
          %dma_start3A_289 = tpu.memref_slice %arg5[%dma_start3A_287, %dma_start3A_288] : memref<51968x64xf32, #tpu.memory_space<hbm>> -> memref<51968x64xf32, #tpu.memory_space<hbm>>
          tpu.enqueue_indirect_dma source(%dma_start3A_289 : memref<51968x64xf32, #tpu.memory_space<hbm>>) target(%dma_start3A_284 : memref<64x64xf32, #tpu.memory_space<vmem>>) offsets(%dma_start3A_286 : memref<64xi32, #tpu.memory_space<vmem>>) semaphore(%arg23 : memref<!tpu.dma_semaphore, #tpu.memory_space<semaphore_mem>>)
        } else {
        }
        %gt3A_139 = arith.constant 0 : i32
        %gt3A_140 = arith.cmpi sgt, %select_n3A_134, %gt3A_139 : i32
        %and3A_141 = arith.constant false
        %and3A_142 = arith.andi %gt3A_140, %and3A_141 : i1
        %convert_element_type3A_143 = arith.extui %and3A_142 : i1 to i32
        %cond3A_144 = arith.constant 0 : i32
        %cond3A_145 = arith.cmpi ne, %convert_element_type3A_143, %cond3A_144 : i32
        scf.if %cond3A_145 {
          %dma_start3A_282 = arith.constant 64 : i32
          %dma_start3A_283 = arith.constant 0 : i32
          %dma_start3A_284 = tpu.memref_slice %arg17[%dma_start3A_282, %dma_start3A_283] : memref<128x64xf32, #tpu.memory_space<vmem>> -> memref<64x64xf32, #tpu.memory_space<vmem>>
          %dma_start3A_285 = arith.constant 0 : i32
          %dma_start3A_286 = tpu.memref_slice %arg12[%dma_start3A_285] : memref<5200xi32, #tpu.memory_space<vmem>> -> memref<64xi32, #tpu.memory_space<vmem>>
          %dma_start3A_287 = arith.constant 0 : i32
          %dma_start3A_288 = arith.constant 0 : i32
          %dma_start3A_289 = tpu.memref_slice %arg5[%dma_start3A_287, %dma_start3A_288] : memref<51968x64xf32, #tpu.memory_space<hbm>> -> memref<51968x64xf32, #tpu.memory_space<hbm>>
          tpu.enqueue_indirect_dma source(%dma_start3A_289 : memref<51968x64xf32, #tpu.memory_space<hbm>>) target(%dma_start3A_284 : memref<64x64xf32, #tpu.memory_space<vmem>>) offsets(%dma_start3A_286 : memref<64xi32, #tpu.memory_space<vmem>>) semaphore(%arg24 : memref<!tpu.dma_semaphore, #tpu.memory_space<semaphore_mem>>)
        } else {
        }
        %scan3A_146 = arith.constant 0 : i32
        %scan3A_147 = arith.constant 0 : i32
        %scan3A_148 = arith.constant 80 : i32
        %scan3A_149 = arith.addi %scan3A_147, %scan3A_148 : i32
        %scan3A_150 = arith.constant 1 : i32
        %scan3A_151 = scf.for %scan3A_282 = %scan3A_147 to %scan3A_149 step %scan3A_150 iter_args(%scan3A_283 = %scan3A_146) -> (i32)  : i32 {
          %lt3A_284 = arith.cmpi slt, %scan3A_282, %select_n3A_134 : i32
          %convert_element_type3A_285 = arith.extui %lt3A_284 : i1 to i32
          %cond3A_286 = arith.constant 0 : i32
          %cond3A_287 = arith.cmpi ne, %convert_element_type3A_285, %cond3A_286 : i32
          scf.if %cond3A_287 {
            %scan3A_289 = arith.constant 0 : i32
            %scan3A_290 = arith.constant 0 : i32
            %scan3A_291 = arith.constant 4 : i32
            %scan3A_292 = arith.addi %scan3A_290, %scan3A_291 : i32
            %scan3A_293 = arith.constant 1 : i32
            %scan3A_294 = scf.for %scan3A_503 = %scan3A_290 to %scan3A_292 step %scan3A_293 iter_args(%scan3A_504 = %scan3A_289) -> (i32)  : i32 {
              %mul3A_505 = arith.constant 64 : i32
              %mul3A_506 = arith.muli %scan3A_282, %mul3A_505 : i32
              %mul3A_507 = arith.constant 16 : i32
              %mul3A_508 = arith.muli %scan3A_503, %mul3A_507 : i32
              %add3A_509 = arith.addi %mul3A_506, %mul3A_508 : i32
              %get3A = arith.index_cast %add3A_509 : i32 to index
              %get3A_510 = tpu.vector_load %arg14[%get3A] {strides = array<i32>} : memref<5200xi32, #tpu.memory_space<vmem>>, vector<16xi32>,
              %mul3A_511 = arith.constant 16 : i32
              %mul3A_512 = arith.muli %scan3A_503, %mul3A_511 : i32
              %swap3A_513 = arith.index_cast %scan3A_282 : i32 to index
              %swap3A_514 = arith.index_cast %mul3A_512 : i32 to index
              %swap3A_515 = tpu.vector_load %arg15[%swap3A_513, %swap3A_514] {strides = array<i32>} : memref<80x64xi32, #tpu.memory_space<vmem>>, vector<16xi32>,
              tpu.vector_store %arg15[%swap3A_513, %swap3A_514], %get3A_510 {strides = array<i32>} : memref<80x64xi32, #tpu.memory_space<vmem>>, vector<16xi32>,
              %scan3A_516 = arith.constant 0 : i32
              scf.yield %scan3A_516 : i32
            }
            %scan3A_295 = arith.constant 4 : i32
            %jit3A_296 = arith.constant 2 : i32
            %eq3A_297 = arith.constant 0 : i32
            %eq3A_298 = arith.cmpi eq, %jit3A_296, %eq3A_297 : i32
            %jit3A_299 = arith.constant 1 : i32
            %select_n3A_300 = arith.select %eq3A_298, %jit3A_299, %jit3A_296 : i32
            %rem3A_301 = arith.remsi %scan3A_282, %select_n3A_300 : i32
            %ne3A_302 = arith.constant 0 : i32
            %ne3A_303 = arith.cmpi ne, %rem3A_301, %ne3A_302 : i32
            %lt3A_304 = arith.constant 0 : i32
            %lt3A_305 = arith.cmpi slt, %rem3A_301, %lt3A_304 : i32
            %lt3A_306 = arith.constant 0 : i32
            %lt3A_307 = arith.cmpi slt, %select_n3A_300, %lt3A_306 : i32
            %ne3A_308 = arith.xori %lt3A_305, %lt3A_307 : i1
            %and3A_309 = arith.andi %ne3A_308, %ne3A_303 : i1
            %add3A_310 = arith.addi %rem3A_301, %select_n3A_300 : i32
            %select_n3A_311 = arith.select %and3A_309, %add3A_310, %rem3A_301 : i32
            %eq3A_312 = arith.constant 0 : i32
            %eq3A_313 = arith.cmpi eq, %select_n3A_311, %eq3A_312 : i32
            %convert_element_type3A_314 = arith.extui %eq3A_313 : i1 to i32
            %cond3A_315 = arith.constant 0 : i32
            %cond3A_316 = arith.cmpi ne, %convert_element_type3A_314, %cond3A_315 : i32
            scf.if %cond3A_316 {
              %mul3A_503 = arith.constant 64 : i32
              %mul3A_504 = arith.muli %scan3A_282, %mul3A_503 : i32
              %dma_wait3A = arith.constant 0 : i32
              %dma_wait3A_505 = arith.constant 0 : i32
              %dma_wait3A_506 = tpu.memref_slice %arg17[%dma_wait3A, %dma_wait3A_505] : memref<128x64xf32, #tpu.memory_space<vmem>> -> memref<64x64xf32, #tpu.memory_space<vmem>>
              %dma_wait3A_507 = tpu.memref_slice %arg12[%mul3A_504] : memref<5200xi32, #tpu.memory_space<vmem>> -> memref<64xi32, #tpu.memory_space<vmem>>
              %dma_wait3A_508 = arith.constant 0 : i32
              %dma_wait3A_509 = arith.constant 0 : i32
              %dma_wait3A_510 = tpu.memref_slice %arg5[%dma_wait3A_508, %dma_wait3A_509] : memref<51968x64xf32, #tpu.memory_space<hbm>> -> memref<51968x64xf32, #tpu.memory_space<hbm>>
              tpu.wait_indirect_dma semaphore(%arg23 : memref<!tpu.dma_semaphore, #tpu.memory_space<semaphore_mem>>) src(%dma_wait3A_510 : memref<51968x64xf32, #tpu.memory_space<hbm>>) dst(%dma_wait3A_506 : memref<64x64xf32, #tpu.memory_space<vmem>>)
            } else {
            }
            %jit3A_317 = arith.constant 2 : i32
            %eq3A_318 = arith.constant 0 : i32
            %eq3A_319 = arith.cmpi eq, %jit3A_317, %eq3A_318 : i32
            %jit3A_320 = arith.constant 1 : i32
            %select_n3A_321 = arith.select %eq3A_319, %jit3A_320, %jit3A_317 : i32
            %rem3A_322 = arith.remsi %scan3A_282, %select_n3A_321 : i32
            %ne3A_323 = arith.constant 0 : i32
            %ne3A_324 = arith.cmpi ne, %rem3A_322, %ne3A_323 : i32
            %lt3A_325 = arith.constant 0 : i32
            %lt3A_326 = arith.cmpi slt, %rem3A_322, %lt3A_325 : i32
            %lt3A_327 = arith.constant 0 : i32
            %lt3A_328 = arith.cmpi slt, %select_n3A_321, %lt3A_327 : i32
            %ne3A_329 = arith.xori %lt3A_326, %lt3A_328 : i1
            %and3A_330 = arith.andi %ne3A_329, %ne3A_324 : i1
            %add3A_331 = arith.addi %rem3A_322, %select_n3A_321 : i32
            %select_n3A_332 = arith.select %and3A_330, %add3A_331, %rem3A_322 : i32
            %eq3A_333 = arith.constant 1 : i32
            %eq3A_334 = arith.cmpi eq, %select_n3A_332, %eq3A_333 : i32
            %convert_element_type3A_335 = arith.extui %eq3A_334 : i1 to i32
            %cond3A_336 = arith.constant 0 : i32
            %cond3A_337 = arith.cmpi ne, %convert_element_type3A_335, %cond3A_336 : i32
            scf.if %cond3A_337 {
              %mul3A_503 = arith.constant 64 : i32
              %mul3A_504 = arith.muli %scan3A_282, %mul3A_503 : i32
              %dma_wait3A = arith.constant 64 : i32
              %dma_wait3A_505 = arith.constant 0 : i32
              %dma_wait3A_506 = tpu.memref_slice %arg17[%dma_wait3A, %dma_wait3A_505] : memref<128x64xf32, #tpu.memory_space<vmem>> -> memref<64x64xf32, #tpu.memory_space<vmem>>
              %dma_wait3A_507 = tpu.memref_slice %arg12[%mul3A_504] : memref<5200xi32, #tpu.memory_space<vmem>> -> memref<64xi32, #tpu.memory_space<vmem>>
              %dma_wait3A_508 = arith.constant 0 : i32
              %dma_wait3A_509 = arith.constant 0 : i32
              %dma_wait3A_510 = tpu.memref_slice %arg5[%dma_wait3A_508, %dma_wait3A_509] : memref<51968x64xf32, #tpu.memory_space<hbm>> -> memref<51968x64xf32, #tpu.memory_space<hbm>>
              tpu.wait_indirect_dma semaphore(%arg24 : memref<!tpu.dma_semaphore, #tpu.memory_space<semaphore_mem>>) src(%dma_wait3A_510 : memref<51968x64xf32, #tpu.memory_space<hbm>>) dst(%dma_wait3A_506 : memref<64x64xf32, #tpu.memory_space<vmem>>)
            } else {
            }
            %add3A_338 = arith.constant 1 : i32
            %add3A_339 = arith.addi %scan3A_282, %add3A_338 : i32
            %lt3A_340 = arith.cmpi slt, %add3A_339, %select_n3A_134 : i32
            %jit3A_341 = arith.constant 2 : i32
            %eq3A_342 = arith.constant 0 : i32
            %eq3A_343 = arith.cmpi eq, %jit3A_341, %eq3A_342 : i32
            %jit3A_344 = arith.constant 1 : i32
            %select_n3A_345 = arith.select %eq3A_343, %jit3A_344, %jit3A_341 : i32
            %rem3A_346 = arith.remsi %add3A_339, %select_n3A_345 : i32
            %ne3A_347 = arith.constant 0 : i32
            %ne3A_348 = arith.cmpi ne, %rem3A_346, %ne3A_347 : i32
            %lt3A_349 = arith.constant 0 : i32
            %lt3A_350 = arith.cmpi slt, %rem3A_346, %lt3A_349 : i32
            %lt3A_351 = arith.constant 0 : i32
            %lt3A_352 = arith.cmpi slt, %select_n3A_345, %lt3A_351 : i32
            %ne3A_353 = arith.xori %lt3A_350, %lt3A_352 : i1
            %and3A_354 = arith.andi %ne3A_353, %ne3A_348 : i1
            %add3A_355 = arith.addi %rem3A_346, %select_n3A_345 : i32
            %select_n3A_356 = arith.select %and3A_354, %add3A_355, %rem3A_346 : i32
            %eq3A_357 = arith.constant 0 : i32
            %eq3A_358 = arith.cmpi eq, %select_n3A_356, %eq3A_357 : i32
            %and3A_359 = arith.andi %lt3A_340, %eq3A_358 : i1
            %convert_element_type3A_360 = arith.extui %and3A_359 : i1 to i32
            %cond3A_361 = arith.constant 0 : i32
            %cond3A_362 = arith.cmpi ne, %convert_element_type3A_360, %cond3A_361 : i32
            scf.if %cond3A_362 {
              %mul3A_503 = arith.constant 64 : i32
              %mul3A_504 = arith.muli %add3A_339, %mul3A_503 : i32
              %dma_start3A_505 = arith.constant 0 : i32
              %dma_start3A_506 = arith.constant 0 : i32
              %dma_start3A_507 = tpu.memref_slice %arg17[%dma_start3A_505, %dma_start3A_506] : memref<128x64xf32, #tpu.memory_space<vmem>> -> memref<64x64xf32, #tpu.memory_space<vmem>>
              %dma_start3A_508 = tpu.memref_slice %arg12[%mul3A_504] : memref<5200xi32, #tpu.memory_space<vmem>> -> memref<64xi32, #tpu.memory_space<vmem>>
              %dma_start3A_509 = arith.constant 0 : i32
              %dma_start3A_510 = arith.constant 0 : i32
              %dma_start3A_511 = tpu.memref_slice %arg5[%dma_start3A_509, %dma_start3A_510] : memref<51968x64xf32, #tpu.memory_space<hbm>> -> memref<51968x64xf32, #tpu.memory_space<hbm>>
              tpu.enqueue_indirect_dma source(%dma_start3A_511 : memref<51968x64xf32, #tpu.memory_space<hbm>>) target(%dma_start3A_507 : memref<64x64xf32, #tpu.memory_space<vmem>>) offsets(%dma_start3A_508 : memref<64xi32, #tpu.memory_space<vmem>>) semaphore(%arg23 : memref<!tpu.dma_semaphore, #tpu.memory_space<semaphore_mem>>)
            } else {
            }
            %lt3A_363 = arith.cmpi slt, %add3A_339, %select_n3A_134 : i32
            %jit3A_364 = arith.constant 2 : i32
            %eq3A_365 = arith.constant 0 : i32
            %eq3A_366 = arith.cmpi eq, %jit3A_364, %eq3A_365 : i32
            %jit3A_367 = arith.constant 1 : i32
            %select_n3A_368 = arith.select %eq3A_366, %jit3A_367, %jit3A_364 : i32
            %rem3A_369 = arith.remsi %add3A_339, %select_n3A_368 : i32
            %ne3A_370 = arith.constant 0 : i32
            %ne3A_371 = arith.cmpi ne, %rem3A_369, %ne3A_370 : i32
            %lt3A_372 = arith.constant 0 : i32
            %lt3A_373 = arith.cmpi slt, %rem3A_369, %lt3A_372 : i32
            %lt3A_374 = arith.constant 0 : i32
            %lt3A_375 = arith.cmpi slt, %select_n3A_368, %lt3A_374 : i32
            %ne3A_376 = arith.xori %lt3A_373, %lt3A_375 : i1
            %and3A_377 = arith.andi %ne3A_376, %ne3A_371 : i1
            %add3A_378 = arith.addi %rem3A_369, %select_n3A_368 : i32
            %select_n3A_379 = arith.select %and3A_377, %add3A_378, %rem3A_369 : i32
            %eq3A_380 = arith.constant 1 : i32
            %eq3A_381 = arith.cmpi eq, %select_n3A_379, %eq3A_380 : i32
            %and3A_382 = arith.andi %lt3A_363, %eq3A_381 : i1
            %convert_element_type3A_383 = arith.extui %and3A_382 : i1 to i32
            %cond3A_384 = arith.constant 0 : i32
            %cond3A_385 = arith.cmpi ne, %convert_element_type3A_383, %cond3A_384 : i32
            scf.if %cond3A_385 {
              %mul3A_503 = arith.constant 64 : i32
              %mul3A_504 = arith.muli %add3A_339, %mul3A_503 : i32
              %dma_start3A_505 = arith.constant 64 : i32
              %dma_start3A_506 = arith.constant 0 : i32
              %dma_start3A_507 = tpu.memref_slice %arg17[%dma_start3A_505, %dma_start3A_506] : memref<128x64xf32, #tpu.memory_space<vmem>> -> memref<64x64xf32, #tpu.memory_space<vmem>>
              %dma_start3A_508 = tpu.memref_slice %arg12[%mul3A_504] : memref<5200xi32, #tpu.memory_space<vmem>> -> memref<64xi32, #tpu.memory_space<vmem>>
              %dma_start3A_509 = arith.constant 0 : i32
              %dma_start3A_510 = arith.constant 0 : i32
              %dma_start3A_511 = tpu.memref_slice %arg5[%dma_start3A_509, %dma_start3A_510] : memref<51968x64xf32, #tpu.memory_space<hbm>> -> memref<51968x64xf32, #tpu.memory_space<hbm>>
              tpu.enqueue_indirect_dma source(%dma_start3A_511 : memref<51968x64xf32, #tpu.memory_space<hbm>>) target(%dma_start3A_507 : memref<64x64xf32, #tpu.memory_space<vmem>>) offsets(%dma_start3A_508 : memref<64xi32, #tpu.memory_space<vmem>>) semaphore(%arg24 : memref<!tpu.dma_semaphore, #tpu.memory_space<semaphore_mem>>)
            } else {
            }
            %sub3A_386 = arith.constant 2 : i32
            %sub3A_387 = arith.subi %scan3A_282, %sub3A_386 : i32
            %ge3A_388 = arith.constant 0 : i32
            %ge3A_389 = arith.cmpi sge, %sub3A_387, %ge3A_388 : i32
            %jit3A_390 = arith.constant 2 : i32
            %eq3A_391 = arith.constant 0 : i32
            %eq3A_392 = arith.cmpi eq, %jit3A_390, %eq3A_391 : i32
            %jit3A_393 = arith.constant 1 : i32
            %select_n3A_394 = arith.select %eq3A_392, %jit3A_393, %jit3A_390 : i32
            %rem3A_395 = arith.remsi %sub3A_387, %select_n3A_394 : i32
            %ne3A_396 = arith.constant 0 : i32
            %ne3A_397 = arith.cmpi ne, %rem3A_395, %ne3A_396 : i32
            %lt3A_398 = arith.constant 0 : i32
            %lt3A_399 = arith.cmpi slt, %rem3A_395, %lt3A_398 : i32
            %lt3A_400 = arith.constant 0 : i32
            %lt3A_401 = arith.cmpi slt, %select_n3A_394, %lt3A_400 : i32
            %ne3A_402 = arith.xori %lt3A_399, %lt3A_401 : i1
            %and3A_403 = arith.andi %ne3A_402, %ne3A_397 : i1
            %add3A_404 = arith.addi %rem3A_395, %select_n3A_394 : i32
            %select_n3A_405 = arith.select %and3A_403, %add3A_404, %rem3A_395 : i32
            %eq3A_406 = arith.constant 0 : i32
            %eq3A_407 = arith.cmpi eq, %select_n3A_405, %eq3A_406 : i32
            %and3A_408 = arith.andi %ge3A_389, %eq3A_407 : i1
            %convert_element_type3A_409 = arith.extui %and3A_408 : i1 to i32
            %cond3A_410 = arith.constant 0 : i32
            %cond3A_411 = arith.cmpi ne, %convert_element_type3A_409, %cond3A_410 : i32
            scf.if %cond3A_411 {
              %dma_wait3A = arith.constant 0 : i32
              %dma_wait3A_503 = arith.constant 0 : i32
              %dma_wait3A_504 = arith.constant 0 : i32
              %dma_wait3A_505 = tpu.memref_slice %arg18[%dma_wait3A_503, %dma_wait3A_504] : memref<128x72xf32, #tpu.memory_space<vmem>> -> memref<64x72xf32, #tpu.memory_space<vmem>>
              %dma_wait3A_506 = arith.constant 0 : i32
              %dma_wait3A_507 = tpu.memref_slice %arg15[%dma_wait3A, %dma_wait3A_506] : memref<80x64xi32, #tpu.memory_space<vmem>> -> memref<1x64xi32, #tpu.memory_space<vmem>>
              %dma_wait3A_508 = tpu.memref_squeeze %dma_wait3A_507 : memref<1x64xi32, #tpu.memory_space<vmem>> -> memref<64xi32, #tpu.memory_space<vmem>>
              %dma_wait3A_509 = arith.constant 0 : i32
              %dma_wait3A_510 = arith.constant 0 : i32
              %dma_wait3A_511 = tpu.memref_slice %arg22[%dma_wait3A_509, %dma_wait3A_510] : memref<8968x72xf32, #tpu.memory_space<vmem_shared>> -> memref<8968x72xf32, #tpu.memory_space<vmem_shared>>
              tpu.wait_indirect_dma semaphore(%arg25 : memref<!tpu.dma_semaphore, #tpu.memory_space<semaphore_mem>>) src(%dma_wait3A_505 : memref<64x72xf32, #tpu.memory_space<vmem>>) dst(%dma_wait3A_511 : memref<8968x72xf32, #tpu.memory_space<vmem_shared>>)
            } else {
            }
            %ge3A_412 = arith.constant 0 : i32
            %ge3A_413 = arith.cmpi sge, %sub3A_387, %ge3A_412 : i32
            %jit3A_414 = arith.constant 2 : i32
            %eq3A_415 = arith.constant 0 : i32
            %eq3A_416 = arith.cmpi eq, %jit3A_414, %eq3A_415 : i32
            %jit3A_417 = arith.constant 1 : i32
            %select_n3A_418 = arith.select %eq3A_416, %jit3A_417, %jit3A_414 : i32
            %rem3A_419 = arith.remsi %sub3A_387, %select_n3A_418 : i32
            %ne3A_420 = arith.constant 0 : i32
            %ne3A_421 = arith.cmpi ne, %rem3A_419, %ne3A_420 : i32
            %lt3A_422 = arith.constant 0 : i32
            %lt3A_423 = arith.cmpi slt, %rem3A_419, %lt3A_422 : i32
            %lt3A_424 = arith.constant 0 : i32
            %lt3A_425 = arith.cmpi slt, %select_n3A_418, %lt3A_424 : i32
            %ne3A_426 = arith.xori %lt3A_423, %lt3A_425 : i1
            %and3A_427 = arith.andi %ne3A_426, %ne3A_421 : i1
            %add3A_428 = arith.addi %rem3A_419, %select_n3A_418 : i32
            %select_n3A_429 = arith.select %and3A_427, %add3A_428, %rem3A_419 : i32
            %eq3A_430 = arith.constant 1 : i32
            %eq3A_431 = arith.cmpi eq, %select_n3A_429, %eq3A_430 : i32
            %and3A_432 = arith.andi %ge3A_413, %eq3A_431 : i1
            %convert_element_type3A_433 = arith.extui %and3A_432 : i1 to i32
            %cond3A_434 = arith.constant 0 : i32
            %cond3A_435 = arith.cmpi ne, %convert_element_type3A_433, %cond3A_434 : i32
            scf.if %cond3A_435 {
              %dma_wait3A = arith.constant 0 : i32
              %dma_wait3A_503 = arith.constant 64 : i32
              %dma_wait3A_504 = arith.constant 0 : i32
              %dma_wait3A_505 = tpu.memref_slice %arg18[%dma_wait3A_503, %dma_wait3A_504] : memref<128x72xf32, #tpu.memory_space<vmem>> -> memref<64x72xf32, #tpu.memory_space<vmem>>
              %dma_wait3A_506 = arith.constant 0 : i32
              %dma_wait3A_507 = tpu.memref_slice %arg15[%dma_wait3A, %dma_wait3A_506] : memref<80x64xi32, #tpu.memory_space<vmem>> -> memref<1x64xi32, #tpu.memory_space<vmem>>
              %dma_wait3A_508 = tpu.memref_squeeze %dma_wait3A_507 : memref<1x64xi32, #tpu.memory_space<vmem>> -> memref<64xi32, #tpu.memory_space<vmem>>
              %dma_wait3A_509 = arith.constant 0 : i32
              %dma_wait3A_510 = arith.constant 0 : i32
              %dma_wait3A_511 = tpu.memref_slice %arg22[%dma_wait3A_509, %dma_wait3A_510] : memref<8968x72xf32, #tpu.memory_space<vmem_shared>> -> memref<8968x72xf32, #tpu.memory_space<vmem_shared>>
              tpu.wait_indirect_dma semaphore(%arg26 : memref<!tpu.dma_semaphore, #tpu.memory_space<semaphore_mem>>) src(%dma_wait3A_505 : memref<64x72xf32, #tpu.memory_space<vmem>>) dst(%dma_wait3A_511 : memref<8968x72xf32, #tpu.memory_space<vmem_shared>>)
            } else {
            }
            %jit3A_436 = arith.constant 2 : i32
            %eq3A_437 = arith.constant 0 : i32
            %eq3A_438 = arith.cmpi eq, %jit3A_436, %eq3A_437 : i32
            %jit3A_439 = arith.constant 1 : i32
            %select_n3A_440 = arith.select %eq3A_438, %jit3A_439, %jit3A_436 : i32
            %rem3A_441 = arith.remsi %scan3A_282, %select_n3A_440 : i32
            %ne3A_442 = arith.constant 0 : i32
            %ne3A_443 = arith.cmpi ne, %rem3A_441, %ne3A_442 : i32
            %lt3A_444 = arith.constant 0 : i32
            %lt3A_445 = arith.cmpi slt, %rem3A_441, %lt3A_444 : i32
            %lt3A_446 = arith.constant 0 : i32
            %lt3A_447 = arith.cmpi slt, %select_n3A_440, %lt3A_446 : i32
            %ne3A_448 = arith.xori %lt3A_445, %lt3A_447 : i1
            %and3A_449 = arith.andi %ne3A_448, %ne3A_443 : i1
            %add3A_450 = arith.addi %rem3A_441, %select_n3A_440 : i32
            %select_n3A_451 = arith.select %and3A_449, %add3A_450, %rem3A_441 : i32
            %mul3A_452 = arith.constant 64 : i32
            %mul3A_453 = arith.muli %select_n3A_451, %mul3A_452 : i32
            %scan3A_454 = arith.constant 0 : i32
            %scan3A_455 = arith.constant 0 : i32
            %scan3A_456 = arith.constant 4 : i32
            %scan3A_457 = arith.addi %scan3A_455, %scan3A_456 : i32
            %scan3A_458 = arith.constant 1 : i32
            %scan3A_459 = scf.for %scan3A_503 = %scan3A_455 to %scan3A_457 step %scan3A_458 iter_args(%scan3A_504 = %scan3A_454) -> (i32)  : i32 {
              %mul3A_505 = arith.constant 64 : i32
              %mul3A_506 = arith.muli %scan3A_282, %mul3A_505 : i32
              %mul3A_507 = arith.constant 16 : i32
              %mul3A_508 = arith.muli %scan3A_503, %mul3A_507 : i32
              %add3A_509 = arith.addi %mul3A_506, %mul3A_508 : i32
              %get3A = arith.index_cast %add3A_509 : i32 to index
              %get3A_510 = tpu.vector_load %arg13[%get3A] {strides = array<i32>} : memref<5200xi32, #tpu.memory_space<vmem>>, vector<16xi32>,
              %mul3A_511 = arith.constant 16 : i32
              %mul3A_512 = arith.muli %scan3A_503, %mul3A_511 : i32
              %add3A_513 = arith.constant 0 : i32
              %add3A_514 = arith.addi %mul3A_512, %add3A_513 : i32
              %slice3A = vector.extract_strided_slice %get3A_510 {offsets = [0], sizes = [1], strides = [1]} : vector<16xi32> to vector<1xi32>
              %squeeze3A = vector.extract %slice3A[0] : i32 from vector<1xi32>
              %mul3A_515 = arith.constant 64 : i32
              %mul3A_516 = arith.muli %squeeze3A, %mul3A_515 : i32
              %add3A_517 = arith.addi %mul3A_453, %add3A_514 : i32
              %get3A_518 = arith.index_cast %add3A_517 : i32 to index
              %get3A_519 = arith.constant 0 : index
              %get3A_520 = tpu.vector_load %arg17[%get3A_518, %get3A_519] {strides = array<i32>} : memref<128x64xf32, #tpu.memory_space<vmem>>, vector<16xf32>,
              %add3A_521 = arith.constant 0 : i32
              %add3A_522 = arith.addi %mul3A_516, %add3A_521 : i32
              %get3A_523 = arith.index_cast %add3A_522 : i32 to index
              %get3A_524 = tpu.vector_load %arg16[%get3A_523] {strides = array<i32>} : memref<16384xf32, #tpu.memory_space<vmem>>, vector<16xf32>,
              %mul3A_525 = arith.mulf %get3A_520, %get3A_524 : vector<16xf32>
              %add3A_526 = arith.addi %mul3A_453, %add3A_514 : i32
              %swap3A_527 = arith.index_cast %add3A_526 : i32 to index
              %swap3A_528 = arith.constant 0 : index
              %swap3A_529 = tpu.vector_load %arg18[%swap3A_527, %swap3A_528] {strides = array<i32>} : memref<128x72xf32, #tpu.memory_space<vmem>>, vector<16xf32>,
              tpu.vector_store %arg18[%swap3A_527, %swap3A_528], %mul3A_525 {strides = array<i32>} : memref<128x72xf32, #tpu.memory_space<vmem>>, vector<16xf32>,
              %add3A_530 = arith.addi %mul3A_453, %add3A_514 : i32
              %get3A_531 = arith.index_cast %add3A_530 : i32 to index
              %get3A_532 = arith.constant 16 : index
              %get3A_533 = tpu.vector_load %arg17[%get3A_531, %get3A_532] {strides = array<i32>} : memref<128x64xf32, #tpu.memory_space<vmem>>, vector<16xf32>,
              %add3A_534 = arith.constant 16 : i32
              %add3A_535 = arith.addi %mul3A_516, %add3A_534 : i32
              %get3A_536 = arith.index_cast %add3A_535 : i32 to index
              %get3A_537 = tpu.vector_load %arg16[%get3A_536] {strides = array<i32>} : memref<16384xf32, #tpu.memory_space<vmem>>, vector<16xf32>,
              %mul3A_538 = arith.mulf %get3A_533, %get3A_537 : vector<16xf32>
              %add3A_539 = arith.addi %mul3A_453, %add3A_514 : i32
              %swap3A_540 = arith.index_cast %add3A_539 : i32 to index
              %swap3A_541 = arith.constant 16 : index
              %swap3A_542 = tpu.vector_load %arg18[%swap3A_540, %swap3A_541] {strides = array<i32>} : memref<128x72xf32, #tpu.memory_space<vmem>>, vector<16xf32>,
              tpu.vector_store %arg18[%swap3A_540, %swap3A_541], %mul3A_538 {strides = array<i32>} : memref<128x72xf32, #tpu.memory_space<vmem>>, vector<16xf32>,
              %add3A_543 = arith.addi %mul3A_453, %add3A_514 : i32
              %get3A_544 = arith.index_cast %add3A_543 : i32 to index
              %get3A_545 = arith.constant 32 : index
              %get3A_546 = tpu.vector_load %arg17[%get3A_544, %get3A_545] {strides = array<i32>} : memref<128x64xf32, #tpu.memory_space<vmem>>, vector<16xf32>,
              %add3A_547 = arith.constant 32 : i32
              %add3A_548 = arith.addi %mul3A_516, %add3A_547 : i32
              %get3A_549 = arith.index_cast %add3A_548 : i32 to index
              %get3A_550 = tpu.vector_load %arg16[%get3A_549] {strides = array<i32>} : memref<16384xf32, #tpu.memory_space<vmem>>, vector<16xf32>,
              %mul3A_551 = arith.mulf %get3A_546, %get3A_550 : vector<16xf32>
              %add3A_552 = arith.addi %mul3A_453, %add3A_514 : i32
              %swap3A_553 = arith.index_cast %add3A_552 : i32 to index
              %swap3A_554 = arith.constant 32 : index
              %swap3A_555 = tpu.vector_load %arg18[%swap3A_553, %swap3A_554] {strides = array<i32>} : memref<128x72xf32, #tpu.memory_space<vmem>>, vector<16xf32>,
              tpu.vector_store %arg18[%swap3A_553, %swap3A_554], %mul3A_551 {strides = array<i32>} : memref<128x72xf32, #tpu.memory_space<vmem>>, vector<16xf32>,
              %add3A_556 = arith.addi %mul3A_453, %add3A_514 : i32
              %get3A_557 = arith.index_cast %add3A_556 : i32 to index
              %get3A_558 = arith.constant 48 : index
              %get3A_559 = tpu.vector_load %arg17[%get3A_557, %get3A_558] {strides = array<i32>} : memref<128x64xf32, #tpu.memory_space<vmem>>, vector<16xf32>,
              %add3A_560 = arith.constant 48 : i32
              %add3A_561 = arith.addi %mul3A_516, %add3A_560 : i32
              %get3A_562 = arith.index_cast %add3A_561 : i32 to index
              %get3A_563 = tpu.vector_load %arg16[%get3A_562] {strides = array<i32>} : memref<16384xf32, #tpu.memory_space<vmem>>, vector<16xf32>,
              %mul3A_564 = arith.mulf %get3A_559, %get3A_563 : vector<16xf32>
              %add3A_565 = arith.addi %mul3A_453, %add3A_514 : i32
              %swap3A_566 = arith.index_cast %add3A_565 : i32 to index
              %swap3A_567 = arith.constant 48 : index
              %swap3A_568 = tpu.vector_load %arg18[%swap3A_566, %swap3A_567] {strides = array<i32>} : memref<128x72xf32, #tpu.memory_space<vmem>>, vector<16xf32>,
              tpu.vector_store %arg18[%swap3A_566, %swap3A_567], %mul3A_564 {strides = array<i32>} : memref<128x72xf32, #tpu.memory_space<vmem>>, vector<16xf32>,
              %mul3A_569 = arith.constant 16 : i32
              %mul3A_570 = arith.muli %scan3A_503, %mul3A_569 : i32
              %add3A_571 = arith.constant 1 : i32
              %add3A_572 = arith.addi %mul3A_570, %add3A_571 : i32
              %slice3A_573 = vector.extract_strided_slice %get3A_510 {offsets = [1], sizes = [1], strides = [1]} : vector<16xi32> to vector<1xi32>
              %squeeze3A_574 = vector.extract %slice3A_573[0] : i32 from vector<1xi32>
              %mul3A_575 = arith.constant 64 : i32
              %mul3A_576 = arith.muli %squeeze3A_574, %mul3A_575 : i32
              %add3A_577 = arith.addi %mul3A_453, %add3A_572 : i32
              %get3A_578 = arith.index_cast %add3A_577 : i32 to index
              %get3A_579 = arith.constant 0 : index
              %get3A_580 = tpu.vector_load %arg17[%get3A_578, %get3A_579] {strides = array<i32>} : memref<128x64xf32, #tpu.memory_space<vmem>>, vector<16xf32>,
              %add3A_581 = arith.constant 0 : i32
              %add3A_582 = arith.addi %mul3A_576, %add3A_581 : i32
              %get3A_583 = arith.index_cast %add3A_582 : i32 to index
              %get3A_584 = tpu.vector_load %arg16[%get3A_583] {strides = array<i32>} : memref<16384xf32, #tpu.memory_space<vmem>>, vector<16xf32>,
              %mul3A_585 = arith.mulf %get3A_580, %get3A_584 : vector<16xf32>
              %add3A_586 = arith.addi %mul3A_453, %add3A_572 : i32
              %swap3A_587 = arith.index_cast %add3A_586 : i32 to index
              %swap3A_588 = arith.constant 0 : index
              %swap3A_589 = tpu.vector_load %arg18[%swap3A_587, %swap3A_588] {strides = array<i32>} : memref<128x72xf32, #tpu.memory_space<vmem>>, vector<16xf32>,
              tpu.vector_store %arg18[%swap3A_587, %swap3A_588], %mul3A_585 {strides = array<i32>} : memref<128x72xf32, #tpu.memory_space<vmem>>, vector<16xf32>,
              %add3A_590 = arith.addi %mul3A_453, %add3A_572 : i32
              %get3A_591 = arith.index_cast %add3A_590 : i32 to index
              %get3A_592 = arith.constant 16 : index
              %get3A_593 = tpu.vector_load %arg17[%get3A_591, %get3A_592] {strides = array<i32>} : memref<128x64xf32, #tpu.memory_space<vmem>>, vector<16xf32>,
              %add3A_594 = arith.constant 16 : i32
              %add3A_595 = arith.addi %mul3A_576, %add3A_594 : i32
              %get3A_596 = arith.index_cast %add3A_595 : i32 to index
              %get3A_597 = tpu.vector_load %arg16[%get3A_596] {strides = array<i32>} : memref<16384xf32, #tpu.memory_space<vmem>>, vector<16xf32>,
              %mul3A_598 = arith.mulf %get3A_593, %get3A_597 : vector<16xf32>
              %add3A_599 = arith.addi %mul3A_453, %add3A_572 : i32
              %swap3A_600 = arith.index_cast %add3A_599 : i32 to index
              %swap3A_601 = arith.constant 16 : index
              %swap3A_602 = tpu.vector_load %arg18[%swap3A_600, %swap3A_601] {strides = array<i32>} : memref<128x72xf32, #tpu.memory_space<vmem>>, vector<16xf32>,
              tpu.vector_store %arg18[%swap3A_600, %swap3A_601], %mul3A_598 {strides = array<i32>} : memref<128x72xf32, #tpu.memory_space<vmem>>, vector<16xf32>,
              %add3A_603 = arith.addi %mul3A_453, %add3A_572 : i32
              %get3A_604 = arith.index_cast %add3A_603 : i32 to index
              %get3A_605 = arith.constant 32 : index
              %get3A_606 = tpu.vector_load %arg17[%get3A_604, %get3A_605] {strides = array<i32>} : memref<128x64xf32, #tpu.memory_space<vmem>>, vector<16xf32>,
              %add3A_607 = arith.constant 32 : i32
              %add3A_608 = arith.addi %mul3A_576, %add3A_607 : i32
              %get3A_609 = arith.index_cast %add3A_608 : i32 to index
              %get3A_610 = tpu.vector_load %arg16[%get3A_609] {strides = array<i32>} : memref<16384xf32, #tpu.memory_space<vmem>>, vector<16xf32>,
              %mul3A_611 = arith.mulf %get3A_606, %get3A_610 : vector<16xf32>
              %add3A_612 = arith.addi %mul3A_453, %add3A_572 : i32
              %swap3A_613 = arith.index_cast %add3A_612 : i32 to index
              %swap3A_614 = arith.constant 32 : index
              %swap3A_615 = tpu.vector_load %arg18[%swap3A_613, %swap3A_614] {strides = array<i32>} : memref<128x72xf32, #tpu.memory_space<vmem>>, vector<16xf32>,
              tpu.vector_store %arg18[%swap3A_613, %swap3A_614], %mul3A_611 {strides = array<i32>} : memref<128x72xf32, #tpu.memory_space<vmem>>, vector<16xf32>,
              %add3A_616 = arith.addi %mul3A_453, %add3A_572 : i32
              %get3A_617 = arith.index_cast %add3A_616 : i32 to index
              %get3A_618 = arith.constant 48 : index
              %get3A_619 = tpu.vector_load %arg17[%get3A_617, %get3A_618] {strides = array<i32>} : memref<128x64xf32, #tpu.memory_space<vmem>>, vector<16xf32>,
              %add3A_620 = arith.constant 48 : i32
              %add3A_621 = arith.addi %mul3A_576, %add3A_620 : i32
              %get3A_622 = arith.index_cast %add3A_621 : i32 to index
              %get3A_623 = tpu.vector_load %arg16[%get3A_622] {strides = array<i32>} : memref<16384xf32, #tpu.memory_space<vmem>>, vector<16xf32>,
              %mul3A_624 = arith.mulf %get3A_619, %get3A_623 : vector<16xf32>
              %add3A_625 = arith.addi %mul3A_453, %add3A_572 : i32
              %swap3A_626 = arith.index_cast %add3A_625 : i32 to index
              %swap3A_627 = arith.constant 48 : index
              %swap3A_628 = tpu.vector_load %arg18[%swap3A_626, %swap3A_627] {strides = array<i32>} : memref<128x72xf32, #tpu.memory_space<vmem>>, vector<16xf32>,
              tpu.vector_store %arg18[%swap3A_626, %swap3A_627], %mul3A_624 {strides = array<i32>} : memref<128x72xf32, #tpu.memory_space<vmem>>, vector<16xf32>,
              %mul3A_629 = arith.constant 16 : i32
              %mul3A_630 = arith.muli %scan3A_503, %mul3A_629 : i32
              %add3A_631 = arith.constant 2 : i32
              %add3A_632 = arith.addi %mul3A_630, %add3A_631 : i32
              %slice3A_633 = vector.extract_strided_slice %get3A_510 {offsets = [2], sizes = [1], strides = [1]} : vector<16xi32> to vector<1xi32>
              %squeeze3A_634 = vector.extract %slice3A_633[0] : i32 from vector<1xi32>
              %mul3A_635 = arith.constant 64 : i32
              %mul3A_636 = arith.muli %squeeze3A_634, %mul3A_635 : i32
              %add3A_637 = arith.addi %mul3A_453, %add3A_632 : i32
              %get3A_638 = arith.index_cast %add3A_637 : i32 to index
              %get3A_639 = arith.constant 0 : index
              %get3A_640 = tpu.vector_load %arg17[%get3A_638, %get3A_639] {strides = array<i32>} : memref<128x64xf32, #tpu.memory_space<vmem>>, vector<16xf32>,
              %add3A_641 = arith.constant 0 : i32
              %add3A_642 = arith.addi %mul3A_636, %add3A_641 : i32
              %get3A_643 = arith.index_cast %add3A_642 : i32 to index
              %get3A_644 = tpu.vector_load %arg16[%get3A_643] {strides = array<i32>} : memref<16384xf32, #tpu.memory_space<vmem>>, vector<16xf32>,
              %mul3A_645 = arith.mulf %get3A_640, %get3A_644 : vector<16xf32>
              %add3A_646 = arith.addi %mul3A_453, %add3A_632 : i32
              %swap3A_647 = arith.index_cast %add3A_646 : i32 to index
              %swap3A_648 = arith.constant 0 : index
              %swap3A_649 = tpu.vector_load %arg18[%swap3A_647, %swap3A_648] {strides = array<i32>} : memref<128x72xf32, #tpu.memory_space<vmem>>, vector<16xf32>,
              tpu.vector_store %arg18[%swap3A_647, %swap3A_648], %mul3A_645 {strides = array<i32>} : memref<128x72xf32, #tpu.memory_space<vmem>>, vector<16xf32>,
              %add3A_650 = arith.addi %mul3A_453, %add3A_632 : i32
              %get3A_651 = arith.index_cast %add3A_650 : i32 to index
              %get3A_652 = arith.constant 16 : index
              %get3A_653 = tpu.vector_load %arg17[%get3A_651, %get3A_652] {strides = array<i32>} : memref<128x64xf32, #tpu.memory_space<vmem>>, vector<16xf32>,
              %add3A_654 = arith.constant 16 : i32
              %add3A_655 = arith.addi %mul3A_636, %add3A_654 : i32
              %get3A_656 = arith.index_cast %add3A_655 : i32 to index
              %get3A_657 = tpu.vector_load %arg16[%get3A_656] {strides = array<i32>} : memref<16384xf32, #tpu.memory_space<vmem>>, vector<16xf32>,
              %mul3A_658 = arith.mulf %get3A_653, %get3A_657 : vector<16xf32>
              %add3A_659 = arith.addi %mul3A_453, %add3A_632 : i32
              %swap3A_660 = arith.index_cast %add3A_659 : i32 to index
              %swap3A_661 = arith.constant 16 : index
              %swap3A_662 = tpu.vector_load %arg18[%swap3A_660, %swap3A_661] {strides = array<i32>} : memref<128x72xf32, #tpu.memory_space<vmem>>, vector<16xf32>,
              tpu.vector_store %arg18[%swap3A_660, %swap3A_661], %mul3A_658 {strides = array<i32>} : memref<128x72xf32, #tpu.memory_space<vmem>>, vector<16xf32>,
              %add3A_663 = arith.addi %mul3A_453, %add3A_632 : i32
              %get3A_664 = arith.index_cast %add3A_663 : i32 to index
              %get3A_665 = arith.constant 32 : index
              %get3A_666 = tpu.vector_load %arg17[%get3A_664, %get3A_665] {strides = array<i32>} : memref<128x64xf32, #tpu.memory_space<vmem>>, vector<16xf32>,
              %add3A_667 = arith.constant 32 : i32
              %add3A_668 = arith.addi %mul3A_636, %add3A_667 : i32
              %get3A_669 = arith.index_cast %add3A_668 : i32 to index
              %get3A_670 = tpu.vector_load %arg16[%get3A_669] {strides = array<i32>} : memref<16384xf32, #tpu.memory_space<vmem>>, vector<16xf32>,
              %mul3A_671 = arith.mulf %get3A_666, %get3A_670 : vector<16xf32>
              %add3A_672 = arith.addi %mul3A_453, %add3A_632 : i32
              %swap3A_673 = arith.index_cast %add3A_672 : i32 to index
              %swap3A_674 = arith.constant 32 : index
              %swap3A_675 = tpu.vector_load %arg18[%swap3A_673, %swap3A_674] {strides = array<i32>} : memref<128x72xf32, #tpu.memory_space<vmem>>, vector<16xf32>,
              tpu.vector_store %arg18[%swap3A_673, %swap3A_674], %mul3A_671 {strides = array<i32>} : memref<128x72xf32, #tpu.memory_space<vmem>>, vector<16xf32>,
              %add3A_676 = arith.addi %mul3A_453, %add3A_632 : i32
              %get3A_677 = arith.index_cast %add3A_676 : i32 to index
              %get3A_678 = arith.constant 48 : index
              %get3A_679 = tpu.vector_load %arg17[%get3A_677, %get3A_678] {strides = array<i32>} : memref<128x64xf32, #tpu.memory_space<vmem>>, vector<16xf32>,
              %add3A_680 = arith.constant 48 : i32
              %add3A_681 = arith.addi %mul3A_636, %add3A_680 : i32
              %get3A_682 = arith.index_cast %add3A_681 : i32 to index
              %get3A_683 = tpu.vector_load %arg16[%get3A_682] {strides = array<i32>} : memref<16384xf32, #tpu.memory_space<vmem>>, vector<16xf32>,
              %mul3A_684 = arith.mulf %get3A_679, %get3A_683 : vector<16xf32>
              %add3A_685 = arith.addi %mul3A_453, %add3A_632 : i32
              %swap3A_686 = arith.index_cast %add3A_685 : i32 to index
              %swap3A_687 = arith.constant 48 : index
              %swap3A_688 = tpu.vector_load %arg18[%swap3A_686, %swap3A_687] {strides = array<i32>} : memref<128x72xf32, #tpu.memory_space<vmem>>, vector<16xf32>,
              tpu.vector_store %arg18[%swap3A_686, %swap3A_687], %mul3A_684 {strides = array<i32>} : memref<128x72xf32, #tpu.memory_space<vmem>>, vector<16xf32>,
              %mul3A_689 = arith.constant 16 : i32
              %mul3A_690 = arith.muli %scan3A_503, %mul3A_689 : i32
              %add3A_691 = arith.constant 3 : i32
              %add3A_692 = arith.addi %mul3A_690, %add3A_691 : i32
              %slice3A_693 = vector.extract_strided_slice %get3A_510 {offsets = [3], sizes = [1], strides = [1]} : vector<16xi32> to vector<1xi32>
              %squeeze3A_694 = vector.extract %slice3A_693[0] : i32 from vector<1xi32>
              %mul3A_695 = arith.constant 64 : i32
              %mul3A_696 = arith.muli %squeeze3A_694, %mul3A_695 : i32
              %add3A_697 = arith.addi %mul3A_453, %add3A_692 : i32
              %get3A_698 = arith.index_cast %add3A_697 : i32 to index
              %get3A_699 = arith.constant 0 : index
              %get3A_700 = tpu.vector_load %arg17[%get3A_698, %get3A_699] {strides = array<i32>} : memref<128x64xf32, #tpu.memory_space<vmem>>, vector<16xf32>,
              %add3A_701 = arith.constant 0 : i32
              %add3A_702 = arith.addi %mul3A_696, %add3A_701 : i32
              %get3A_703 = arith.index_cast %add3A_702 : i32 to index
              %get3A_704 = tpu.vector_load %arg16[%get3A_703] {strides = array<i32>} : memref<16384xf32, #tpu.memory_space<vmem>>, vector<16xf32>,
              %mul3A_705 = arith.mulf %get3A_700, %get3A_704 : vector<16xf32>
              %add3A_706 = arith.addi %mul3A_453, %add3A_692 : i32
              %swap3A_707 = arith.index_cast %add3A_706 : i32 to index
              %swap3A_708 = arith.constant 0 : index
              %swap3A_709 = tpu.vector_load %arg18[%swap3A_707, %swap3A_708] {strides = array<i32>} : memref<128x72xf32, #tpu.memory_space<vmem>>, vector<16xf32>,
              tpu.vector_store %arg18[%swap3A_707, %swap3A_708], %mul3A_705 {strides = array<i32>} : memref<128x72xf32, #tpu.memory_space<vmem>>, vector<16xf32>,
              %add3A_710 = arith.addi %mul3A_453, %add3A_692 : i32
              %get3A_711 = arith.index_cast %add3A_710 : i32 to index
              %get3A_712 = arith.constant 16 : index
              %get3A_713 = tpu.vector_load %arg17[%get3A_711, %get3A_712] {strides = array<i32>} : memref<128x64xf32, #tpu.memory_space<vmem>>, vector<16xf32>,
              %add3A_714 = arith.constant 16 : i32
              %add3A_715 = arith.addi %mul3A_696, %add3A_714 : i32
              %get3A_716 = arith.index_cast %add3A_715 : i32 to index
              %get3A_717 = tpu.vector_load %arg16[%get3A_716] {strides = array<i32>} : memref<16384xf32, #tpu.memory_space<vmem>>, vector<16xf32>,
              %mul3A_718 = arith.mulf %get3A_713, %get3A_717 : vector<16xf32>
              %add3A_719 = arith.addi %mul3A_453, %add3A_692 : i32
              %swap3A_720 = arith.index_cast %add3A_719 : i32 to index
              %swap3A_721 = arith.constant 16 : index
              %swap3A_722 = tpu.vector_load %arg18[%swap3A_720, %swap3A_721] {strides = array<i32>} : memref<128x72xf32, #tpu.memory_space<vmem>>, vector<16xf32>,
              tpu.vector_store %arg18[%swap3A_720, %swap3A_721], %mul3A_718 {strides = array<i32>} : memref<128x72xf32, #tpu.memory_space<vmem>>, vector<16xf32>,
              %add3A_723 = arith.addi %mul3A_453, %add3A_692 : i32
              %get3A_724 = arith.index_cast %add3A_723 : i32 to index
              %get3A_725 = arith.constant 32 : index
              %get3A_726 = tpu.vector_load %arg17[%get3A_724, %get3A_725] {strides = array<i32>} : memref<128x64xf32, #tpu.memory_space<vmem>>, vector<16xf32>,
              %add3A_727 = arith.constant 32 : i32
              %add3A_728 = arith.addi %mul3A_696, %add3A_727 : i32
              %get3A_729 = arith.index_cast %add3A_728 : i32 to index
              %get3A_730 = tpu.vector_load %arg16[%get3A_729] {strides = array<i32>} : memref<16384xf32, #tpu.memory_space<vmem>>, vector<16xf32>,
              %mul3A_731 = arith.mulf %get3A_726, %get3A_730 : vector<16xf32>
              %add3A_732 = arith.addi %mul3A_453, %add3A_692 : i32
              %swap3A_733 = arith.index_cast %add3A_732 : i32 to index
              %swap3A_734 = arith.constant 32 : index
              %swap3A_735 = tpu.vector_load %arg18[%swap3A_733, %swap3A_734] {strides = array<i32>} : memref<128x72xf32, #tpu.memory_space<vmem>>, vector<16xf32>,
              tpu.vector_store %arg18[%swap3A_733, %swap3A_734], %mul3A_731 {strides = array<i32>} : memref<128x72xf32, #tpu.memory_space<vmem>>, vector<16xf32>,
              %add3A_736 = arith.addi %mul3A_453, %add3A_692 : i32
              %get3A_737 = arith.index_cast %add3A_736 : i32 to index
              %get3A_738 = arith.constant 48 : index
              %get3A_739 = tpu.vector_load %arg17[%get3A_737, %get3A_738] {strides = array<i32>} : memref<128x64xf32, #tpu.memory_space<vmem>>, vector<16xf32>,
              %add3A_740 = arith.constant 48 : i32
              %add3A_741 = arith.addi %mul3A_696, %add3A_740 : i32
              %get3A_742 = arith.index_cast %add3A_741 : i32 to index
              %get3A_743 = tpu.vector_load %arg16[%get3A_742] {strides = array<i32>} : memref<16384xf32, #tpu.memory_space<vmem>>, vector<16xf32>,
              %mul3A_744 = arith.mulf %get3A_739, %get3A_743 : vector<16xf32>
              %add3A_745 = arith.addi %mul3A_453, %add3A_692 : i32
              %swap3A_746 = arith.index_cast %add3A_745 : i32 to index
              %swap3A_747 = arith.constant 48 : index
              %swap3A_748 = tpu.vector_load %arg18[%swap3A_746, %swap3A_747] {strides = array<i32>} : memref<128x72xf32, #tpu.memory_space<vmem>>, vector<16xf32>,
              tpu.vector_store %arg18[%swap3A_746, %swap3A_747], %mul3A_744 {strides = array<i32>} : memref<128x72xf32, #tpu.memory_space<vmem>>, vector<16xf32>,
              %mul3A_749 = arith.constant 16 : i32
              %mul3A_750 = arith.muli %scan3A_503, %mul3A_749 : i32
              %add3A_751 = arith.constant 4 : i32
              %add3A_752 = arith.addi %mul3A_750, %add3A_751 : i32
              %slice3A_753 = vector.extract_strided_slice %get3A_510 {offsets = [4], sizes = [1], strides = [1]} : vector<16xi32> to vector<1xi32>
              %squeeze3A_754 = vector.extract %slice3A_753[0] : i32 from vector<1xi32>
              %mul3A_755 = arith.constant 64 : i32
              %mul3A_756 = arith.muli %squeeze3A_754, %mul3A_755 : i32
              %add3A_757 = arith.addi %mul3A_453, %add3A_752 : i32
              %get3A_758 = arith.index_cast %add3A_757 : i32 to index
              %get3A_759 = arith.constant 0 : index
              %get3A_760 = tpu.vector_load %arg17[%get3A_758, %get3A_759] {strides = array<i32>} : memref<128x64xf32, #tpu.memory_space<vmem>>, vector<16xf32>,
              %add3A_761 = arith.constant 0 : i32
              %add3A_762 = arith.addi %mul3A_756, %add3A_761 : i32
              %get3A_763 = arith.index_cast %add3A_762 : i32 to index
              %get3A_764 = tpu.vector_load %arg16[%get3A_763] {strides = array<i32>} : memref<16384xf32, #tpu.memory_space<vmem>>, vector<16xf32>,
              %mul3A_765 = arith.mulf %get3A_760, %get3A_764 : vector<16xf32>
              %add3A_766 = arith.addi %mul3A_453, %add3A_752 : i32
              %swap3A_767 = arith.index_cast %add3A_766 : i32 to index
              %swap3A_768 = arith.constant 0 : index
              %swap3A_769 = tpu.vector_load %arg18[%swap3A_767, %swap3A_768] {strides = array<i32>} : memref<128x72xf32, #tpu.memory_space<vmem>>, vector<16xf32>,
              tpu.vector_store %arg18[%swap3A_767, %swap3A_768], %mul3A_765 {strides = array<i32>} : memref<128x72xf32, #tpu.memory_space<vmem>>, vector<16xf32>,
              %add3A_770 = arith.addi %mul3A_453, %add3A_752 : i32
              %get3A_771 = arith.index_cast %add3A_770 : i32 to index
              %get3A_772 = arith.constant 16 : index
              %get3A_773 = tpu.vector_load %arg17[%get3A_771, %get3A_772] {strides = array<i32>} : memref<128x64xf32, #tpu.memory_space<vmem>>, vector<16xf32>,
              %add3A_774 = arith.constant 16 : i32
              %add3A_775 = arith.addi %mul3A_756, %add3A_774 : i32
              %get3A_776 = arith.index_cast %add3A_775 : i32 to index
              %get3A_777 = tpu.vector_load %arg16[%get3A_776] {strides = array<i32>} : memref<16384xf32, #tpu.memory_space<vmem>>, vector<16xf32>,
              %mul3A_778 = arith.mulf %get3A_773, %get3A_777 : vector<16xf32>
              %add3A_779 = arith.addi %mul3A_453, %add3A_752 : i32
              %swap3A_780 = arith.index_cast %add3A_779 : i32 to index
              %swap3A_781 = arith.constant 16 : index
              %swap3A_782 = tpu.vector_load %arg18[%swap3A_780, %swap3A_781] {strides = array<i32>} : memref<128x72xf32, #tpu.memory_space<vmem>>, vector<16xf32>,
              tpu.vector_store %arg18[%swap3A_780, %swap3A_781], %mul3A_778 {strides = array<i32>} : memref<128x72xf32, #tpu.memory_space<vmem>>, vector<16xf32>,
              %add3A_783 = arith.addi %mul3A_453, %add3A_752 : i32
              %get3A_784 = arith.index_cast %add3A_783 : i32 to index
              %get3A_785 = arith.constant 32 : index
              %get3A_786 = tpu.vector_load %arg17[%get3A_784, %get3A_785] {strides = array<i32>} : memref<128x64xf32, #tpu.memory_space<vmem>>, vector<16xf32>,
              %add3A_787 = arith.constant 32 : i32
              %add3A_788 = arith.addi %mul3A_756, %add3A_787 : i32
              %get3A_789 = arith.index_cast %add3A_788 : i32 to index
              %get3A_790 = tpu.vector_load %arg16[%get3A_789] {strides = array<i32>} : memref<16384xf32, #tpu.memory_space<vmem>>, vector<16xf32>,
              %mul3A_791 = arith.mulf %get3A_786, %get3A_790 : vector<16xf32>
              %add3A_792 = arith.addi %mul3A_453, %add3A_752 : i32
              %swap3A_793 = arith.index_cast %add3A_792 : i32 to index
              %swap3A_794 = arith.constant 32 : index
              %swap3A_795 = tpu.vector_load %arg18[%swap3A_793, %swap3A_794] {strides = array<i32>} : memref<128x72xf32, #tpu.memory_space<vmem>>, vector<16xf32>,
              tpu.vector_store %arg18[%swap3A_793, %swap3A_794], %mul3A_791 {strides = array<i32>} : memref<128x72xf32, #tpu.memory_space<vmem>>, vector<16xf32>,
              %add3A_796 = arith.addi %mul3A_453, %add3A_752 : i32
              %get3A_797 = arith.index_cast %add3A_796 : i32 to index
              %get3A_798 = arith.constant 48 : index
              %get3A_799 = tpu.vector_load %arg17[%get3A_797, %get3A_798] {strides = array<i32>} : memref<128x64xf32, #tpu.memory_space<vmem>>, vector<16xf32>,
              %add3A_800 = arith.constant 48 : i32
              %add3A_801 = arith.addi %mul3A_756, %add3A_800 : i32
              %get3A_802 = arith.index_cast %add3A_801 : i32 to index
              %get3A_803 = tpu.vector_load %arg16[%get3A_802] {strides = array<i32>} : memref<16384xf32, #tpu.memory_space<vmem>>, vector<16xf32>,
              %mul3A_804 = arith.mulf %get3A_799, %get3A_803 : vector<16xf32>
              %add3A_805 = arith.addi %mul3A_453, %add3A_752 : i32
              %swap3A_806 = arith.index_cast %add3A_805 : i32 to index
              %swap3A_807 = arith.constant 48 : index
              %swap3A_808 = tpu.vector_load %arg18[%swap3A_806, %swap3A_807] {strides = array<i32>} : memref<128x72xf32, #tpu.memory_space<vmem>>, vector<16xf32>,
              tpu.vector_store %arg18[%swap3A_806, %swap3A_807], %mul3A_804 {strides = array<i32>} : memref<128x72xf32, #tpu.memory_space<vmem>>, vector<16xf32>,
              %mul3A_809 = arith.constant 16 : i32
              %mul3A_810 = arith.muli %scan3A_503, %mul3A_809 : i32
              %add3A_811 = arith.constant 5 : i32
              %add3A_812 = arith.addi %mul3A_810, %add3A_811 : i32
              %slice3A_813 = vector.extract_strided_slice %get3A_510 {offsets = [5], sizes = [1], strides = [1]} : vector<16xi32> to vector<1xi32>
              %squeeze3A_814 = vector.extract %slice3A_813[0] : i32 from vector<1xi32>
              %mul3A_815 = arith.constant 64 : i32
              %mul3A_816 = arith.muli %squeeze3A_814, %mul3A_815 : i32
              %add3A_817 = arith.addi %mul3A_453, %add3A_812 : i32
              %get3A_818 = arith.index_cast %add3A_817 : i32 to index
              %get3A_819 = arith.constant 0 : index
              %get3A_820 = tpu.vector_load %arg17[%get3A_818, %get3A_819] {strides = array<i32>} : memref<128x64xf32, #tpu.memory_space<vmem>>, vector<16xf32>,
              %add3A_821 = arith.constant 0 : i32
              %add3A_822 = arith.addi %mul3A_816, %add3A_821 : i32
              %get3A_823 = arith.index_cast %add3A_822 : i32 to index
              %get3A_824 = tpu.vector_load %arg16[%get3A_823] {strides = array<i32>} : memref<16384xf32, #tpu.memory_space<vmem>>, vector<16xf32>,
              %mul3A_825 = arith.mulf %get3A_820, %get3A_824 : vector<16xf32>
              %add3A_826 = arith.addi %mul3A_453, %add3A_812 : i32
              %swap3A_827 = arith.index_cast %add3A_826 : i32 to index
              %swap3A_828 = arith.constant 0 : index
              %swap3A_829 = tpu.vector_load %arg18[%swap3A_827, %swap3A_828] {strides = array<i32>} : memref<128x72xf32, #tpu.memory_space<vmem>>, vector<16xf32>,
              tpu.vector_store %arg18[%swap3A_827, %swap3A_828], %mul3A_825 {strides = array<i32>} : memref<128x72xf32, #tpu.memory_space<vmem>>, vector<16xf32>,
              %add3A_830 = arith.addi %mul3A_453, %add3A_812 : i32
              %get3A_831 = arith.index_cast %add3A_830 : i32 to index
              %get3A_832 = arith.constant 16 : index
              %get3A_833 = tpu.vector_load %arg17[%get3A_831, %get3A_832] {strides = array<i32>} : memref<128x64xf32, #tpu.memory_space<vmem>>, vector<16xf32>,
              %add3A_834 = arith.constant 16 : i32
              %add3A_835 = arith.addi %mul3A_816, %add3A_834 : i32
              %get3A_836 = arith.index_cast %add3A_835 : i32 to index
              %get3A_837 = tpu.vector_load %arg16[%get3A_836] {strides = array<i32>} : memref<16384xf32, #tpu.memory_space<vmem>>, vector<16xf32>,
              %mul3A_838 = arith.mulf %get3A_833, %get3A_837 : vector<16xf32>
              %add3A_839 = arith.addi %mul3A_453, %add3A_812 : i32
              %swap3A_840 = arith.index_cast %add3A_839 : i32 to index
              %swap3A_841 = arith.constant 16 : index
              %swap3A_842 = tpu.vector_load %arg18[%swap3A_840, %swap3A_841] {strides = array<i32>} : memref<128x72xf32, #tpu.memory_space<vmem>>, vector<16xf32>,
              tpu.vector_store %arg18[%swap3A_840, %swap3A_841], %mul3A_838 {strides = array<i32>} : memref<128x72xf32, #tpu.memory_space<vmem>>, vector<16xf32>,
              %add3A_843 = arith.addi %mul3A_453, %add3A_812 : i32
              %get3A_844 = arith.index_cast %add3A_843 : i32 to index
              %get3A_845 = arith.constant 32 : index
              %get3A_846 = tpu.vector_load %arg17[%get3A_844, %get3A_845] {strides = array<i32>} : memref<128x64xf32, #tpu.memory_space<vmem>>, vector<16xf32>,
              %add3A_847 = arith.constant 32 : i32
              %add3A_848 = arith.addi %mul3A_816, %add3A_847 : i32
              %get3A_849 = arith.index_cast %add3A_848 : i32 to index
              %get3A_850 = tpu.vector_load %arg16[%get3A_849] {strides = array<i32>} : memref<16384xf32, #tpu.memory_space<vmem>>, vector<16xf32>,
              %mul3A_851 = arith.mulf %get3A_846, %get3A_850 : vector<16xf32>
              %add3A_852 = arith.addi %mul3A_453, %add3A_812 : i32
              %swap3A_853 = arith.index_cast %add3A_852 : i32 to index
              %swap3A_854 = arith.constant 32 : index
              %swap3A_855 = tpu.vector_load %arg18[%swap3A_853, %swap3A_854] {strides = array<i32>} : memref<128x72xf32, #tpu.memory_space<vmem>>, vector<16xf32>,
              tpu.vector_store %arg18[%swap3A_853, %swap3A_854], %mul3A_851 {strides = array<i32>} : memref<128x72xf32, #tpu.memory_space<vmem>>, vector<16xf32>,
              %add3A_856 = arith.addi %mul3A_453, %add3A_812 : i32
              %get3A_857 = arith.index_cast %add3A_856 : i32 to index
              %get3A_858 = arith.constant 48 : index
              %get3A_859 = tpu.vector_load %arg17[%get3A_857, %get3A_858] {strides = array<i32>} : memref<128x64xf32, #tpu.memory_space<vmem>>, vector<16xf32>,
              %add3A_860 = arith.constant 48 : i32
              %add3A_861 = arith.addi %mul3A_816, %add3A_860 : i32
              %get3A_862 = arith.index_cast %add3A_861 : i32 to index
              %get3A_863 = tpu.vector_load %arg16[%get3A_862] {strides = array<i32>} : memref<16384xf32, #tpu.memory_space<vmem>>, vector<16xf32>,
              %mul3A_864 = arith.mulf %get3A_859, %get3A_863 : vector<16xf32>
              %add3A_865 = arith.addi %mul3A_453, %add3A_812 : i32
              %swap3A_866 = arith.index_cast %add3A_865 : i32 to index
              %swap3A_867 = arith.constant 48 : index
              %swap3A_868 = tpu.vector_load %arg18[%swap3A_866, %swap3A_867] {strides = array<i32>} : memref<128x72xf32, #tpu.memory_space<vmem>>, vector<16xf32>,
              tpu.vector_store %arg18[%swap3A_866, %swap3A_867], %mul3A_864 {strides = array<i32>} : memref<128x72xf32, #tpu.memory_space<vmem>>, vector<16xf32>,
              %mul3A_869 = arith.constant 16 : i32
              %mul3A_870 = arith.muli %scan3A_503, %mul3A_869 : i32
              %add3A_871 = arith.constant 6 : i32
              %add3A_872 = arith.addi %mul3A_870, %add3A_871 : i32
              %slice3A_873 = vector.extract_strided_slice %get3A_510 {offsets = [6], sizes = [1], strides = [1]} : vector<16xi32> to vector<1xi32>
              %squeeze3A_874 = vector.extract %slice3A_873[0] : i32 from vector<1xi32>
              %mul3A_875 = arith.constant 64 : i32
              %mul3A_876 = arith.muli %squeeze3A_874, %mul3A_875 : i32
              %add3A_877 = arith.addi %mul3A_453, %add3A_872 : i32
              %get3A_878 = arith.index_cast %add3A_877 : i32 to index
              %get3A_879 = arith.constant 0 : index
              %get3A_880 = tpu.vector_load %arg17[%get3A_878, %get3A_879] {strides = array<i32>} : memref<128x64xf32, #tpu.memory_space<vmem>>, vector<16xf32>,
              %add3A_881 = arith.constant 0 : i32
              %add3A_882 = arith.addi %mul3A_876, %add3A_881 : i32
              %get3A_883 = arith.index_cast %add3A_882 : i32 to index
              %get3A_884 = tpu.vector_load %arg16[%get3A_883] {strides = array<i32>} : memref<16384xf32, #tpu.memory_space<vmem>>, vector<16xf32>,
              %mul3A_885 = arith.mulf %get3A_880, %get3A_884 : vector<16xf32>
              %add3A_886 = arith.addi %mul3A_453, %add3A_872 : i32
              %swap3A_887 = arith.index_cast %add3A_886 : i32 to index
              %swap3A_888 = arith.constant 0 : index
              %swap3A_889 = tpu.vector_load %arg18[%swap3A_887, %swap3A_888] {strides = array<i32>} : memref<128x72xf32, #tpu.memory_space<vmem>>, vector<16xf32>,
              tpu.vector_store %arg18[%swap3A_887, %swap3A_888], %mul3A_885 {strides = array<i32>} : memref<128x72xf32, #tpu.memory_space<vmem>>, vector<16xf32>,
              %add3A_890 = arith.addi %mul3A_453, %add3A_872 : i32
              %get3A_891 = arith.index_cast %add3A_890 : i32 to index
              %get3A_892 = arith.constant 16 : index
              %get3A_893 = tpu.vector_load %arg17[%get3A_891, %get3A_892] {strides = array<i32>} : memref<128x64xf32, #tpu.memory_space<vmem>>, vector<16xf32>,
              %add3A_894 = arith.constant 16 : i32
              %add3A_895 = arith.addi %mul3A_876, %add3A_894 : i32
              %get3A_896 = arith.index_cast %add3A_895 : i32 to index
              %get3A_897 = tpu.vector_load %arg16[%get3A_896] {strides = array<i32>} : memref<16384xf32, #tpu.memory_space<vmem>>, vector<16xf32>,
              %mul3A_898 = arith.mulf %get3A_893, %get3A_897 : vector<16xf32>
              %add3A_899 = arith.addi %mul3A_453, %add3A_872 : i32
              %swap3A_900 = arith.index_cast %add3A_899 : i32 to index
              %swap3A_901 = arith.constant 16 : index
              %swap3A_902 = tpu.vector_load %arg18[%swap3A_900, %swap3A_901] {strides = array<i32>} : memref<128x72xf32, #tpu.memory_space<vmem>>, vector<16xf32>,
              tpu.vector_store %arg18[%swap3A_900, %swap3A_901], %mul3A_898 {strides = array<i32>} : memref<128x72xf32, #tpu.memory_space<vmem>>, vector<16xf32>,
              %add3A_903 = arith.addi %mul3A_453, %add3A_872 : i32
              %get3A_904 = arith.index_cast %add3A_903 : i32 to index
              %get3A_905 = arith.constant 32 : index
              %get3A_906 = tpu.vector_load %arg17[%get3A_904, %get3A_905] {strides = array<i32>} : memref<128x64xf32, #tpu.memory_space<vmem>>, vector<16xf32>,
              %add3A_907 = arith.constant 32 : i32
              %add3A_908 = arith.addi %mul3A_876, %add3A_907 : i32
              %get3A_909 = arith.index_cast %add3A_908 : i32 to index
              %get3A_910 = tpu.vector_load %arg16[%get3A_909] {strides = array<i32>} : memref<16384xf32, #tpu.memory_space<vmem>>, vector<16xf32>,
              %mul3A_911 = arith.mulf %get3A_906, %get3A_910 : vector<16xf32>
              %add3A_912 = arith.addi %mul3A_453, %add3A_872 : i32
              %swap3A_913 = arith.index_cast %add3A_912 : i32 to index
              %swap3A_914 = arith.constant 32 : index
              %swap3A_915 = tpu.vector_load %arg18[%swap3A_913, %swap3A_914] {strides = array<i32>} : memref<128x72xf32, #tpu.memory_space<vmem>>, vector<16xf32>,
              tpu.vector_store %arg18[%swap3A_913, %swap3A_914], %mul3A_911 {strides = array<i32>} : memref<128x72xf32, #tpu.memory_space<vmem>>, vector<16xf32>,
              %add3A_916 = arith.addi %mul3A_453, %add3A_872 : i32
              %get3A_917 = arith.index_cast %add3A_916 : i32 to index
              %get3A_918 = arith.constant 48 : index
              %get3A_919 = tpu.vector_load %arg17[%get3A_917, %get3A_918] {strides = array<i32>} : memref<128x64xf32, #tpu.memory_space<vmem>>, vector<16xf32>,
              %add3A_920 = arith.constant 48 : i32
              %add3A_921 = arith.addi %mul3A_876, %add3A_920 : i32
              %get3A_922 = arith.index_cast %add3A_921 : i32 to index
              %get3A_923 = tpu.vector_load %arg16[%get3A_922] {strides = array<i32>} : memref<16384xf32, #tpu.memory_space<vmem>>, vector<16xf32>,
              %mul3A_924 = arith.mulf %get3A_919, %get3A_923 : vector<16xf32>
              %add3A_925 = arith.addi %mul3A_453, %add3A_872 : i32
              %swap3A_926 = arith.index_cast %add3A_925 : i32 to index
              %swap3A_927 = arith.constant 48 : index
              %swap3A_928 = tpu.vector_load %arg18[%swap3A_926, %swap3A_927] {strides = array<i32>} : memref<128x72xf32, #tpu.memory_space<vmem>>, vector<16xf32>,
              tpu.vector_store %arg18[%swap3A_926, %swap3A_927], %mul3A_924 {strides = array<i32>} : memref<128x72xf32, #tpu.memory_space<vmem>>, vector<16xf32>,
              %mul3A_929 = arith.constant 16 : i32
              %mul3A_930 = arith.muli %scan3A_503, %mul3A_929 : i32
              %add3A_931 = arith.constant 7 : i32
              %add3A_932 = arith.addi %mul3A_930, %add3A_931 : i32
              %slice3A_933 = vector.extract_strided_slice %get3A_510 {offsets = [7], sizes = [1], strides = [1]} : vector<16xi32> to vector<1xi32>
              %squeeze3A_934 = vector.extract %slice3A_933[0] : i32 from vector<1xi32>
              %mul3A_935 = arith.constant 64 : i32
              %mul3A_936 = arith.muli %squeeze3A_934, %mul3A_935 : i32
              %add3A_937 = arith.addi %mul3A_453, %add3A_932 : i32
              %get3A_938 = arith.index_cast %add3A_937 : i32 to index
              %get3A_939 = arith.constant 0 : index
              %get3A_940 = tpu.vector_load %arg17[%get3A_938, %get3A_939] {strides = array<i32>} : memref<128x64xf32, #tpu.memory_space<vmem>>, vector<16xf32>,
              %add3A_941 = arith.constant 0 : i32
              %add3A_942 = arith.addi %mul3A_936, %add3A_941 : i32
              %get3A_943 = arith.index_cast %add3A_942 : i32 to index
              %get3A_944 = tpu.vector_load %arg16[%get3A_943] {strides = array<i32>} : memref<16384xf32, #tpu.memory_space<vmem>>, vector<16xf32>,
              %mul3A_945 = arith.mulf %get3A_940, %get3A_944 : vector<16xf32>
              %add3A_946 = arith.addi %mul3A_453, %add3A_932 : i32
              %swap3A_947 = arith.index_cast %add3A_946 : i32 to index
              %swap3A_948 = arith.constant 0 : index
              %swap3A_949 = tpu.vector_load %arg18[%swap3A_947, %swap3A_948] {strides = array<i32>} : memref<128x72xf32, #tpu.memory_space<vmem>>, vector<16xf32>,
              tpu.vector_store %arg18[%swap3A_947, %swap3A_948], %mul3A_945 {strides = array<i32>} : memref<128x72xf32, #tpu.memory_space<vmem>>, vector<16xf32>,
              %add3A_950 = arith.addi %mul3A_453, %add3A_932 : i32
              %get3A_951 = arith.index_cast %add3A_950 : i32 to index
              %get3A_952 = arith.constant 16 : index
              %get3A_953 = tpu.vector_load %arg17[%get3A_951, %get3A_952] {strides = array<i32>} : memref<128x64xf32, #tpu.memory_space<vmem>>, vector<16xf32>,
              %add3A_954 = arith.constant 16 : i32
              %add3A_955 = arith.addi %mul3A_936, %add3A_954 : i32
              %get3A_956 = arith.index_cast %add3A_955 : i32 to index
              %get3A_957 = tpu.vector_load %arg16[%get3A_956] {strides = array<i32>} : memref<16384xf32, #tpu.memory_space<vmem>>, vector<16xf32>,
              %mul3A_958 = arith.mulf %get3A_953, %get3A_957 : vector<16xf32>
              %add3A_959 = arith.addi %mul3A_453, %add3A_932 : i32
              %swap3A_960 = arith.index_cast %add3A_959 : i32 to index
              %swap3A_961 = arith.constant 16 : index
              %swap3A_962 = tpu.vector_load %arg18[%swap3A_960, %swap3A_961] {strides = array<i32>} : memref<128x72xf32, #tpu.memory_space<vmem>>, vector<16xf32>,
              tpu.vector_store %arg18[%swap3A_960, %swap3A_961], %mul3A_958 {strides = array<i32>} : memref<128x72xf32, #tpu.memory_space<vmem>>, vector<16xf32>,
              %add3A_963 = arith.addi %mul3A_453, %add3A_932 : i32
              %get3A_964 = arith.index_cast %add3A_963 : i32 to index
              %get3A_965 = arith.constant 32 : index
              %get3A_966 = tpu.vector_load %arg17[%get3A_964, %get3A_965] {strides = array<i32>} : memref<128x64xf32, #tpu.memory_space<vmem>>, vector<16xf32>,
              %add3A_967 = arith.constant 32 : i32
              %add3A_968 = arith.addi %mul3A_936, %add3A_967 : i32
              %get3A_969 = arith.index_cast %add3A_968 : i32 to index
              %get3A_970 = tpu.vector_load %arg16[%get3A_969] {strides = array<i32>} : memref<16384xf32, #tpu.memory_space<vmem>>, vector<16xf32>,
              %mul3A_971 = arith.mulf %get3A_966, %get3A_970 : vector<16xf32>
              %add3A_972 = arith.addi %mul3A_453, %add3A_932 : i32
              %swap3A_973 = arith.index_cast %add3A_972 : i32 to index
              %swap3A_974 = arith.constant 32 : index
              %swap3A_975 = tpu.vector_load %arg18[%swap3A_973, %swap3A_974] {strides = array<i32>} : memref<128x72xf32, #tpu.memory_space<vmem>>, vector<16xf32>,
              tpu.vector_store %arg18[%swap3A_973, %swap3A_974], %mul3A_971 {strides = array<i32>} : memref<128x72xf32, #tpu.memory_space<vmem>>, vector<16xf32>,
              %add3A_976 = arith.addi %mul3A_453, %add3A_932 : i32
              %get3A_977 = arith.index_cast %add3A_976 : i32 to index
              %get3A_978 = arith.constant 48 : index
              %get3A_979 = tpu.vector_load %arg17[%get3A_977, %get3A_978] {strides = array<i32>} : memref<128x64xf32, #tpu.memory_space<vmem>>, vector<16xf32>,
              %add3A_980 = arith.constant 48 : i32
              %add3A_981 = arith.addi %mul3A_936, %add3A_980 : i32
              %get3A_982 = arith.index_cast %add3A_981 : i32 to index
              %get3A_983 = tpu.vector_load %arg16[%get3A_982] {strides = array<i32>} : memref<16384xf32, #tpu.memory_space<vmem>>, vector<16xf32>,
              %mul3A_984 = arith.mulf %get3A_979, %get3A_983 : vector<16xf32>
              %add3A_985 = arith.addi %mul3A_453, %add3A_932 : i32
              %swap3A_986 = arith.index_cast %add3A_985 : i32 to index
              %swap3A_987 = arith.constant 48 : index
              %swap3A_988 = tpu.vector_load %arg18[%swap3A_986, %swap3A_987] {strides = array<i32>} : memref<128x72xf32, #tpu.memory_space<vmem>>, vector<16xf32>,
              tpu.vector_store %arg18[%swap3A_986, %swap3A_987], %mul3A_984 {strides = array<i32>} : memref<128x72xf32, #tpu.memory_space<vmem>>, vector<16xf32>,
              %mul3A_989 = arith.constant 16 : i32
              %mul3A_990 = arith.muli %scan3A_503, %mul3A_989 : i32
              %add3A_991 = arith.constant 8 : i32
              %add3A_992 = arith.addi %mul3A_990, %add3A_991 : i32
              %slice3A_993 = vector.extract_strided_slice %get3A_510 {offsets = [8], sizes = [1], strides = [1]} : vector<16xi32> to vector<1xi32>
              %squeeze3A_994 = vector.extract %slice3A_993[0] : i32 from vector<1xi32>
              %mul3A_995 = arith.constant 64 : i32
              %mul3A_996 = arith.muli %squeeze3A_994, %mul3A_995 : i32
              %add3A_997 = arith.addi %mul3A_453, %add3A_992 : i32
              %get3A_998 = arith.index_cast %add3A_997 : i32 to index
              %get3A_999 = arith.constant 0 : index
              %get3A_1000 = tpu.vector_load %arg17[%get3A_998, %get3A_999] {strides = array<i32>} : memref<128x64xf32, #tpu.memory_space<vmem>>, vector<16xf32>,
              %add3A_1001 = arith.constant 0 : i32
              %add3A_1002 = arith.addi %mul3A_996, %add3A_1001 : i32
              %get3A_1003 = arith.index_cast %add3A_1002 : i32 to index
              %get3A_1004 = tpu.vector_load %arg16[%get3A_1003] {strides = array<i32>} : memref<16384xf32, #tpu.memory_space<vmem>>, vector<16xf32>,
              %mul3A_1005 = arith.mulf %get3A_1000, %get3A_1004 : vector<16xf32>
              %add3A_1006 = arith.addi %mul3A_453, %add3A_992 : i32
              %swap3A_1007 = arith.index_cast %add3A_1006 : i32 to index
              %swap3A_1008 = arith.constant 0 : index
              %swap3A_1009 = tpu.vector_load %arg18[%swap3A_1007, %swap3A_1008] {strides = array<i32>} : memref<128x72xf32, #tpu.memory_space<vmem>>, vector<16xf32>,
              tpu.vector_store %arg18[%swap3A_1007, %swap3A_1008], %mul3A_1005 {strides = array<i32>} : memref<128x72xf32, #tpu.memory_space<vmem>>, vector<16xf32>,
              %add3A_1010 = arith.addi %mul3A_453, %add3A_992 : i32
              %get3A_1011 = arith.index_cast %add3A_1010 : i32 to index
              %get3A_1012 = arith.constant 16 : index
              %get3A_1013 = tpu.vector_load %arg17[%get3A_1011, %get3A_1012] {strides = array<i32>} : memref<128x64xf32, #tpu.memory_space<vmem>>, vector<16xf32>,
              %add3A_1014 = arith.constant 16 : i32
              %add3A_1015 = arith.addi %mul3A_996, %add3A_1014 : i32
              %get3A_1016 = arith.index_cast %add3A_1015 : i32 to index
              %get3A_1017 = tpu.vector_load %arg16[%get3A_1016] {strides = array<i32>} : memref<16384xf32, #tpu.memory_space<vmem>>, vector<16xf32>,
              %mul3A_1018 = arith.mulf %get3A_1013, %get3A_1017 : vector<16xf32>
              %add3A_1019 = arith.addi %mul3A_453, %add3A_992 : i32
              %swap3A_1020 = arith.index_cast %add3A_1019 : i32 to index
              %swap3A_1021 = arith.constant 16 : index
              %swap3A_1022 = tpu.vector_load %arg18[%swap3A_1020, %swap3A_1021] {strides = array<i32>} : memref<128x72xf32, #tpu.memory_space<vmem>>, vector<16xf32>,
              tpu.vector_store %arg18[%swap3A_1020, %swap3A_1021], %mul3A_1018 {strides = array<i32>} : memref<128x72xf32, #tpu.memory_space<vmem>>, vector<16xf32>,
              %add3A_1023 = arith.addi %mul3A_453, %add3A_992 : i32
              %get3A_1024 = arith.index_cast %add3A_1023 : i32 to index
              %get3A_1025 = arith.constant 32 : index
              %get3A_1026 = tpu.vector_load %arg17[%get3A_1024, %get3A_1025] {strides = array<i32>} : memref<128x64xf32, #tpu.memory_space<vmem>>, vector<16xf32>,
              %add3A_1027 = arith.constant 32 : i32
              %add3A_1028 = arith.addi %mul3A_996, %add3A_1027 : i32
              %get3A_1029 = arith.index_cast %add3A_1028 : i32 to index
              %get3A_1030 = tpu.vector_load %arg16[%get3A_1029] {strides = array<i32>} : memref<16384xf32, #tpu.memory_space<vmem>>, vector<16xf32>,
              %mul3A_1031 = arith.mulf %get3A_1026, %get3A_1030 : vector<16xf32>
              %add3A_1032 = arith.addi %mul3A_453, %add3A_992 : i32
              %swap3A_1033 = arith.index_cast %add3A_1032 : i32 to index
              %swap3A_1034 = arith.constant 32 : index
              %swap3A_1035 = tpu.vector_load %arg18[%swap3A_1033, %swap3A_1034] {strides = array<i32>} : memref<128x72xf32, #tpu.memory_space<vmem>>, vector<16xf32>,
              tpu.vector_store %arg18[%swap3A_1033, %swap3A_1034], %mul3A_1031 {strides = array<i32>} : memref<128x72xf32, #tpu.memory_space<vmem>>, vector<16xf32>,
              %add3A_1036 = arith.addi %mul3A_453, %add3A_992 : i32
              %get3A_1037 = arith.index_cast %add3A_1036 : i32 to index
              %get3A_1038 = arith.constant 48 : index
              %get3A_1039 = tpu.vector_load %arg17[%get3A_1037, %get3A_1038] {strides = array<i32>} : memref<128x64xf32, #tpu.memory_space<vmem>>, vector<16xf32>,
              %add3A_1040 = arith.constant 48 : i32
              %add3A_1041 = arith.addi %mul3A_996, %add3A_1040 : i32
              %get3A_1042 = arith.index_cast %add3A_1041 : i32 to index
              %get3A_1043 = tpu.vector_load %arg16[%get3A_1042] {strides = array<i32>} : memref<16384xf32, #tpu.memory_space<vmem>>, vector<16xf32>,
              %mul3A_1044 = arith.mulf %get3A_1039, %get3A_1043 : vector<16xf32>
              %add3A_1045 = arith.addi %mul3A_453, %add3A_992 : i32
              %swap3A_1046 = arith.index_cast %add3A_1045 : i32 to index
              %swap3A_1047 = arith.constant 48 : index
              %swap3A_1048 = tpu.vector_load %arg18[%swap3A_1046, %swap3A_1047] {strides = array<i32>} : memref<128x72xf32, #tpu.memory_space<vmem>>, vector<16xf32>,
              tpu.vector_store %arg18[%swap3A_1046, %swap3A_1047], %mul3A_1044 {strides = array<i32>} : memref<128x72xf32, #tpu.memory_space<vmem>>, vector<16xf32>,
              %mul3A_1049 = arith.constant 16 : i32
              %mul3A_1050 = arith.muli %scan3A_503, %mul3A_1049 : i32
              %add3A_1051 = arith.constant 9 : i32
              %add3A_1052 = arith.addi %mul3A_1050, %add3A_1051 : i32
              %slice3A_1053 = vector.extract_strided_slice %get3A_510 {offsets = [9], sizes = [1], strides = [1]} : vector<16xi32> to vector<1xi32>
              %squeeze3A_1054 = vector.extract %slice3A_1053[0] : i32 from vector<1xi32>
              %mul3A_1055 = arith.constant 64 : i32
              %mul3A_1056 = arith.muli %squeeze3A_1054, %mul3A_1055 : i32
              %add3A_1057 = arith.addi %mul3A_453, %add3A_1052 : i32
              %get3A_1058 = arith.index_cast %add3A_1057 : i32 to index
              %get3A_1059 = arith.constant 0 : index
              %get3A_1060 = tpu.vector_load %arg17[%get3A_1058, %get3A_1059] {strides = array<i32>} : memref<128x64xf32, #tpu.memory_space<vmem>>, vector<16xf32>,
              %add3A_1061 = arith.constant 0 : i32
              %add3A_1062 = arith.addi %mul3A_1056, %add3A_1061 : i32
              %get3A_1063 = arith.index_cast %add3A_1062 : i32 to index
              %get3A_1064 = tpu.vector_load %arg16[%get3A_1063] {strides = array<i32>} : memref<16384xf32, #tpu.memory_space<vmem>>, vector<16xf32>,
              %mul3A_1065 = arith.mulf %get3A_1060, %get3A_1064 : vector<16xf32>
              %add3A_1066 = arith.addi %mul3A_453, %add3A_1052 : i32
              %swap3A_1067 = arith.index_cast %add3A_1066 : i32 to index
              %swap3A_1068 = arith.constant 0 : index
              %swap3A_1069 = tpu.vector_load %arg18[%swap3A_1067, %swap3A_1068] {strides = array<i32>} : memref<128x72xf32, #tpu.memory_space<vmem>>, vector<16xf32>,
              tpu.vector_store %arg18[%swap3A_1067, %swap3A_1068], %mul3A_1065 {strides = array<i32>} : memref<128x72xf32, #tpu.memory_space<vmem>>, vector<16xf32>,
              %add3A_1070 = arith.addi %mul3A_453, %add3A_1052 : i32
              %get3A_1071 = arith.index_cast %add3A_1070 : i32 to index
              %get3A_1072 = arith.constant 16 : index
              %get3A_1073 = tpu.vector_load %arg17[%get3A_1071, %get3A_1072] {strides = array<i32>} : memref<128x64xf32, #tpu.memory_space<vmem>>, vector<16xf32>,
              %add3A_1074 = arith.constant 16 : i32
              %add3A_1075 = arith.addi %mul3A_1056, %add3A_1074 : i32
              %get3A_1076 = arith.index_cast %add3A_1075 : i32 to index
              %get3A_1077 = tpu.vector_load %arg16[%get3A_1076] {strides = array<i32>} : memref<16384xf32, #tpu.memory_space<vmem>>, vector<16xf32>,
              %mul3A_1078 = arith.mulf %get3A_1073, %get3A_1077 : vector<16xf32>
              %add3A_1079 = arith.addi %mul3A_453, %add3A_1052 : i32
              %swap3A_1080 = arith.index_cast %add3A_1079 : i32 to index
              %swap3A_1081 = arith.constant 16 : index
              %swap3A_1082 = tpu.vector_load %arg18[%swap3A_1080, %swap3A_1081] {strides = array<i32>} : memref<128x72xf32, #tpu.memory_space<vmem>>, vector<16xf32>,
              tpu.vector_store %arg18[%swap3A_1080, %swap3A_1081], %mul3A_1078 {strides = array<i32>} : memref<128x72xf32, #tpu.memory_space<vmem>>, vector<16xf32>,
              %add3A_1083 = arith.addi %mul3A_453, %add3A_1052 : i32
              %get3A_1084 = arith.index_cast %add3A_1083 : i32 to index
              %get3A_1085 = arith.constant 32 : index
              %get3A_1086 = tpu.vector_load %arg17[%get3A_1084, %get3A_1085] {strides = array<i32>} : memref<128x64xf32, #tpu.memory_space<vmem>>, vector<16xf32>,
              %add3A_1087 = arith.constant 32 : i32
              %add3A_1088 = arith.addi %mul3A_1056, %add3A_1087 : i32
              %get3A_1089 = arith.index_cast %add3A_1088 : i32 to index
              %get3A_1090 = tpu.vector_load %arg16[%get3A_1089] {strides = array<i32>} : memref<16384xf32, #tpu.memory_space<vmem>>, vector<16xf32>,
              %mul3A_1091 = arith.mulf %get3A_1086, %get3A_1090 : vector<16xf32>
              %add3A_1092 = arith.addi %mul3A_453, %add3A_1052 : i32
              %swap3A_1093 = arith.index_cast %add3A_1092 : i32 to index
              %swap3A_1094 = arith.constant 32 : index
              %swap3A_1095 = tpu.vector_load %arg18[%swap3A_1093, %swap3A_1094] {strides = array<i32>} : memref<128x72xf32, #tpu.memory_space<vmem>>, vector<16xf32>,
              tpu.vector_store %arg18[%swap3A_1093, %swap3A_1094], %mul3A_1091 {strides = array<i32>} : memref<128x72xf32, #tpu.memory_space<vmem>>, vector<16xf32>,
              %add3A_1096 = arith.addi %mul3A_453, %add3A_1052 : i32
              %get3A_1097 = arith.index_cast %add3A_1096 : i32 to index
              %get3A_1098 = arith.constant 48 : index
              %get3A_1099 = tpu.vector_load %arg17[%get3A_1097, %get3A_1098] {strides = array<i32>} : memref<128x64xf32, #tpu.memory_space<vmem>>, vector<16xf32>,
              %add3A_1100 = arith.constant 48 : i32
              %add3A_1101 = arith.addi %mul3A_1056, %add3A_1100 : i32
              %get3A_1102 = arith.index_cast %add3A_1101 : i32 to index
              %get3A_1103 = tpu.vector_load %arg16[%get3A_1102] {strides = array<i32>} : memref<16384xf32, #tpu.memory_space<vmem>>, vector<16xf32>,
              %mul3A_1104 = arith.mulf %get3A_1099, %get3A_1103 : vector<16xf32>
              %add3A_1105 = arith.addi %mul3A_453, %add3A_1052 : i32
              %swap3A_1106 = arith.index_cast %add3A_1105 : i32 to index
              %swap3A_1107 = arith.constant 48 : index
              %swap3A_1108 = tpu.vector_load %arg18[%swap3A_1106, %swap3A_1107] {strides = array<i32>} : memref<128x72xf32, #tpu.memory_space<vmem>>, vector<16xf32>,
              tpu.vector_store %arg18[%swap3A_1106, %swap3A_1107], %mul3A_1104 {strides = array<i32>} : memref<128x72xf32, #tpu.memory_space<vmem>>, vector<16xf32>,
              %mul3A_1109 = arith.constant 16 : i32
              %mul3A_1110 = arith.muli %scan3A_503, %mul3A_1109 : i32
              %add3A_1111 = arith.constant 10 : i32
              %add3A_1112 = arith.addi %mul3A_1110, %add3A_1111 : i32
              %slice3A_1113 = vector.extract_strided_slice %get3A_510 {offsets = [10], sizes = [1], strides = [1]} : vector<16xi32> to vector<1xi32>
              %squeeze3A_1114 = vector.extract %slice3A_1113[0] : i32 from vector<1xi32>
              %mul3A_1115 = arith.constant 64 : i32
              %mul3A_1116 = arith.muli %squeeze3A_1114, %mul3A_1115 : i32
              %add3A_1117 = arith.addi %mul3A_453, %add3A_1112 : i32
              %get3A_1118 = arith.index_cast %add3A_1117 : i32 to index
              %get3A_1119 = arith.constant 0 : index
              %get3A_1120 = tpu.vector_load %arg17[%get3A_1118, %get3A_1119] {strides = array<i32>} : memref<128x64xf32, #tpu.memory_space<vmem>>, vector<16xf32>,
              %add3A_1121 = arith.constant 0 : i32
              %add3A_1122 = arith.addi %mul3A_1116, %add3A_1121 : i32
              %get3A_1123 = arith.index_cast %add3A_1122 : i32 to index
              %get3A_1124 = tpu.vector_load %arg16[%get3A_1123] {strides = array<i32>} : memref<16384xf32, #tpu.memory_space<vmem>>, vector<16xf32>,
              %mul3A_1125 = arith.mulf %get3A_1120, %get3A_1124 : vector<16xf32>
              %add3A_1126 = arith.addi %mul3A_453, %add3A_1112 : i32
              %swap3A_1127 = arith.index_cast %add3A_1126 : i32 to index
              %swap3A_1128 = arith.constant 0 : index
              %swap3A_1129 = tpu.vector_load %arg18[%swap3A_1127, %swap3A_1128] {strides = array<i32>} : memref<128x72xf32, #tpu.memory_space<vmem>>, vector<16xf32>,
              tpu.vector_store %arg18[%swap3A_1127, %swap3A_1128], %mul3A_1125 {strides = array<i32>} : memref<128x72xf32, #tpu.memory_space<vmem>>, vector<16xf32>,
              %add3A_1130 = arith.addi %mul3A_453, %add3A_1112 : i32
              %get3A_1131 = arith.index_cast %add3A_1130 : i32 to index
              %get3A_1132 = arith.constant 16 : index
              %get3A_1133 = tpu.vector_load %arg17[%get3A_1131, %get3A_1132] {strides = array<i32>} : memref<128x64xf32, #tpu.memory_space<vmem>>, vector<16xf32>,
              %add3A_1134 = arith.constant 16 : i32
              %add3A_1135 = arith.addi %mul3A_1116, %add3A_1134 : i32
              %get3A_1136 = arith.index_cast %add3A_1135 : i32 to index
              %get3A_1137 = tpu.vector_load %arg16[%get3A_1136] {strides = array<i32>} : memref<16384xf32, #tpu.memory_space<vmem>>, vector<16xf32>,
              %mul3A_1138 = arith.mulf %get3A_1133, %get3A_1137 : vector<16xf32>
              %add3A_1139 = arith.addi %mul3A_453, %add3A_1112 : i32
              %swap3A_1140 = arith.index_cast %add3A_1139 : i32 to index
              %swap3A_1141 = arith.constant 16 : index
              %swap3A_1142 = tpu.vector_load %arg18[%swap3A_1140, %swap3A_1141] {strides = array<i32>} : memref<128x72xf32, #tpu.memory_space<vmem>>, vector<16xf32>,
              tpu.vector_store %arg18[%swap3A_1140, %swap3A_1141], %mul3A_1138 {strides = array<i32>} : memref<128x72xf32, #tpu.memory_space<vmem>>, vector<16xf32>,
              %add3A_1143 = arith.addi %mul3A_453, %add3A_1112 : i32
              %get3A_1144 = arith.index_cast %add3A_1143 : i32 to index
              %get3A_1145 = arith.constant 32 : index
              %get3A_1146 = tpu.vector_load %arg17[%get3A_1144, %get3A_1145] {strides = array<i32>} : memref<128x64xf32, #tpu.memory_space<vmem>>, vector<16xf32>,
              %add3A_1147 = arith.constant 32 : i32
              %add3A_1148 = arith.addi %mul3A_1116, %add3A_1147 : i32
              %get3A_1149 = arith.index_cast %add3A_1148 : i32 to index
              %get3A_1150 = tpu.vector_load %arg16[%get3A_1149] {strides = array<i32>} : memref<16384xf32, #tpu.memory_space<vmem>>, vector<16xf32>,
              %mul3A_1151 = arith.mulf %get3A_1146, %get3A_1150 : vector<16xf32>
              %add3A_1152 = arith.addi %mul3A_453, %add3A_1112 : i32
              %swap3A_1153 = arith.index_cast %add3A_1152 : i32 to index
              %swap3A_1154 = arith.constant 32 : index
              %swap3A_1155 = tpu.vector_load %arg18[%swap3A_1153, %swap3A_1154] {strides = array<i32>} : memref<128x72xf32, #tpu.memory_space<vmem>>, vector<16xf32>,
              tpu.vector_store %arg18[%swap3A_1153, %swap3A_1154], %mul3A_1151 {strides = array<i32>} : memref<128x72xf32, #tpu.memory_space<vmem>>, vector<16xf32>,
              %add3A_1156 = arith.addi %mul3A_453, %add3A_1112 : i32
              %get3A_1157 = arith.index_cast %add3A_1156 : i32 to index
              %get3A_1158 = arith.constant 48 : index
              %get3A_1159 = tpu.vector_load %arg17[%get3A_1157, %get3A_1158] {strides = array<i32>} : memref<128x64xf32, #tpu.memory_space<vmem>>, vector<16xf32>,
              %add3A_1160 = arith.constant 48 : i32
              %add3A_1161 = arith.addi %mul3A_1116, %add3A_1160 : i32
              %get3A_1162 = arith.index_cast %add3A_1161 : i32 to index
              %get3A_1163 = tpu.vector_load %arg16[%get3A_1162] {strides = array<i32>} : memref<16384xf32, #tpu.memory_space<vmem>>, vector<16xf32>,
              %mul3A_1164 = arith.mulf %get3A_1159, %get3A_1163 : vector<16xf32>
              %add3A_1165 = arith.addi %mul3A_453, %add3A_1112 : i32
              %swap3A_1166 = arith.index_cast %add3A_1165 : i32 to index
              %swap3A_1167 = arith.constant 48 : index
              %swap3A_1168 = tpu.vector_load %arg18[%swap3A_1166, %swap3A_1167] {strides = array<i32>} : memref<128x72xf32, #tpu.memory_space<vmem>>, vector<16xf32>,
              tpu.vector_store %arg18[%swap3A_1166, %swap3A_1167], %mul3A_1164 {strides = array<i32>} : memref<128x72xf32, #tpu.memory_space<vmem>>, vector<16xf32>,
              %mul3A_1169 = arith.constant 16 : i32
              %mul3A_1170 = arith.muli %scan3A_503, %mul3A_1169 : i32
              %add3A_1171 = arith.constant 11 : i32
              %add3A_1172 = arith.addi %mul3A_1170, %add3A_1171 : i32
              %slice3A_1173 = vector.extract_strided_slice %get3A_510 {offsets = [11], sizes = [1], strides = [1]} : vector<16xi32> to vector<1xi32>
              %squeeze3A_1174 = vector.extract %slice3A_1173[0] : i32 from vector<1xi32>
              %mul3A_1175 = arith.constant 64 : i32
              %mul3A_1176 = arith.muli %squeeze3A_1174, %mul3A_1175 : i32
              %add3A_1177 = arith.addi %mul3A_453, %add3A_1172 : i32
              %get3A_1178 = arith.index_cast %add3A_1177 : i32 to index
              %get3A_1179 = arith.constant 0 : index
              %get3A_1180 = tpu.vector_load %arg17[%get3A_1178, %get3A_1179] {strides = array<i32>} : memref<128x64xf32, #tpu.memory_space<vmem>>, vector<16xf32>,
              %add3A_1181 = arith.constant 0 : i32
              %add3A_1182 = arith.addi %mul3A_1176, %add3A_1181 : i32
              %get3A_1183 = arith.index_cast %add3A_1182 : i32 to index
              %get3A_1184 = tpu.vector_load %arg16[%get3A_1183] {strides = array<i32>} : memref<16384xf32, #tpu.memory_space<vmem>>, vector<16xf32>,
              %mul3A_1185 = arith.mulf %get3A_1180, %get3A_1184 : vector<16xf32>
              %add3A_1186 = arith.addi %mul3A_453, %add3A_1172 : i32
              %swap3A_1187 = arith.index_cast %add3A_1186 : i32 to index
              %swap3A_1188 = arith.constant 0 : index
              %swap3A_1189 = tpu.vector_load %arg18[%swap3A_1187, %swap3A_1188] {strides = array<i32>} : memref<128x72xf32, #tpu.memory_space<vmem>>, vector<16xf32>,
              tpu.vector_store %arg18[%swap3A_1187, %swap3A_1188], %mul3A_1185 {strides = array<i32>} : memref<128x72xf32, #tpu.memory_space<vmem>>, vector<16xf32>,
              %add3A_1190 = arith.addi %mul3A_453, %add3A_1172 : i32
              %get3A_1191 = arith.index_cast %add3A_1190 : i32 to index
              %get3A_1192 = arith.constant 16 : index
              %get3A_1193 = tpu.vector_load %arg17[%get3A_1191, %get3A_1192] {strides = array<i32>} : memref<128x64xf32, #tpu.memory_space<vmem>>, vector<16xf32>,
              %add3A_1194 = arith.constant 16 : i32
              %add3A_1195 = arith.addi %mul3A_1176, %add3A_1194 : i32
              %get3A_1196 = arith.index_cast %add3A_1195 : i32 to index
              %get3A_1197 = tpu.vector_load %arg16[%get3A_1196] {strides = array<i32>} : memref<16384xf32, #tpu.memory_space<vmem>>, vector<16xf32>,
              %mul3A_1198 = arith.mulf %get3A_1193, %get3A_1197 : vector<16xf32>
              %add3A_1199 = arith.addi %mul3A_453, %add3A_1172 : i32
              %swap3A_1200 = arith.index_cast %add3A_1199 : i32 to index
              %swap3A_1201 = arith.constant 16 : index
              %swap3A_1202 = tpu.vector_load %arg18[%swap3A_1200, %swap3A_1201] {strides = array<i32>} : memref<128x72xf32, #tpu.memory_space<vmem>>, vector<16xf32>,
              tpu.vector_store %arg18[%swap3A_1200, %swap3A_1201], %mul3A_1198 {strides = array<i32>} : memref<128x72xf32, #tpu.memory_space<vmem>>, vector<16xf32>,
              %add3A_1203 = arith.addi %mul3A_453, %add3A_1172 : i32
              %get3A_1204 = arith.index_cast %add3A_1203 : i32 to index
              %get3A_1205 = arith.constant 32 : index
              %get3A_1206 = tpu.vector_load %arg17[%get3A_1204, %get3A_1205] {strides = array<i32>} : memref<128x64xf32, #tpu.memory_space<vmem>>, vector<16xf32>,
              %add3A_1207 = arith.constant 32 : i32
              %add3A_1208 = arith.addi %mul3A_1176, %add3A_1207 : i32
              %get3A_1209 = arith.index_cast %add3A_1208 : i32 to index
              %get3A_1210 = tpu.vector_load %arg16[%get3A_1209] {strides = array<i32>} : memref<16384xf32, #tpu.memory_space<vmem>>, vector<16xf32>,
              %mul3A_1211 = arith.mulf %get3A_1206, %get3A_1210 : vector<16xf32>
              %add3A_1212 = arith.addi %mul3A_453, %add3A_1172 : i32
              %swap3A_1213 = arith.index_cast %add3A_1212 : i32 to index
              %swap3A_1214 = arith.constant 32 : index
              %swap3A_1215 = tpu.vector_load %arg18[%swap3A_1213, %swap3A_1214] {strides = array<i32>} : memref<128x72xf32, #tpu.memory_space<vmem>>, vector<16xf32>,
              tpu.vector_store %arg18[%swap3A_1213, %swap3A_1214], %mul3A_1211 {strides = array<i32>} : memref<128x72xf32, #tpu.memory_space<vmem>>, vector<16xf32>,
              %add3A_1216 = arith.addi %mul3A_453, %add3A_1172 : i32
              %get3A_1217 = arith.index_cast %add3A_1216 : i32 to index
              %get3A_1218 = arith.constant 48 : index
              %get3A_1219 = tpu.vector_load %arg17[%get3A_1217, %get3A_1218] {strides = array<i32>} : memref<128x64xf32, #tpu.memory_space<vmem>>, vector<16xf32>,
              %add3A_1220 = arith.constant 48 : i32
              %add3A_1221 = arith.addi %mul3A_1176, %add3A_1220 : i32
              %get3A_1222 = arith.index_cast %add3A_1221 : i32 to index
              %get3A_1223 = tpu.vector_load %arg16[%get3A_1222] {strides = array<i32>} : memref<16384xf32, #tpu.memory_space<vmem>>, vector<16xf32>,
              %mul3A_1224 = arith.mulf %get3A_1219, %get3A_1223 : vector<16xf32>
              %add3A_1225 = arith.addi %mul3A_453, %add3A_1172 : i32
              %swap3A_1226 = arith.index_cast %add3A_1225 : i32 to index
              %swap3A_1227 = arith.constant 48 : index
              %swap3A_1228 = tpu.vector_load %arg18[%swap3A_1226, %swap3A_1227] {strides = array<i32>} : memref<128x72xf32, #tpu.memory_space<vmem>>, vector<16xf32>,
              tpu.vector_store %arg18[%swap3A_1226, %swap3A_1227], %mul3A_1224 {strides = array<i32>} : memref<128x72xf32, #tpu.memory_space<vmem>>, vector<16xf32>,
              %mul3A_1229 = arith.constant 16 : i32
              %mul3A_1230 = arith.muli %scan3A_503, %mul3A_1229 : i32
              %add3A_1231 = arith.constant 12 : i32
              %add3A_1232 = arith.addi %mul3A_1230, %add3A_1231 : i32
              %slice3A_1233 = vector.extract_strided_slice %get3A_510 {offsets = [12], sizes = [1], strides = [1]} : vector<16xi32> to vector<1xi32>
              %squeeze3A_1234 = vector.extract %slice3A_1233[0] : i32 from vector<1xi32>
              %mul3A_1235 = arith.constant 64 : i32
              %mul3A_1236 = arith.muli %squeeze3A_1234, %mul3A_1235 : i32
              %add3A_1237 = arith.addi %mul3A_453, %add3A_1232 : i32
              %get3A_1238 = arith.index_cast %add3A_1237 : i32 to index
              %get3A_1239 = arith.constant 0 : index
              %get3A_1240 = tpu.vector_load %arg17[%get3A_1238, %get3A_1239] {strides = array<i32>} : memref<128x64xf32, #tpu.memory_space<vmem>>, vector<16xf32>,
              %add3A_1241 = arith.constant 0 : i32
              %add3A_1242 = arith.addi %mul3A_1236, %add3A_1241 : i32
              %get3A_1243 = arith.index_cast %add3A_1242 : i32 to index
              %get3A_1244 = tpu.vector_load %arg16[%get3A_1243] {strides = array<i32>} : memref<16384xf32, #tpu.memory_space<vmem>>, vector<16xf32>,
              %mul3A_1245 = arith.mulf %get3A_1240, %get3A_1244 : vector<16xf32>
              %add3A_1246 = arith.addi %mul3A_453, %add3A_1232 : i32
              %swap3A_1247 = arith.index_cast %add3A_1246 : i32 to index
              %swap3A_1248 = arith.constant 0 : index
              %swap3A_1249 = tpu.vector_load %arg18[%swap3A_1247, %swap3A_1248] {strides = array<i32>} : memref<128x72xf32, #tpu.memory_space<vmem>>, vector<16xf32>,
              tpu.vector_store %arg18[%swap3A_1247, %swap3A_1248], %mul3A_1245 {strides = array<i32>} : memref<128x72xf32, #tpu.memory_space<vmem>>, vector<16xf32>,
              %add3A_1250 = arith.addi %mul3A_453, %add3A_1232 : i32
              %get3A_1251 = arith.index_cast %add3A_1250 : i32 to index
              %get3A_1252 = arith.constant 16 : index
              %get3A_1253 = tpu.vector_load %arg17[%get3A_1251, %get3A_1252] {strides = array<i32>} : memref<128x64xf32, #tpu.memory_space<vmem>>, vector<16xf32>,
              %add3A_1254 = arith.constant 16 : i32
              %add3A_1255 = arith.addi %mul3A_1236, %add3A_1254 : i32
              %get3A_1256 = arith.index_cast %add3A_1255 : i32 to index
              %get3A_1257 = tpu.vector_load %arg16[%get3A_1256] {strides = array<i32>} : memref<16384xf32, #tpu.memory_space<vmem>>, vector<16xf32>,
              %mul3A_1258 = arith.mulf %get3A_1253, %get3A_1257 : vector<16xf32>
              %add3A_1259 = arith.addi %mul3A_453, %add3A_1232 : i32
              %swap3A_1260 = arith.index_cast %add3A_1259 : i32 to index
              %swap3A_1261 = arith.constant 16 : index
              %swap3A_1262 = tpu.vector_load %arg18[%swap3A_1260, %swap3A_1261] {strides = array<i32>} : memref<128x72xf32, #tpu.memory_space<vmem>>, vector<16xf32>,
              tpu.vector_store %arg18[%swap3A_1260, %swap3A_1261], %mul3A_1258 {strides = array<i32>} : memref<128x72xf32, #tpu.memory_space<vmem>>, vector<16xf32>,
              %add3A_1263 = arith.addi %mul3A_453, %add3A_1232 : i32
              %get3A_1264 = arith.index_cast %add3A_1263 : i32 to index
              %get3A_1265 = arith.constant 32 : index
              %get3A_1266 = tpu.vector_load %arg17[%get3A_1264, %get3A_1265] {strides = array<i32>} : memref<128x64xf32, #tpu.memory_space<vmem>>, vector<16xf32>,
              %add3A_1267 = arith.constant 32 : i32
              %add3A_1268 = arith.addi %mul3A_1236, %add3A_1267 : i32
              %get3A_1269 = arith.index_cast %add3A_1268 : i32 to index
              %get3A_1270 = tpu.vector_load %arg16[%get3A_1269] {strides = array<i32>} : memref<16384xf32, #tpu.memory_space<vmem>>, vector<16xf32>,
              %mul3A_1271 = arith.mulf %get3A_1266, %get3A_1270 : vector<16xf32>
              %add3A_1272 = arith.addi %mul3A_453, %add3A_1232 : i32
              %swap3A_1273 = arith.index_cast %add3A_1272 : i32 to index
              %swap3A_1274 = arith.constant 32 : index
              %swap3A_1275 = tpu.vector_load %arg18[%swap3A_1273, %swap3A_1274] {strides = array<i32>} : memref<128x72xf32, #tpu.memory_space<vmem>>, vector<16xf32>,
              tpu.vector_store %arg18[%swap3A_1273, %swap3A_1274], %mul3A_1271 {strides = array<i32>} : memref<128x72xf32, #tpu.memory_space<vmem>>, vector<16xf32>,
              %add3A_1276 = arith.addi %mul3A_453, %add3A_1232 : i32
              %get3A_1277 = arith.index_cast %add3A_1276 : i32 to index
              %get3A_1278 = arith.constant 48 : index
              %get3A_1279 = tpu.vector_load %arg17[%get3A_1277, %get3A_1278] {strides = array<i32>} : memref<128x64xf32, #tpu.memory_space<vmem>>, vector<16xf32>,
              %add3A_1280 = arith.constant 48 : i32
              %add3A_1281 = arith.addi %mul3A_1236, %add3A_1280 : i32
              %get3A_1282 = arith.index_cast %add3A_1281 : i32 to index
              %get3A_1283 = tpu.vector_load %arg16[%get3A_1282] {strides = array<i32>} : memref<16384xf32, #tpu.memory_space<vmem>>, vector<16xf32>,
              %mul3A_1284 = arith.mulf %get3A_1279, %get3A_1283 : vector<16xf32>
              %add3A_1285 = arith.addi %mul3A_453, %add3A_1232 : i32
              %swap3A_1286 = arith.index_cast %add3A_1285 : i32 to index
              %swap3A_1287 = arith.constant 48 : index
              %swap3A_1288 = tpu.vector_load %arg18[%swap3A_1286, %swap3A_1287] {strides = array<i32>} : memref<128x72xf32, #tpu.memory_space<vmem>>, vector<16xf32>,
              tpu.vector_store %arg18[%swap3A_1286, %swap3A_1287], %mul3A_1284 {strides = array<i32>} : memref<128x72xf32, #tpu.memory_space<vmem>>, vector<16xf32>,
              %mul3A_1289 = arith.constant 16 : i32
              %mul3A_1290 = arith.muli %scan3A_503, %mul3A_1289 : i32
              %add3A_1291 = arith.constant 13 : i32
              %add3A_1292 = arith.addi %mul3A_1290, %add3A_1291 : i32
              %slice3A_1293 = vector.extract_strided_slice %get3A_510 {offsets = [13], sizes = [1], strides = [1]} : vector<16xi32> to vector<1xi32>
              %squeeze3A_1294 = vector.extract %slice3A_1293[0] : i32 from vector<1xi32>
              %mul3A_1295 = arith.constant 64 : i32
              %mul3A_1296 = arith.muli %squeeze3A_1294, %mul3A_1295 : i32
              %add3A_1297 = arith.addi %mul3A_453, %add3A_1292 : i32
              %get3A_1298 = arith.index_cast %add3A_1297 : i32 to index
              %get3A_1299 = arith.constant 0 : index
              %get3A_1300 = tpu.vector_load %arg17[%get3A_1298, %get3A_1299] {strides = array<i32>} : memref<128x64xf32, #tpu.memory_space<vmem>>, vector<16xf32>,
              %add3A_1301 = arith.constant 0 : i32
              %add3A_1302 = arith.addi %mul3A_1296, %add3A_1301 : i32
              %get3A_1303 = arith.index_cast %add3A_1302 : i32 to index
              %get3A_1304 = tpu.vector_load %arg16[%get3A_1303] {strides = array<i32>} : memref<16384xf32, #tpu.memory_space<vmem>>, vector<16xf32>,
              %mul3A_1305 = arith.mulf %get3A_1300, %get3A_1304 : vector<16xf32>
              %add3A_1306 = arith.addi %mul3A_453, %add3A_1292 : i32
              %swap3A_1307 = arith.index_cast %add3A_1306 : i32 to index
              %swap3A_1308 = arith.constant 0 : index
              %swap3A_1309 = tpu.vector_load %arg18[%swap3A_1307, %swap3A_1308] {strides = array<i32>} : memref<128x72xf32, #tpu.memory_space<vmem>>, vector<16xf32>,
              tpu.vector_store %arg18[%swap3A_1307, %swap3A_1308], %mul3A_1305 {strides = array<i32>} : memref<128x72xf32, #tpu.memory_space<vmem>>, vector<16xf32>,
              %add3A_1310 = arith.addi %mul3A_453, %add3A_1292 : i32
              %get3A_1311 = arith.index_cast %add3A_1310 : i32 to index
              %get3A_1312 = arith.constant 16 : index
              %get3A_1313 = tpu.vector_load %arg17[%get3A_1311, %get3A_1312] {strides = array<i32>} : memref<128x64xf32, #tpu.memory_space<vmem>>, vector<16xf32>,
              %add3A_1314 = arith.constant 16 : i32
              %add3A_1315 = arith.addi %mul3A_1296, %add3A_1314 : i32
              %get3A_1316 = arith.index_cast %add3A_1315 : i32 to index
              %get3A_1317 = tpu.vector_load %arg16[%get3A_1316] {strides = array<i32>} : memref<16384xf32, #tpu.memory_space<vmem>>, vector<16xf32>,
              %mul3A_1318 = arith.mulf %get3A_1313, %get3A_1317 : vector<16xf32>
              %add3A_1319 = arith.addi %mul3A_453, %add3A_1292 : i32
              %swap3A_1320 = arith.index_cast %add3A_1319 : i32 to index
              %swap3A_1321 = arith.constant 16 : index
              %swap3A_1322 = tpu.vector_load %arg18[%swap3A_1320, %swap3A_1321] {strides = array<i32>} : memref<128x72xf32, #tpu.memory_space<vmem>>, vector<16xf32>,
              tpu.vector_store %arg18[%swap3A_1320, %swap3A_1321], %mul3A_1318 {strides = array<i32>} : memref<128x72xf32, #tpu.memory_space<vmem>>, vector<16xf32>,
              %add3A_1323 = arith.addi %mul3A_453, %add3A_1292 : i32
              %get3A_1324 = arith.index_cast %add3A_1323 : i32 to index
              %get3A_1325 = arith.constant 32 : index
              %get3A_1326 = tpu.vector_load %arg17[%get3A_1324, %get3A_1325] {strides = array<i32>} : memref<128x64xf32, #tpu.memory_space<vmem>>, vector<16xf32>,
              %add3A_1327 = arith.constant 32 : i32
              %add3A_1328 = arith.addi %mul3A_1296, %add3A_1327 : i32
              %get3A_1329 = arith.index_cast %add3A_1328 : i32 to index
              %get3A_1330 = tpu.vector_load %arg16[%get3A_1329] {strides = array<i32>} : memref<16384xf32, #tpu.memory_space<vmem>>, vector<16xf32>,
              %mul3A_1331 = arith.mulf %get3A_1326, %get3A_1330 : vector<16xf32>
              %add3A_1332 = arith.addi %mul3A_453, %add3A_1292 : i32
              %swap3A_1333 = arith.index_cast %add3A_1332 : i32 to index
              %swap3A_1334 = arith.constant 32 : index
              %swap3A_1335 = tpu.vector_load %arg18[%swap3A_1333, %swap3A_1334] {strides = array<i32>} : memref<128x72xf32, #tpu.memory_space<vmem>>, vector<16xf32>,
              tpu.vector_store %arg18[%swap3A_1333, %swap3A_1334], %mul3A_1331 {strides = array<i32>} : memref<128x72xf32, #tpu.memory_space<vmem>>, vector<16xf32>,
              %add3A_1336 = arith.addi %mul3A_453, %add3A_1292 : i32
              %get3A_1337 = arith.index_cast %add3A_1336 : i32 to index
              %get3A_1338 = arith.constant 48 : index
              %get3A_1339 = tpu.vector_load %arg17[%get3A_1337, %get3A_1338] {strides = array<i32>} : memref<128x64xf32, #tpu.memory_space<vmem>>, vector<16xf32>,
              %add3A_1340 = arith.constant 48 : i32
              %add3A_1341 = arith.addi %mul3A_1296, %add3A_1340 : i32
              %get3A_1342 = arith.index_cast %add3A_1341 : i32 to index
              %get3A_1343 = tpu.vector_load %arg16[%get3A_1342] {strides = array<i32>} : memref<16384xf32, #tpu.memory_space<vmem>>, vector<16xf32>,
              %mul3A_1344 = arith.mulf %get3A_1339, %get3A_1343 : vector<16xf32>
              %add3A_1345 = arith.addi %mul3A_453, %add3A_1292 : i32
              %swap3A_1346 = arith.index_cast %add3A_1345 : i32 to index
              %swap3A_1347 = arith.constant 48 : index
              %swap3A_1348 = tpu.vector_load %arg18[%swap3A_1346, %swap3A_1347] {strides = array<i32>} : memref<128x72xf32, #tpu.memory_space<vmem>>, vector<16xf32>,
              tpu.vector_store %arg18[%swap3A_1346, %swap3A_1347], %mul3A_1344 {strides = array<i32>} : memref<128x72xf32, #tpu.memory_space<vmem>>, vector<16xf32>,
              %mul3A_1349 = arith.constant 16 : i32
              %mul3A_1350 = arith.muli %scan3A_503, %mul3A_1349 : i32
              %add3A_1351 = arith.constant 14 : i32
              %add3A_1352 = arith.addi %mul3A_1350, %add3A_1351 : i32
              %slice3A_1353 = vector.extract_strided_slice %get3A_510 {offsets = [14], sizes = [1], strides = [1]} : vector<16xi32> to vector<1xi32>
              %squeeze3A_1354 = vector.extract %slice3A_1353[0] : i32 from vector<1xi32>
              %mul3A_1355 = arith.constant 64 : i32
              %mul3A_1356 = arith.muli %squeeze3A_1354, %mul3A_1355 : i32
              %add3A_1357 = arith.addi %mul3A_453, %add3A_1352 : i32
              %get3A_1358 = arith.index_cast %add3A_1357 : i32 to index
              %get3A_1359 = arith.constant 0 : index
              %get3A_1360 = tpu.vector_load %arg17[%get3A_1358, %get3A_1359] {strides = array<i32>} : memref<128x64xf32, #tpu.memory_space<vmem>>, vector<16xf32>,
              %add3A_1361 = arith.constant 0 : i32
              %add3A_1362 = arith.addi %mul3A_1356, %add3A_1361 : i32
              %get3A_1363 = arith.index_cast %add3A_1362 : i32 to index
              %get3A_1364 = tpu.vector_load %arg16[%get3A_1363] {strides = array<i32>} : memref<16384xf32, #tpu.memory_space<vmem>>, vector<16xf32>,
              %mul3A_1365 = arith.mulf %get3A_1360, %get3A_1364 : vector<16xf32>
              %add3A_1366 = arith.addi %mul3A_453, %add3A_1352 : i32
              %swap3A_1367 = arith.index_cast %add3A_1366 : i32 to index
              %swap3A_1368 = arith.constant 0 : index
              %swap3A_1369 = tpu.vector_load %arg18[%swap3A_1367, %swap3A_1368] {strides = array<i32>} : memref<128x72xf32, #tpu.memory_space<vmem>>, vector<16xf32>,
              tpu.vector_store %arg18[%swap3A_1367, %swap3A_1368], %mul3A_1365 {strides = array<i32>} : memref<128x72xf32, #tpu.memory_space<vmem>>, vector<16xf32>,
              %add3A_1370 = arith.addi %mul3A_453, %add3A_1352 : i32
              %get3A_1371 = arith.index_cast %add3A_1370 : i32 to index
              %get3A_1372 = arith.constant 16 : index
              %get3A_1373 = tpu.vector_load %arg17[%get3A_1371, %get3A_1372] {strides = array<i32>} : memref<128x64xf32, #tpu.memory_space<vmem>>, vector<16xf32>,
              %add3A_1374 = arith.constant 16 : i32
              %add3A_1375 = arith.addi %mul3A_1356, %add3A_1374 : i32
              %get3A_1376 = arith.index_cast %add3A_1375 : i32 to index
              %get3A_1377 = tpu.vector_load %arg16[%get3A_1376] {strides = array<i32>} : memref<16384xf32, #tpu.memory_space<vmem>>, vector<16xf32>,
              %mul3A_1378 = arith.mulf %get3A_1373, %get3A_1377 : vector<16xf32>
              %add3A_1379 = arith.addi %mul3A_453, %add3A_1352 : i32
              %swap3A_1380 = arith.index_cast %add3A_1379 : i32 to index
              %swap3A_1381 = arith.constant 16 : index
              %swap3A_1382 = tpu.vector_load %arg18[%swap3A_1380, %swap3A_1381] {strides = array<i32>} : memref<128x72xf32, #tpu.memory_space<vmem>>, vector<16xf32>,
              tpu.vector_store %arg18[%swap3A_1380, %swap3A_1381], %mul3A_1378 {strides = array<i32>} : memref<128x72xf32, #tpu.memory_space<vmem>>, vector<16xf32>,
              %add3A_1383 = arith.addi %mul3A_453, %add3A_1352 : i32
              %get3A_1384 = arith.index_cast %add3A_1383 : i32 to index
              %get3A_1385 = arith.constant 32 : index
              %get3A_1386 = tpu.vector_load %arg17[%get3A_1384, %get3A_1385] {strides = array<i32>} : memref<128x64xf32, #tpu.memory_space<vmem>>, vector<16xf32>,
              %add3A_1387 = arith.constant 32 : i32
              %add3A_1388 = arith.addi %mul3A_1356, %add3A_1387 : i32
              %get3A_1389 = arith.index_cast %add3A_1388 : i32 to index
              %get3A_1390 = tpu.vector_load %arg16[%get3A_1389] {strides = array<i32>} : memref<16384xf32, #tpu.memory_space<vmem>>, vector<16xf32>,
              %mul3A_1391 = arith.mulf %get3A_1386, %get3A_1390 : vector<16xf32>
              %add3A_1392 = arith.addi %mul3A_453, %add3A_1352 : i32
              %swap3A_1393 = arith.index_cast %add3A_1392 : i32 to index
              %swap3A_1394 = arith.constant 32 : index
              %swap3A_1395 = tpu.vector_load %arg18[%swap3A_1393, %swap3A_1394] {strides = array<i32>} : memref<128x72xf32, #tpu.memory_space<vmem>>, vector<16xf32>,
              tpu.vector_store %arg18[%swap3A_1393, %swap3A_1394], %mul3A_1391 {strides = array<i32>} : memref<128x72xf32, #tpu.memory_space<vmem>>, vector<16xf32>,
              %add3A_1396 = arith.addi %mul3A_453, %add3A_1352 : i32
              %get3A_1397 = arith.index_cast %add3A_1396 : i32 to index
              %get3A_1398 = arith.constant 48 : index
              %get3A_1399 = tpu.vector_load %arg17[%get3A_1397, %get3A_1398] {strides = array<i32>} : memref<128x64xf32, #tpu.memory_space<vmem>>, vector<16xf32>,
              %add3A_1400 = arith.constant 48 : i32
              %add3A_1401 = arith.addi %mul3A_1356, %add3A_1400 : i32
              %get3A_1402 = arith.index_cast %add3A_1401 : i32 to index
              %get3A_1403 = tpu.vector_load %arg16[%get3A_1402] {strides = array<i32>} : memref<16384xf32, #tpu.memory_space<vmem>>, vector<16xf32>,
              %mul3A_1404 = arith.mulf %get3A_1399, %get3A_1403 : vector<16xf32>
              %add3A_1405 = arith.addi %mul3A_453, %add3A_1352 : i32
              %swap3A_1406 = arith.index_cast %add3A_1405 : i32 to index
              %swap3A_1407 = arith.constant 48 : index
              %swap3A_1408 = tpu.vector_load %arg18[%swap3A_1406, %swap3A_1407] {strides = array<i32>} : memref<128x72xf32, #tpu.memory_space<vmem>>, vector<16xf32>,
              tpu.vector_store %arg18[%swap3A_1406, %swap3A_1407], %mul3A_1404 {strides = array<i32>} : memref<128x72xf32, #tpu.memory_space<vmem>>, vector<16xf32>,
              %mul3A_1409 = arith.constant 16 : i32
              %mul3A_1410 = arith.muli %scan3A_503, %mul3A_1409 : i32
              %add3A_1411 = arith.constant 15 : i32
              %add3A_1412 = arith.addi %mul3A_1410, %add3A_1411 : i32
              %slice3A_1413 = vector.extract_strided_slice %get3A_510 {offsets = [15], sizes = [1], strides = [1]} : vector<16xi32> to vector<1xi32>
              %squeeze3A_1414 = vector.extract %slice3A_1413[0] : i32 from vector<1xi32>
              %mul3A_1415 = arith.constant 64 : i32
              %mul3A_1416 = arith.muli %squeeze3A_1414, %mul3A_1415 : i32
              %add3A_1417 = arith.addi %mul3A_453, %add3A_1412 : i32
              %get3A_1418 = arith.index_cast %add3A_1417 : i32 to index
              %get3A_1419 = arith.constant 0 : index
              %get3A_1420 = tpu.vector_load %arg17[%get3A_1418, %get3A_1419] {strides = array<i32>} : memref<128x64xf32, #tpu.memory_space<vmem>>, vector<16xf32>,
              %add3A_1421 = arith.constant 0 : i32
              %add3A_1422 = arith.addi %mul3A_1416, %add3A_1421 : i32
              %get3A_1423 = arith.index_cast %add3A_1422 : i32 to index
              %get3A_1424 = tpu.vector_load %arg16[%get3A_1423] {strides = array<i32>} : memref<16384xf32, #tpu.memory_space<vmem>>, vector<16xf32>,
              %mul3A_1425 = arith.mulf %get3A_1420, %get3A_1424 : vector<16xf32>
              %add3A_1426 = arith.addi %mul3A_453, %add3A_1412 : i32
              %swap3A_1427 = arith.index_cast %add3A_1426 : i32 to index
              %swap3A_1428 = arith.constant 0 : index
              %swap3A_1429 = tpu.vector_load %arg18[%swap3A_1427, %swap3A_1428] {strides = array<i32>} : memref<128x72xf32, #tpu.memory_space<vmem>>, vector<16xf32>,
              tpu.vector_store %arg18[%swap3A_1427, %swap3A_1428], %mul3A_1425 {strides = array<i32>} : memref<128x72xf32, #tpu.memory_space<vmem>>, vector<16xf32>,
              %add3A_1430 = arith.addi %mul3A_453, %add3A_1412 : i32
              %get3A_1431 = arith.index_cast %add3A_1430 : i32 to index
              %get3A_1432 = arith.constant 16 : index
              %get3A_1433 = tpu.vector_load %arg17[%get3A_1431, %get3A_1432] {strides = array<i32>} : memref<128x64xf32, #tpu.memory_space<vmem>>, vector<16xf32>,
              %add3A_1434 = arith.constant 16 : i32
              %add3A_1435 = arith.addi %mul3A_1416, %add3A_1434 : i32
              %get3A_1436 = arith.index_cast %add3A_1435 : i32 to index
              %get3A_1437 = tpu.vector_load %arg16[%get3A_1436] {strides = array<i32>} : memref<16384xf32, #tpu.memory_space<vmem>>, vector<16xf32>,
              %mul3A_1438 = arith.mulf %get3A_1433, %get3A_1437 : vector<16xf32>
              %add3A_1439 = arith.addi %mul3A_453, %add3A_1412 : i32
              %swap3A_1440 = arith.index_cast %add3A_1439 : i32 to index
              %swap3A_1441 = arith.constant 16 : index
              %swap3A_1442 = tpu.vector_load %arg18[%swap3A_1440, %swap3A_1441] {strides = array<i32>} : memref<128x72xf32, #tpu.memory_space<vmem>>, vector<16xf32>,
              tpu.vector_store %arg18[%swap3A_1440, %swap3A_1441], %mul3A_1438 {strides = array<i32>} : memref<128x72xf32, #tpu.memory_space<vmem>>, vector<16xf32>,
              %add3A_1443 = arith.addi %mul3A_453, %add3A_1412 : i32
              %get3A_1444 = arith.index_cast %add3A_1443 : i32 to index
              %get3A_1445 = arith.constant 32 : index
              %get3A_1446 = tpu.vector_load %arg17[%get3A_1444, %get3A_1445] {strides = array<i32>} : memref<128x64xf32, #tpu.memory_space<vmem>>, vector<16xf32>,
              %add3A_1447 = arith.constant 32 : i32
              %add3A_1448 = arith.addi %mul3A_1416, %add3A_1447 : i32
              %get3A_1449 = arith.index_cast %add3A_1448 : i32 to index
              %get3A_1450 = tpu.vector_load %arg16[%get3A_1449] {strides = array<i32>} : memref<16384xf32, #tpu.memory_space<vmem>>, vector<16xf32>,
              %mul3A_1451 = arith.mulf %get3A_1446, %get3A_1450 : vector<16xf32>
              %add3A_1452 = arith.addi %mul3A_453, %add3A_1412 : i32
              %swap3A_1453 = arith.index_cast %add3A_1452 : i32 to index
              %swap3A_1454 = arith.constant 32 : index
              %swap3A_1455 = tpu.vector_load %arg18[%swap3A_1453, %swap3A_1454] {strides = array<i32>} : memref<128x72xf32, #tpu.memory_space<vmem>>, vector<16xf32>,
              tpu.vector_store %arg18[%swap3A_1453, %swap3A_1454], %mul3A_1451 {strides = array<i32>} : memref<128x72xf32, #tpu.memory_space<vmem>>, vector<16xf32>,
              %add3A_1456 = arith.addi %mul3A_453, %add3A_1412 : i32
              %get3A_1457 = arith.index_cast %add3A_1456 : i32 to index
              %get3A_1458 = arith.constant 48 : index
              %get3A_1459 = tpu.vector_load %arg17[%get3A_1457, %get3A_1458] {strides = array<i32>} : memref<128x64xf32, #tpu.memory_space<vmem>>, vector<16xf32>,
              %add3A_1460 = arith.constant 48 : i32
              %add3A_1461 = arith.addi %mul3A_1416, %add3A_1460 : i32
              %get3A_1462 = arith.index_cast %add3A_1461 : i32 to index
              %get3A_1463 = tpu.vector_load %arg16[%get3A_1462] {strides = array<i32>} : memref<16384xf32, #tpu.memory_space<vmem>>, vector<16xf32>,
              %mul3A_1464 = arith.mulf %get3A_1459, %get3A_1463 : vector<16xf32>
              %add3A_1465 = arith.addi %mul3A_453, %add3A_1412 : i32
              %swap3A_1466 = arith.index_cast %add3A_1465 : i32 to index
              %swap3A_1467 = arith.constant 48 : index
              %swap3A_1468 = tpu.vector_load %arg18[%swap3A_1466, %swap3A_1467] {strides = array<i32>} : memref<128x72xf32, #tpu.memory_space<vmem>>, vector<16xf32>,
              tpu.vector_store %arg18[%swap3A_1466, %swap3A_1467], %mul3A_1464 {strides = array<i32>} : memref<128x72xf32, #tpu.memory_space<vmem>>, vector<16xf32>,
              %scan3A_1469 = arith.constant 0 : i32
              scf.yield %scan3A_1469 : i32
            }
            %scan3A_460 = arith.constant 4 : i32
            %jit3A_461 = arith.constant 2 : i32
            %eq3A_462 = arith.constant 0 : i32
            %eq3A_463 = arith.cmpi eq, %jit3A_461, %eq3A_462 : i32
            %jit3A_464 = arith.constant 1 : i32
            %select_n3A_465 = arith.select %eq3A_463, %jit3A_464, %jit3A_461 : i32
            %rem3A_466 = arith.remsi %scan3A_282, %select_n3A_465 : i32
            %ne3A_467 = arith.constant 0 : i32
            %ne3A_468 = arith.cmpi ne, %rem3A_466, %ne3A_467 : i32
            %lt3A_469 = arith.constant 0 : i32
            %lt3A_470 = arith.cmpi slt, %rem3A_466, %lt3A_469 : i32
            %lt3A_471 = arith.constant 0 : i32
            %lt3A_472 = arith.cmpi slt, %select_n3A_465, %lt3A_471 : i32
            %ne3A_473 = arith.xori %lt3A_470, %lt3A_472 : i1
            %and3A_474 = arith.andi %ne3A_473, %ne3A_468 : i1
            %add3A_475 = arith.addi %rem3A_466, %select_n3A_465 : i32
            %select_n3A_476 = arith.select %and3A_474, %add3A_475, %rem3A_466 : i32
            %eq3A_477 = arith.constant 0 : i32
            %eq3A_478 = arith.cmpi eq, %select_n3A_476, %eq3A_477 : i32
            %convert_element_type3A_479 = arith.extui %eq3A_478 : i1 to i32
            %cond3A_480 = arith.constant 0 : i32
            %cond3A_481 = arith.cmpi ne, %convert_element_type3A_479, %cond3A_480 : i32
            scf.if %cond3A_481 {
              %dma_start3A_503 = arith.constant 0 : i32
              %dma_start3A_504 = arith.constant 0 : i32
              %dma_start3A_505 = tpu.memref_slice %arg18[%dma_start3A_503, %dma_start3A_504] : memref<128x72xf32, #tpu.memory_space<vmem>> -> memref<64x72xf32, #tpu.memory_space<vmem>>
              %dma_start3A_506 = arith.constant 0 : i32
              %dma_start3A_507 = tpu.memref_slice %arg15[%scan3A_282, %dma_start3A_506] : memref<80x64xi32, #tpu.memory_space<vmem>> -> memref<1x64xi32, #tpu.memory_space<vmem>>
              %dma_start3A_508 = tpu.memref_squeeze %dma_start3A_507 : memref<1x64xi32, #tpu.memory_space<vmem>> -> memref<64xi32, #tpu.memory_space<vmem>>
              %dma_start3A_509 = arith.constant 0 : i32
              %dma_start3A_510 = arith.constant 0 : i32
              %dma_start3A_511 = tpu.memref_slice %arg22[%dma_start3A_509, %dma_start3A_510] : memref<8968x72xf32, #tpu.memory_space<vmem_shared>> -> memref<8968x72xf32, #tpu.memory_space<vmem_shared>>
              tpu.enqueue_indirect_dma source(%dma_start3A_505 : memref<64x72xf32, #tpu.memory_space<vmem>>) target(%dma_start3A_511 : memref<8968x72xf32, #tpu.memory_space<vmem_shared>>) offsets(%dma_start3A_508 : memref<64xi32, #tpu.memory_space<vmem>>) semaphore(%arg25 : memref<!tpu.dma_semaphore, #tpu.memory_space<semaphore_mem>>) {add = true}
            } else {
            }
            %jit3A_482 = arith.constant 2 : i32
            %eq3A_483 = arith.constant 0 : i32
            %eq3A_484 = arith.cmpi eq, %jit3A_482, %eq3A_483 : i32
            %jit3A_485 = arith.constant 1 : i32
            %select_n3A_486 = arith.select %eq3A_484, %jit3A_485, %jit3A_482 : i32
            %rem3A_487 = arith.remsi %scan3A_282, %select_n3A_486 : i32
            %ne3A_488 = arith.constant 0 : i32
            %ne3A_489 = arith.cmpi ne, %rem3A_487, %ne3A_488 : i32
            %lt3A_490 = arith.constant 0 : i32
            %lt3A_491 = arith.cmpi slt, %rem3A_487, %lt3A_490 : i32
            %lt3A_492 = arith.constant 0 : i32
            %lt3A_493 = arith.cmpi slt, %select_n3A_486, %lt3A_492 : i32
            %ne3A_494 = arith.xori %lt3A_491, %lt3A_493 : i1
            %and3A_495 = arith.andi %ne3A_494, %ne3A_489 : i1
            %add3A_496 = arith.addi %rem3A_487, %select_n3A_486 : i32
            %select_n3A_497 = arith.select %and3A_495, %add3A_496, %rem3A_487 : i32
            %eq3A_498 = arith.constant 1 : i32
            %eq3A_499 = arith.cmpi eq, %select_n3A_497, %eq3A_498 : i32
            %convert_element_type3A_500 = arith.extui %eq3A_499 : i1 to i32
            %cond3A_501 = arith.constant 0 : i32
            %cond3A_502 = arith.cmpi ne, %convert_element_type3A_500, %cond3A_501 : i32
            scf.if %cond3A_502 {
              %dma_start3A_503 = arith.constant 64 : i32
              %dma_start3A_504 = arith.constant 0 : i32
              %dma_start3A_505 = tpu.memref_slice %arg18[%dma_start3A_503, %dma_start3A_504] : memref<128x72xf32, #tpu.memory_space<vmem>> -> memref<64x72xf32, #tpu.memory_space<vmem>>
              %dma_start3A_506 = arith.constant 0 : i32
              %dma_start3A_507 = tpu.memref_slice %arg15[%scan3A_282, %dma_start3A_506] : memref<80x64xi32, #tpu.memory_space<vmem>> -> memref<1x64xi32, #tpu.memory_space<vmem>>
              %dma_start3A_508 = tpu.memref_squeeze %dma_start3A_507 : memref<1x64xi32, #tpu.memory_space<vmem>> -> memref<64xi32, #tpu.memory_space<vmem>>
              %dma_start3A_509 = arith.constant 0 : i32
              %dma_start3A_510 = arith.constant 0 : i32
              %dma_start3A_511 = tpu.memref_slice %arg22[%dma_start3A_509, %dma_start3A_510] : memref<8968x72xf32, #tpu.memory_space<vmem_shared>> -> memref<8968x72xf32, #tpu.memory_space<vmem_shared>>
              tpu.enqueue_indirect_dma source(%dma_start3A_505 : memref<64x72xf32, #tpu.memory_space<vmem>>) target(%dma_start3A_511 : memref<8968x72xf32, #tpu.memory_space<vmem_shared>>) offsets(%dma_start3A_508 : memref<64xi32, #tpu.memory_space<vmem>>) semaphore(%arg26 : memref<!tpu.dma_semaphore, #tpu.memory_space<semaphore_mem>>) {add = true}
            } else {
            }
          } else {
          }
          %scan3A_288 = arith.constant 0 : i32
          scf.yield %scan3A_288 : i32
        }
        %scan3A_152 = arith.constant 80 : i32
        %sub3A_153 = arith.constant 2 : i32
        %sub3A_154 = arith.subi %select_n3A_134, %sub3A_153 : i32
        %ge3A = arith.constant 0 : i32
        %ge3A_155 = arith.cmpi sge, %sub3A_154, %ge3A : i32
        %jit3A_156 = arith.constant 2 : i32
        %eq3A = arith.constant 0 : i32
        %eq3A_157 = arith.cmpi eq, %jit3A_156, %eq3A : i32
        %jit3A_158 = arith.constant 1 : i32
        %select_n3A_159 = arith.select %eq3A_157, %jit3A_158, %jit3A_156 : i32
        %rem3A_160 = arith.remsi %sub3A_154, %select_n3A_159 : i32
        %ne3A_161 = arith.constant 0 : i32
        %ne3A_162 = arith.cmpi ne, %rem3A_160, %ne3A_161 : i32
        %lt3A_163 = arith.constant 0 : i32
        %lt3A_164 = arith.cmpi slt, %rem3A_160, %lt3A_163 : i32
        %lt3A_165 = arith.constant 0 : i32
        %lt3A_166 = arith.cmpi slt, %select_n3A_159, %lt3A_165 : i32
        %ne3A_167 = arith.xori %lt3A_164, %lt3A_166 : i1
        %and3A_168 = arith.andi %ne3A_167, %ne3A_162 : i1
        %add3A_169 = arith.addi %rem3A_160, %select_n3A_159 : i32
        %select_n3A_170 = arith.select %and3A_168, %add3A_169, %rem3A_160 : i32
        %eq3A_171 = arith.constant 0 : i32
        %eq3A_172 = arith.cmpi eq, %select_n3A_170, %eq3A_171 : i32
        %and3A_173 = arith.andi %ge3A_155, %eq3A_172 : i1
        %convert_element_type3A_174 = arith.extui %and3A_173 : i1 to i32
        %cond3A_175 = arith.constant 0 : i32
        %cond3A_176 = arith.cmpi ne, %convert_element_type3A_174, %cond3A_175 : i32
        scf.if %cond3A_176 {
          %dma_wait3A = arith.constant 0 : i32
          %dma_wait3A_282 = arith.constant 0 : i32
          %dma_wait3A_283 = arith.constant 0 : i32
          %dma_wait3A_284 = tpu.memref_slice %arg18[%dma_wait3A_282, %dma_wait3A_283] : memref<128x72xf32, #tpu.memory_space<vmem>> -> memref<64x72xf32, #tpu.memory_space<vmem>>
          %dma_wait3A_285 = arith.constant 0 : i32
          %dma_wait3A_286 = tpu.memref_slice %arg15[%dma_wait3A, %dma_wait3A_285] : memref<80x64xi32, #tpu.memory_space<vmem>> -> memref<1x64xi32, #tpu.memory_space<vmem>>
          %dma_wait3A_287 = tpu.memref_squeeze %dma_wait3A_286 : memref<1x64xi32, #tpu.memory_space<vmem>> -> memref<64xi32, #tpu.memory_space<vmem>>
          %dma_wait3A_288 = arith.constant 0 : i32
          %dma_wait3A_289 = arith.constant 0 : i32
          %dma_wait3A_290 = tpu.memref_slice %arg22[%dma_wait3A_288, %dma_wait3A_289] : memref<8968x72xf32, #tpu.memory_space<vmem_shared>> -> memref<8968x72xf32, #tpu.memory_space<vmem_shared>>
          tpu.wait_indirect_dma semaphore(%arg25 : memref<!tpu.dma_semaphore, #tpu.memory_space<semaphore_mem>>) src(%dma_wait3A_284 : memref<64x72xf32, #tpu.memory_space<vmem>>) dst(%dma_wait3A_290 : memref<8968x72xf32, #tpu.memory_space<vmem_shared>>)
        } else {
        }
        %ge3A_177 = arith.constant 0 : i32
        %ge3A_178 = arith.cmpi sge, %sub3A_154, %ge3A_177 : i32
        %jit3A_179 = arith.constant 2 : i32
        %eq3A_180 = arith.constant 0 : i32
        %eq3A_181 = arith.cmpi eq, %jit3A_179, %eq3A_180 : i32
        %jit3A_182 = arith.constant 1 : i32
        %select_n3A_183 = arith.select %eq3A_181, %jit3A_182, %jit3A_179 : i32
        %rem3A_184 = arith.remsi %sub3A_154, %select_n3A_183 : i32
        %ne3A_185 = arith.constant 0 : i32
        %ne3A_186 = arith.cmpi ne, %rem3A_184, %ne3A_185 : i32
        %lt3A_187 = arith.constant 0 : i32
        %lt3A_188 = arith.cmpi slt, %rem3A_184, %lt3A_187 : i32
        %lt3A_189 = arith.constant 0 : i32
        %lt3A_190 = arith.cmpi slt, %select_n3A_183, %lt3A_189 : i32
        %ne3A_191 = arith.xori %lt3A_188, %lt3A_190 : i1
        %and3A_192 = arith.andi %ne3A_191, %ne3A_186 : i1
        %add3A_193 = arith.addi %rem3A_184, %select_n3A_183 : i32
        %select_n3A_194 = arith.select %and3A_192, %add3A_193, %rem3A_184 : i32
        %eq3A_195 = arith.constant 1 : i32
        %eq3A_196 = arith.cmpi eq, %select_n3A_194, %eq3A_195 : i32
        %and3A_197 = arith.andi %ge3A_178, %eq3A_196 : i1
        %convert_element_type3A_198 = arith.extui %and3A_197 : i1 to i32
        %cond3A_199 = arith.constant 0 : i32
        %cond3A_200 = arith.cmpi ne, %convert_element_type3A_198, %cond3A_199 : i32
        scf.if %cond3A_200 {
          %dma_wait3A = arith.constant 0 : i32
          %dma_wait3A_282 = arith.constant 64 : i32
          %dma_wait3A_283 = arith.constant 0 : i32
          %dma_wait3A_284 = tpu.memref_slice %arg18[%dma_wait3A_282, %dma_wait3A_283] : memref<128x72xf32, #tpu.memory_space<vmem>> -> memref<64x72xf32, #tpu.memory_space<vmem>>
          %dma_wait3A_285 = arith.constant 0 : i32
          %dma_wait3A_286 = tpu.memref_slice %arg15[%dma_wait3A, %dma_wait3A_285] : memref<80x64xi32, #tpu.memory_space<vmem>> -> memref<1x64xi32, #tpu.memory_space<vmem>>
          %dma_wait3A_287 = tpu.memref_squeeze %dma_wait3A_286 : memref<1x64xi32, #tpu.memory_space<vmem>> -> memref<64xi32, #tpu.memory_space<vmem>>
          %dma_wait3A_288 = arith.constant 0 : i32
          %dma_wait3A_289 = arith.constant 0 : i32
          %dma_wait3A_290 = tpu.memref_slice %arg22[%dma_wait3A_288, %dma_wait3A_289] : memref<8968x72xf32, #tpu.memory_space<vmem_shared>> -> memref<8968x72xf32, #tpu.memory_space<vmem_shared>>
          tpu.wait_indirect_dma semaphore(%arg26 : memref<!tpu.dma_semaphore, #tpu.memory_space<semaphore_mem>>) src(%dma_wait3A_284 : memref<64x72xf32, #tpu.memory_space<vmem>>) dst(%dma_wait3A_290 : memref<8968x72xf32, #tpu.memory_space<vmem_shared>>)
        } else {
        }
        %sub3A_201 = arith.constant 1 : i32
        %sub3A_202 = arith.subi %select_n3A_134, %sub3A_201 : i32
        %ge3A_203 = arith.constant 0 : i32
        %ge3A_204 = arith.cmpi sge, %sub3A_202, %ge3A_203 : i32
        %jit3A_205 = arith.constant 2 : i32
        %eq3A_206 = arith.constant 0 : i32
        %eq3A_207 = arith.cmpi eq, %jit3A_205, %eq3A_206 : i32
        %jit3A_208 = arith.constant 1 : i32
        %select_n3A_209 = arith.select %eq3A_207, %jit3A_208, %jit3A_205 : i32
        %rem3A_210 = arith.remsi %sub3A_202, %select_n3A_209 : i32
        %ne3A_211 = arith.constant 0 : i32
        %ne3A_212 = arith.cmpi ne, %rem3A_210, %ne3A_211 : i32
        %lt3A_213 = arith.constant 0 : i32
        %lt3A_214 = arith.cmpi slt, %rem3A_210, %lt3A_213 : i32
        %lt3A_215 = arith.constant 0 : i32
        %lt3A_216 = arith.cmpi slt, %select_n3A_209, %lt3A_215 : i32
        %ne3A_217 = arith.xori %lt3A_214, %lt3A_216 : i1
        %and3A_218 = arith.andi %ne3A_217, %ne3A_212 : i1
        %add3A_219 = arith.addi %rem3A_210, %select_n3A_209 : i32
        %select_n3A_220 = arith.select %and3A_218, %add3A_219, %rem3A_210 : i32
        %eq3A_221 = arith.constant 0 : i32
        %eq3A_222 = arith.cmpi eq, %select_n3A_220, %eq3A_221 : i32
        %and3A_223 = arith.andi %ge3A_204, %eq3A_222 : i1
        %convert_element_type3A_224 = arith.extui %and3A_223 : i1 to i32
        %cond3A_225 = arith.constant 0 : i32
        %cond3A_226 = arith.cmpi ne, %convert_element_type3A_224, %cond3A_225 : i32
        scf.if %cond3A_226 {
          %dma_wait3A = arith.constant 0 : i32
          %dma_wait3A_282 = arith.constant 0 : i32
          %dma_wait3A_283 = arith.constant 0 : i32
          %dma_wait3A_284 = tpu.memref_slice %arg18[%dma_wait3A_282, %dma_wait3A_283] : memref<128x72xf32, #tpu.memory_space<vmem>> -> memref<64x72xf32, #tpu.memory_space<vmem>>
          %dma_wait3A_285 = arith.constant 0 : i32
          %dma_wait3A_286 = tpu.memref_slice %arg15[%dma_wait3A, %dma_wait3A_285] : memref<80x64xi32, #tpu.memory_space<vmem>> -> memref<1x64xi32, #tpu.memory_space<vmem>>
          %dma_wait3A_287 = tpu.memref_squeeze %dma_wait3A_286 : memref<1x64xi32, #tpu.memory_space<vmem>> -> memref<64xi32, #tpu.memory_space<vmem>>
          %dma_wait3A_288 = arith.constant 0 : i32
          %dma_wait3A_289 = arith.constant 0 : i32
          %dma_wait3A_290 = tpu.memref_slice %arg22[%dma_wait3A_288, %dma_wait3A_289] : memref<8968x72xf32, #tpu.memory_space<vmem_shared>> -> memref<8968x72xf32, #tpu.memory_space<vmem_shared>>
          tpu.wait_indirect_dma semaphore(%arg25 : memref<!tpu.dma_semaphore, #tpu.memory_space<semaphore_mem>>) src(%dma_wait3A_284 : memref<64x72xf32, #tpu.memory_space<vmem>>) dst(%dma_wait3A_290 : memref<8968x72xf32, #tpu.memory_space<vmem_shared>>)
        } else {
        }
        %ge3A_227 = arith.constant 0 : i32
        %ge3A_228 = arith.cmpi sge, %sub3A_202, %ge3A_227 : i32
        %jit3A_229 = arith.constant 2 : i32
        %eq3A_230 = arith.constant 0 : i32
        %eq3A_231 = arith.cmpi eq, %jit3A_229, %eq3A_230 : i32
        %jit3A_232 = arith.constant 1 : i32
        %select_n3A_233 = arith.select %eq3A_231, %jit3A_232, %jit3A_229 : i32
        %rem3A_234 = arith.remsi %sub3A_202, %select_n3A_233 : i32
        %ne3A_235 = arith.constant 0 : i32
        %ne3A_236 = arith.cmpi ne, %rem3A_234, %ne3A_235 : i32
        %lt3A_237 = arith.constant 0 : i32
        %lt3A_238 = arith.cmpi slt, %rem3A_234, %lt3A_237 : i32
        %lt3A_239 = arith.constant 0 : i32
        %lt3A_240 = arith.cmpi slt, %select_n3A_233, %lt3A_239 : i32
        %ne3A_241 = arith.xori %lt3A_238, %lt3A_240 : i1
        %and3A_242 = arith.andi %ne3A_241, %ne3A_236 : i1
        %add3A_243 = arith.addi %rem3A_234, %select_n3A_233 : i32
        %select_n3A_244 = arith.select %and3A_242, %add3A_243, %rem3A_234 : i32
        %eq3A_245 = arith.constant 1 : i32
        %eq3A_246 = arith.cmpi eq, %select_n3A_244, %eq3A_245 : i32
        %and3A_247 = arith.andi %ge3A_228, %eq3A_246 : i1
        %convert_element_type3A_248 = arith.extui %and3A_247 : i1 to i32
        %cond3A_249 = arith.constant 0 : i32
        %cond3A_250 = arith.cmpi ne, %convert_element_type3A_248, %cond3A_249 : i32
        scf.if %cond3A_250 {
          %dma_wait3A = arith.constant 0 : i32
          %dma_wait3A_282 = arith.constant 64 : i32
          %dma_wait3A_283 = arith.constant 0 : i32
          %dma_wait3A_284 = tpu.memref_slice %arg18[%dma_wait3A_282, %dma_wait3A_283] : memref<128x72xf32, #tpu.memory_space<vmem>> -> memref<64x72xf32, #tpu.memory_space<vmem>>
          %dma_wait3A_285 = arith.constant 0 : i32
          %dma_wait3A_286 = tpu.memref_slice %arg15[%dma_wait3A, %dma_wait3A_285] : memref<80x64xi32, #tpu.memory_space<vmem>> -> memref<1x64xi32, #tpu.memory_space<vmem>>
          %dma_wait3A_287 = tpu.memref_squeeze %dma_wait3A_286 : memref<1x64xi32, #tpu.memory_space<vmem>> -> memref<64xi32, #tpu.memory_space<vmem>>
          %dma_wait3A_288 = arith.constant 0 : i32
          %dma_wait3A_289 = arith.constant 0 : i32
          %dma_wait3A_290 = tpu.memref_slice %arg22[%dma_wait3A_288, %dma_wait3A_289] : memref<8968x72xf32, #tpu.memory_space<vmem_shared>> -> memref<8968x72xf32, #tpu.memory_space<vmem_shared>>
          tpu.wait_indirect_dma semaphore(%arg26 : memref<!tpu.dma_semaphore, #tpu.memory_space<semaphore_mem>>) src(%dma_wait3A_284 : memref<64x72xf32, #tpu.memory_space<vmem>>) dst(%dma_wait3A_290 : memref<8968x72xf32, #tpu.memory_space<vmem_shared>>)
        } else {
        }
        %barrier3A_251 = arith.constant 0 : index
        tpu.barrier barrier_id(%barrier3A_251)
        %mul3A_252 = arith.constant 560 : i32
        %mul3A_253 = arith.muli %arg1, %mul3A_252 : i32
        %add3A_254 = arith.constant 0 : i32
        %add3A_255 = arith.addi %mul3A_253, %add3A_254 : i32
        %dma_start3A = arith.constant 0 : i32
        %dma_start3A_256 = arith.constant 0 : i32
        %dma_start3A_257 = tpu.memref_slice %arg19[%dma_start3A, %dma_start3A_256] : memref<112x72xf32, #tpu.memory_space<vmem>> -> memref<56x72xf32, #tpu.memory_space<vmem>>
        %dma_start3A_258 = arith.constant 0 : i32
        %dma_start3A_259 = tpu.memref_slice %arg22[%add3A_255, %dma_start3A_258] : memref<8968x72xf32, #tpu.memory_space<vmem_shared>> -> memref<56x72xf32, #tpu.memory_space<vmem_shared>>
        %dma_start3A_260 = arith.constant 0 : i32
        %dma_start3A_261 = arith.constant 0 : i32
        %dma_start3A_262 = tpu.memref_slice %arg19[%dma_start3A_260, %dma_start3A_261] : memref<112x72xf32, #tpu.memory_space<vmem>> -> memref<56x72xf32, #tpu.memory_space<vmem>>
        %dma_start3A_263 = arith.constant 0 : i32
        %dma_start3A_264 = tpu.memref_slice %arg22[%add3A_255, %dma_start3A_263] : memref<8968x72xf32, #tpu.memory_space<vmem_shared>> -> memref<56x72xf32, #tpu.memory_space<vmem_shared>>
        tpu.enqueue_dma source(%dma_start3A_264 : memref<56x72xf32, #tpu.memory_space<vmem_shared>>) target(%dma_start3A_262 : memref<56x72xf32, #tpu.memory_space<vmem>>) target_semaphore(%arg23 : memref<!tpu.dma_semaphore, #tpu.memory_space<semaphore_mem>>)
        %add3A_265 = arith.addi %add3A_63, %add3A_255 : i32
        %dma_start3A_266 = arith.constant 0 : i32
        %dma_start3A_267 = arith.constant 0 : i32
        %dma_start3A_268 = tpu.memref_slice %arg20[%dma_start3A_266, %dma_start3A_267] : memref<112x64xf32, #tpu.memory_space<vmem>> -> memref<56x64xf32, #tpu.memory_space<vmem>>
        %dma_start3A_269 = arith.constant 0 : i32
        %dma_start3A_270 = tpu.memref_slice %arg7[%add3A_265, %dma_start3A_269] : memref<51968x64xf32, #tpu.memory_space<hbm>> -> memref<56x64xf32, #tpu.memory_space<hbm>>
        %dma_start3A_271 = arith.constant 0 : i32
        %dma_start3A_272 = arith.constant 0 : i32
        %dma_start3A_273 = tpu.memref_slice %arg20[%dma_start3A_271, %dma_start3A_272] : memref<112x64xf32, #tpu.memory_space<vmem>> -> memref<56x64xf32, #tpu.memory_space<vmem>>
        %dma_start3A_274 = arith.constant 0 : i32
        %dma_start3A_275 = tpu.memref_slice %arg7[%add3A_265, %dma_start3A_274] : memref<51968x64xf32, #tpu.memory_space<hbm>> -> memref<56x64xf32, #tpu.memory_space<hbm>>
        tpu.enqueue_dma source(%dma_start3A_275 : memref<56x64xf32, #tpu.memory_space<hbm>>) target(%dma_start3A_273 : memref<56x64xf32, #tpu.memory_space<vmem>>) target_semaphore(%arg25 : memref<!tpu.dma_semaphore, #tpu.memory_space<semaphore_mem>>)
        %scan3A_276 = arith.constant 0 : i32
        %scan3A_277 = arith.constant 10 : i32
        %scan3A_278 = arith.addi %scan3A_276, %scan3A_277 : i32
        %scan3A_279 = arith.constant 1 : i32
        %scan3A_280:4 = scf.for %scan3A_282 = %scan3A_276 to %scan3A_278 step %scan3A_279 iter_args(%scan3A_283 = %scan3A_55, %scan3A_284 = %scan3A_56, %scan3A_285 = %scan3A_57, %scan3A_286 = %scan3A_58) -> (vector<16xf32>, vector<16xf32>, vector<16xf32>, vector<16xf32>)  : i32 {
          %mul3A_287 = arith.constant 560 : i32
          %mul3A_288 = arith.muli %arg1, %mul3A_287 : i32
          %mul3A_289 = arith.constant 56 : i32
          %mul3A_290 = arith.muli %scan3A_282, %mul3A_289 : i32
          %add3A_291 = arith.addi %mul3A_288, %mul3A_290 : i32
          %jit3A_292 = arith.constant 2 : i32
          %eq3A_293 = arith.constant 0 : i32
          %eq3A_294 = arith.cmpi eq, %jit3A_292, %eq3A_293 : i32
          %jit3A_295 = arith.constant 1 : i32
          %select_n3A_296 = arith.select %eq3A_294, %jit3A_295, %jit3A_292 : i32
          %rem3A_297 = arith.remsi %scan3A_282, %select_n3A_296 : i32
          %ne3A_298 = arith.constant 0 : i32
          %ne3A_299 = arith.cmpi ne, %rem3A_297, %ne3A_298 : i32
          %lt3A_300 = arith.constant 0 : i32
          %lt3A_301 = arith.cmpi slt, %rem3A_297, %lt3A_300 : i32
          %lt3A_302 = arith.constant 0 : i32
          %lt3A_303 = arith.cmpi slt, %select_n3A_296, %lt3A_302 : i32
          %ne3A_304 = arith.xori %lt3A_301, %lt3A_303 : i1
          %and3A_305 = arith.andi %ne3A_304, %ne3A_299 : i1
          %add3A_306 = arith.addi %rem3A_297, %select_n3A_296 : i32
          %select_n3A_307 = arith.select %and3A_305, %add3A_306, %rem3A_297 : i32
          %eq3A_308 = arith.constant 0 : i32
          %eq3A_309 = arith.cmpi eq, %select_n3A_307, %eq3A_308 : i32
          %convert_element_type3A_310 = arith.extui %eq3A_309 : i1 to i32
          %cond3A_311 = arith.constant 0 : i32
          %cond3A_312 = arith.cmpi ne, %convert_element_type3A_310, %cond3A_311 : i32
          scf.if %cond3A_312 {
            %dma_wait3A = arith.constant 0 : i32
            %dma_wait3A_413 = arith.constant 0 : i32
            %dma_wait3A_414 = tpu.memref_slice %arg19[%dma_wait3A, %dma_wait3A_413] : memref<112x72xf32, #tpu.memory_space<vmem>> -> memref<56x72xf32, #tpu.memory_space<vmem>>
            %dma_wait3A_415 = arith.constant 0 : i32
            %dma_wait3A_416 = tpu.memref_slice %arg22[%add3A_291, %dma_wait3A_415] : memref<8968x72xf32, #tpu.memory_space<vmem_shared>> -> memref<56x72xf32, #tpu.memory_space<vmem_shared>>
            %dma_wait3A_417 = arith.constant 0 : i32
            %dma_wait3A_418 = arith.constant 0 : i32
            %dma_wait3A_419 = tpu.memref_slice %arg19[%dma_wait3A_417, %dma_wait3A_418] : memref<112x72xf32, #tpu.memory_space<vmem>> -> memref<56x72xf32, #tpu.memory_space<vmem>>
            %dma_wait3A_420 = arith.constant 0 : i32
            %dma_wait3A_421 = tpu.memref_slice %arg22[%add3A_291, %dma_wait3A_420] : memref<8968x72xf32, #tpu.memory_space<vmem_shared>> -> memref<56x72xf32, #tpu.memory_space<vmem_shared>>
            tpu.wait_dma2 semaphore(%arg23 : memref<!tpu.dma_semaphore, #tpu.memory_space<semaphore_mem>>) src(%dma_wait3A_421 : memref<56x72xf32, #tpu.memory_space<vmem_shared>>) dst(%dma_wait3A_419 : memref<56x72xf32, #tpu.memory_space<vmem>>)
            %add3A_422 = arith.addi %add3A_63, %add3A_291 : i32
            %dma_wait3A_423 = arith.constant 0 : i32
            %dma_wait3A_424 = arith.constant 0 : i32
            %dma_wait3A_425 = tpu.memref_slice %arg20[%dma_wait3A_423, %dma_wait3A_424] : memref<112x64xf32, #tpu.memory_space<vmem>> -> memref<56x64xf32, #tpu.memory_space<vmem>>
            %dma_wait3A_426 = arith.constant 0 : i32
            %dma_wait3A_427 = tpu.memref_slice %arg7[%add3A_422, %dma_wait3A_426] : memref<51968x64xf32, #tpu.memory_space<hbm>> -> memref<56x64xf32, #tpu.memory_space<hbm>>
            %dma_wait3A_428 = arith.constant 0 : i32
            %dma_wait3A_429 = arith.constant 0 : i32
            %dma_wait3A_430 = tpu.memref_slice %arg20[%dma_wait3A_428, %dma_wait3A_429] : memref<112x64xf32, #tpu.memory_space<vmem>> -> memref<56x64xf32, #tpu.memory_space<vmem>>
            %dma_wait3A_431 = arith.constant 0 : i32
            %dma_wait3A_432 = tpu.memref_slice %arg7[%add3A_422, %dma_wait3A_431] : memref<51968x64xf32, #tpu.memory_space<hbm>> -> memref<56x64xf32, #tpu.memory_space<hbm>>
            tpu.wait_dma2 semaphore(%arg25 : memref<!tpu.dma_semaphore, #tpu.memory_space<semaphore_mem>>) src(%dma_wait3A_432 : memref<56x64xf32, #tpu.memory_space<hbm>>) dst(%dma_wait3A_430 : memref<56x64xf32, #tpu.memory_space<vmem>>)
          } else {
          }
          %jit3A_313 = arith.constant 2 : i32
          %eq3A_314 = arith.constant 0 : i32
          %eq3A_315 = arith.cmpi eq, %jit3A_313, %eq3A_314 : i32
          %jit3A_316 = arith.constant 1 : i32
          %select_n3A_317 = arith.select %eq3A_315, %jit3A_316, %jit3A_313 : i32
          %rem3A_318 = arith.remsi %scan3A_282, %select_n3A_317 : i32
          %ne3A_319 = arith.constant 0 : i32
          %ne3A_320 = arith.cmpi ne, %rem3A_318, %ne3A_319 : i32
          %lt3A_321 = arith.constant 0 : i32
          %lt3A_322 = arith.cmpi slt, %rem3A_318, %lt3A_321 : i32
          %lt3A_323 = arith.constant 0 : i32
          %lt3A_324 = arith.cmpi slt, %select_n3A_317, %lt3A_323 : i32
          %ne3A_325 = arith.xori %lt3A_322, %lt3A_324 : i1
          %and3A_326 = arith.andi %ne3A_325, %ne3A_320 : i1
          %add3A_327 = arith.addi %rem3A_318, %select_n3A_317 : i32
          %select_n3A_328 = arith.select %and3A_326, %add3A_327, %rem3A_318 : i32
          %eq3A_329 = arith.constant 1 : i32
          %eq3A_330 = arith.cmpi eq, %select_n3A_328, %eq3A_329 : i32
          %convert_element_type3A_331 = arith.extui %eq3A_330 : i1 to i32
          %cond3A_332 = arith.constant 0 : i32
          %cond3A_333 = arith.cmpi ne, %convert_element_type3A_331, %cond3A_332 : i32
          scf.if %cond3A_333 {
            %dma_wait3A = arith.constant 56 : i32
            %dma_wait3A_413 = arith.constant 0 : i32
            %dma_wait3A_414 = tpu.memref_slice %arg19[%dma_wait3A, %dma_wait3A_413] : memref<112x72xf32, #tpu.memory_space<vmem>> -> memref<56x72xf32, #tpu.memory_space<vmem>>
            %dma_wait3A_415 = arith.constant 0 : i32
            %dma_wait3A_416 = tpu.memref_slice %arg22[%add3A_291, %dma_wait3A_415] : memref<8968x72xf32, #tpu.memory_space<vmem_shared>> -> memref<56x72xf32, #tpu.memory_space<vmem_shared>>
            %dma_wait3A_417 = arith.constant 56 : i32
            %dma_wait3A_418 = arith.constant 0 : i32
            %dma_wait3A_419 = tpu.memref_slice %arg19[%dma_wait3A_417, %dma_wait3A_418] : memref<112x72xf32, #tpu.memory_space<vmem>> -> memref<56x72xf32, #tpu.memory_space<vmem>>
            %dma_wait3A_420 = arith.constant 0 : i32
            %dma_wait3A_421 = tpu.memref_slice %arg22[%add3A_291, %dma_wait3A_420] : memref<8968x72xf32, #tpu.memory_space<vmem_shared>> -> memref<56x72xf32, #tpu.memory_space<vmem_shared>>
            tpu.wait_dma2 semaphore(%arg24 : memref<!tpu.dma_semaphore, #tpu.memory_space<semaphore_mem>>) src(%dma_wait3A_421 : memref<56x72xf32, #tpu.memory_space<vmem_shared>>) dst(%dma_wait3A_419 : memref<56x72xf32, #tpu.memory_space<vmem>>)
            %add3A_422 = arith.addi %add3A_63, %add3A_291 : i32
            %dma_wait3A_423 = arith.constant 56 : i32
            %dma_wait3A_424 = arith.constant 0 : i32
            %dma_wait3A_425 = tpu.memref_slice %arg20[%dma_wait3A_423, %dma_wait3A_424] : memref<112x64xf32, #tpu.memory_space<vmem>> -> memref<56x64xf32, #tpu.memory_space<vmem>>
            %dma_wait3A_426 = arith.constant 0 : i32
            %dma_wait3A_427 = tpu.memref_slice %arg7[%add3A_422, %dma_wait3A_426] : memref<51968x64xf32, #tpu.memory_space<hbm>> -> memref<56x64xf32, #tpu.memory_space<hbm>>
            %dma_wait3A_428 = arith.constant 56 : i32
            %dma_wait3A_429 = arith.constant 0 : i32
            %dma_wait3A_430 = tpu.memref_slice %arg20[%dma_wait3A_428, %dma_wait3A_429] : memref<112x64xf32, #tpu.memory_space<vmem>> -> memref<56x64xf32, #tpu.memory_space<vmem>>
            %dma_wait3A_431 = arith.constant 0 : i32
            %dma_wait3A_432 = tpu.memref_slice %arg7[%add3A_422, %dma_wait3A_431] : memref<51968x64xf32, #tpu.memory_space<hbm>> -> memref<56x64xf32, #tpu.memory_space<hbm>>
            tpu.wait_dma2 semaphore(%arg26 : memref<!tpu.dma_semaphore, #tpu.memory_space<semaphore_mem>>) src(%dma_wait3A_432 : memref<56x64xf32, #tpu.memory_space<hbm>>) dst(%dma_wait3A_430 : memref<56x64xf32, #tpu.memory_space<vmem>>)
          } else {
          }
          %add3A_334 = arith.constant 1 : i32
          %add3A_335 = arith.addi %scan3A_282, %add3A_334 : i32
          %mul3A_336 = arith.constant 560 : i32
          %mul3A_337 = arith.muli %arg1, %mul3A_336 : i32
          %mul3A_338 = arith.constant 56 : i32
          %mul3A_339 = arith.muli %add3A_335, %mul3A_338 : i32
          %add3A_340 = arith.addi %mul3A_337, %mul3A_339 : i32
          %lt3A_341 = arith.constant 10 : i32
          %lt3A_342 = arith.cmpi slt, %add3A_335, %lt3A_341 : i32
          %jit3A_343 = arith.constant 2 : i32
          %eq3A_344 = arith.constant 0 : i32
          %eq3A_345 = arith.cmpi eq, %jit3A_343, %eq3A_344 : i32
          %jit3A_346 = arith.constant 1 : i32
          %select_n3A_347 = arith.select %eq3A_345, %jit3A_346, %jit3A_343 : i32
          %rem3A_348 = arith.remsi %add3A_335, %select_n3A_347 : i32
          %ne3A_349 = arith.constant 0 : i32
          %ne3A_350 = arith.cmpi ne, %rem3A_348, %ne3A_349 : i32
          %lt3A_351 = arith.constant 0 : i32
          %lt3A_352 = arith.cmpi slt, %rem3A_348, %lt3A_351 : i32
          %lt3A_353 = arith.constant 0 : i32
          %lt3A_354 = arith.cmpi slt, %select_n3A_347, %lt3A_353 : i32
          %ne3A_355 = arith.xori %lt3A_352, %lt3A_354 : i1
          %and3A_356 = arith.andi %ne3A_355, %ne3A_350 : i1
          %add3A_357 = arith.addi %rem3A_348, %select_n3A_347 : i32
          %select_n3A_358 = arith.select %and3A_356, %add3A_357, %rem3A_348 : i32
          %eq3A_359 = arith.constant 0 : i32
          %eq3A_360 = arith.cmpi eq, %select_n3A_358, %eq3A_359 : i32
          %and3A_361 = arith.andi %lt3A_342, %eq3A_360 : i1
          %convert_element_type3A_362 = arith.extui %and3A_361 : i1 to i32
          %cond3A_363 = arith.constant 0 : i32
          %cond3A_364 = arith.cmpi ne, %convert_element_type3A_362, %cond3A_363 : i32
          scf.if %cond3A_364 {
            %dma_start3A_413 = arith.constant 0 : i32
            %dma_start3A_414 = arith.constant 0 : i32
            %dma_start3A_415 = tpu.memref_slice %arg19[%dma_start3A_413, %dma_start3A_414] : memref<112x72xf32, #tpu.memory_space<vmem>> -> memref<56x72xf32, #tpu.memory_space<vmem>>
            %dma_start3A_416 = arith.constant 0 : i32
            %dma_start3A_417 = tpu.memref_slice %arg22[%add3A_340, %dma_start3A_416] : memref<8968x72xf32, #tpu.memory_space<vmem_shared>> -> memref<56x72xf32, #tpu.memory_space<vmem_shared>>
            %dma_start3A_418 = arith.constant 0 : i32
            %dma_start3A_419 = arith.constant 0 : i32
            %dma_start3A_420 = tpu.memref_slice %arg19[%dma_start3A_418, %dma_start3A_419] : memref<112x72xf32, #tpu.memory_space<vmem>> -> memref<56x72xf32, #tpu.memory_space<vmem>>
            %dma_start3A_421 = arith.constant 0 : i32
            %dma_start3A_422 = tpu.memref_slice %arg22[%add3A_340, %dma_start3A_421] : memref<8968x72xf32, #tpu.memory_space<vmem_shared>> -> memref<56x72xf32, #tpu.memory_space<vmem_shared>>
            tpu.enqueue_dma source(%dma_start3A_422 : memref<56x72xf32, #tpu.memory_space<vmem_shared>>) target(%dma_start3A_420 : memref<56x72xf32, #tpu.memory_space<vmem>>) target_semaphore(%arg23 : memref<!tpu.dma_semaphore, #tpu.memory_space<semaphore_mem>>)
            %add3A_423 = arith.addi %add3A_63, %add3A_340 : i32
            %dma_start3A_424 = arith.constant 0 : i32
            %dma_start3A_425 = arith.constant 0 : i32
            %dma_start3A_426 = tpu.memref_slice %arg20[%dma_start3A_424, %dma_start3A_425] : memref<112x64xf32, #tpu.memory_space<vmem>> -> memref<56x64xf32, #tpu.memory_space<vmem>>
            %dma_start3A_427 = arith.constant 0 : i32
            %dma_start3A_428 = tpu.memref_slice %arg7[%add3A_423, %dma_start3A_427] : memref<51968x64xf32, #tpu.memory_space<hbm>> -> memref<56x64xf32, #tpu.memory_space<hbm>>
            %dma_start3A_429 = arith.constant 0 : i32
            %dma_start3A_430 = arith.constant 0 : i32
            %dma_start3A_431 = tpu.memref_slice %arg20[%dma_start3A_429, %dma_start3A_430] : memref<112x64xf32, #tpu.memory_space<vmem>> -> memref<56x64xf32, #tpu.memory_space<vmem>>
            %dma_start3A_432 = arith.constant 0 : i32
            %dma_start3A_433 = tpu.memref_slice %arg7[%add3A_423, %dma_start3A_432] : memref<51968x64xf32, #tpu.memory_space<hbm>> -> memref<56x64xf32, #tpu.memory_space<hbm>>
            tpu.enqueue_dma source(%dma_start3A_433 : memref<56x64xf32, #tpu.memory_space<hbm>>) target(%dma_start3A_431 : memref<56x64xf32, #tpu.memory_space<vmem>>) target_semaphore(%arg25 : memref<!tpu.dma_semaphore, #tpu.memory_space<semaphore_mem>>)
          } else {
          }
          %lt3A_365 = arith.constant 10 : i32
          %lt3A_366 = arith.cmpi slt, %add3A_335, %lt3A_365 : i32
          %jit3A_367 = arith.constant 2 : i32
          %eq3A_368 = arith.constant 0 : i32
          %eq3A_369 = arith.cmpi eq, %jit3A_367, %eq3A_368 : i32
          %jit3A_370 = arith.constant 1 : i32
          %select_n3A_371 = arith.select %eq3A_369, %jit3A_370, %jit3A_367 : i32
          %rem3A_372 = arith.remsi %add3A_335, %select_n3A_371 : i32
          %ne3A_373 = arith.constant 0 : i32
          %ne3A_374 = arith.cmpi ne, %rem3A_372, %ne3A_373 : i32
          %lt3A_375 = arith.constant 0 : i32
          %lt3A_376 = arith.cmpi slt, %rem3A_372, %lt3A_375 : i32
          %lt3A_377 = arith.constant 0 : i32
          %lt3A_378 = arith.cmpi slt, %select_n3A_371, %lt3A_377 : i32
          %ne3A_379 = arith.xori %lt3A_376, %lt3A_378 : i1
          %and3A_380 = arith.andi %ne3A_379, %ne3A_374 : i1
          %add3A_381 = arith.addi %rem3A_372, %select_n3A_371 : i32
          %select_n3A_382 = arith.select %and3A_380, %add3A_381, %rem3A_372 : i32
          %eq3A_383 = arith.constant 1 : i32
          %eq3A_384 = arith.cmpi eq, %select_n3A_382, %eq3A_383 : i32
          %and3A_385 = arith.andi %lt3A_366, %eq3A_384 : i1
          %convert_element_type3A_386 = arith.extui %and3A_385 : i1 to i32
          %cond3A_387 = arith.constant 0 : i32
          %cond3A_388 = arith.cmpi ne, %convert_element_type3A_386, %cond3A_387 : i32
          scf.if %cond3A_388 {
            %dma_start3A_413 = arith.constant 56 : i32
            %dma_start3A_414 = arith.constant 0 : i32
            %dma_start3A_415 = tpu.memref_slice %arg19[%dma_start3A_413, %dma_start3A_414] : memref<112x72xf32, #tpu.memory_space<vmem>> -> memref<56x72xf32, #tpu.memory_space<vmem>>
            %dma_start3A_416 = arith.constant 0 : i32
            %dma_start3A_417 = tpu.memref_slice %arg22[%add3A_340, %dma_start3A_416] : memref<8968x72xf32, #tpu.memory_space<vmem_shared>> -> memref<56x72xf32, #tpu.memory_space<vmem_shared>>
            %dma_start3A_418 = arith.constant 56 : i32
            %dma_start3A_419 = arith.constant 0 : i32
            %dma_start3A_420 = tpu.memref_slice %arg19[%dma_start3A_418, %dma_start3A_419] : memref<112x72xf32, #tpu.memory_space<vmem>> -> memref<56x72xf32, #tpu.memory_space<vmem>>
            %dma_start3A_421 = arith.constant 0 : i32
            %dma_start3A_422 = tpu.memref_slice %arg22[%add3A_340, %dma_start3A_421] : memref<8968x72xf32, #tpu.memory_space<vmem_shared>> -> memref<56x72xf32, #tpu.memory_space<vmem_shared>>
            tpu.enqueue_dma source(%dma_start3A_422 : memref<56x72xf32, #tpu.memory_space<vmem_shared>>) target(%dma_start3A_420 : memref<56x72xf32, #tpu.memory_space<vmem>>) target_semaphore(%arg24 : memref<!tpu.dma_semaphore, #tpu.memory_space<semaphore_mem>>)
            %add3A_423 = arith.addi %add3A_63, %add3A_340 : i32
            %dma_start3A_424 = arith.constant 56 : i32
            %dma_start3A_425 = arith.constant 0 : i32
            %dma_start3A_426 = tpu.memref_slice %arg20[%dma_start3A_424, %dma_start3A_425] : memref<112x64xf32, #tpu.memory_space<vmem>> -> memref<56x64xf32, #tpu.memory_space<vmem>>
            %dma_start3A_427 = arith.constant 0 : i32
            %dma_start3A_428 = tpu.memref_slice %arg7[%add3A_423, %dma_start3A_427] : memref<51968x64xf32, #tpu.memory_space<hbm>> -> memref<56x64xf32, #tpu.memory_space<hbm>>
            %dma_start3A_429 = arith.constant 56 : i32
            %dma_start3A_430 = arith.constant 0 : i32
            %dma_start3A_431 = tpu.memref_slice %arg20[%dma_start3A_429, %dma_start3A_430] : memref<112x64xf32, #tpu.memory_space<vmem>> -> memref<56x64xf32, #tpu.memory_space<vmem>>
            %dma_start3A_432 = arith.constant 0 : i32
            %dma_start3A_433 = tpu.memref_slice %arg7[%add3A_423, %dma_start3A_432] : memref<51968x64xf32, #tpu.memory_space<hbm>> -> memref<56x64xf32, #tpu.memory_space<hbm>>
            tpu.enqueue_dma source(%dma_start3A_433 : memref<56x64xf32, #tpu.memory_space<hbm>>) target(%dma_start3A_431 : memref<56x64xf32, #tpu.memory_space<vmem>>) target_semaphore(%arg26 : memref<!tpu.dma_semaphore, #tpu.memory_space<semaphore_mem>>)
          } else {
          }
          %jit3A_389 = arith.constant 2 : i32
          %eq3A_390 = arith.constant 0 : i32
          %eq3A_391 = arith.cmpi eq, %jit3A_389, %eq3A_390 : i32
          %jit3A_392 = arith.constant 1 : i32
          %select_n3A_393 = arith.select %eq3A_391, %jit3A_392, %jit3A_389 : i32
          %rem3A_394 = arith.remsi %scan3A_282, %select_n3A_393 : i32
          %ne3A_395 = arith.constant 0 : i32
          %ne3A_396 = arith.cmpi ne, %rem3A_394, %ne3A_395 : i32
          %lt3A_397 = arith.constant 0 : i32
          %lt3A_398 = arith.cmpi slt, %rem3A_394, %lt3A_397 : i32
          %lt3A_399 = arith.constant 0 : i32
          %lt3A_400 = arith.cmpi slt, %select_n3A_393, %lt3A_399 : i32
          %ne3A_401 = arith.xori %lt3A_398, %lt3A_400 : i1
          %and3A_402 = arith.andi %ne3A_401, %ne3A_396 : i1
          %add3A_403 = arith.addi %rem3A_394, %select_n3A_393 : i32
          %select_n3A_404 = arith.select %and3A_402, %add3A_403, %rem3A_394 : i32
          %mul3A_405 = arith.constant 56 : i32
          %mul3A_406 = arith.muli %select_n3A_404, %mul3A_405 : i32
          %scan3A_407 = arith.constant 0 : i32
          %scan3A_408 = arith.constant 56 : i32
          %scan3A_409 = arith.addi %scan3A_407, %scan3A_408 : i32
          %scan3A_410 = arith.constant 1 : i32
          %scan3A_411:4 = scf.for %scan3A_413 = %scan3A_407 to %scan3A_409 step %scan3A_410 iter_args(%scan3A_414 = %scan3A_283, %scan3A_415 = %scan3A_284, %scan3A_416 = %scan3A_285, %scan3A_417 = %scan3A_286) -> (vector<16xf32>, vector<16xf32>, vector<16xf32>, vector<16xf32>)  : i32 {
            %add3A_418 = arith.addi %mul3A_406, %scan3A_413 : i32
            %get3A = arith.index_cast %add3A_418 : i32 to index
            %get3A_419 = arith.constant 56 : index
            %get3A_420 = tpu.vector_load %arg19[%get3A, %get3A_419] {strides = array<i32>} : memref<112x72xf32, #tpu.memory_space<vmem>>, vector<16xf32>,
            %max3A = arith.constant 1.000000e+00 : f32
            %max3A_421 = vector.broadcast %max3A : f32 to vector<16xf32>
            %max3A_422 = arith.maximumf %get3A_420, %max3A_421 : vector<16xf32>
            %div3A_423 = arith.constant 1.000000e+00 : f32
            %div3A_424 = vector.broadcast %div3A_423 : f32 to vector<16xf32>
            %div3A_425 = arith.divf %div3A_424, %max3A_422 : vector<16xf32>
            %slice3A = vector.extract_strided_slice %div3A_425 {offsets = [8], sizes = [1], strides = [1]} : vector<16xf32> to vector<1xf32>
            %squeeze3A = vector.extract %slice3A[0] : f32 from vector<1xf32>
            %add3A_426 = arith.addi %mul3A_406, %scan3A_413 : i32
            %get3A_427 = arith.index_cast %add3A_426 : i32 to index
            %get3A_428 = arith.constant 0 : index
            %get3A_429 = tpu.vector_load %arg19[%get3A_427, %get3A_428] {strides = array<i32>} : memref<112x72xf32, #tpu.memory_space<vmem>>, vector<16xf32>,
            %mul3A_430 = vector.broadcast %squeeze3A : f32 to vector<16xf32>
            %mul3A_431 = arith.mulf %get3A_429, %mul3A_430 : vector<16xf32>
            %add3A_432 = arith.addi %mul3A_406, %scan3A_413 : i32
            %get3A_433 = arith.index_cast %add3A_432 : i32 to index
            %get3A_434 = arith.constant 0 : index
            %get3A_435 = tpu.vector_load %arg20[%get3A_433, %get3A_434] {strides = array<i32>} : memref<112x64xf32, #tpu.memory_space<vmem>>, vector<16xf32>,
            %add3A_436 = arith.addf %mul3A_431, %get3A_435 : vector<16xf32>
            %max3A_437 = arith.constant 0.000000e+00 : f32
            %max3A_438 = vector.broadcast %max3A_437 : f32 to vector<16xf32>
            %max3A_439 = arith.maximumf %add3A_436, %max3A_438 : vector<16xf32>
            %max3A_440 = arith.maximumf %scan3A_414, %max3A_439 : vector<16xf32>
            %add3A_441 = arith.addi %mul3A_406, %scan3A_413 : i32
            %get3A_442 = arith.index_cast %add3A_441 : i32 to index
            %get3A_443 = arith.constant 16 : index
            %get3A_444 = tpu.vector_load %arg19[%get3A_442, %get3A_443] {strides = array<i32>} : memref<112x72xf32, #tpu.memory_space<vmem>>, vector<16xf32>,
            %mul3A_445 = vector.broadcast %squeeze3A : f32 to vector<16xf32>
            %mul3A_446 = arith.mulf %get3A_444, %mul3A_445 : vector<16xf32>
            %add3A_447 = arith.addi %mul3A_406, %scan3A_413 : i32
            %get3A_448 = arith.index_cast %add3A_447 : i32 to index
            %get3A_449 = arith.constant 16 : index
            %get3A_450 = tpu.vector_load %arg20[%get3A_448, %get3A_449] {strides = array<i32>} : memref<112x64xf32, #tpu.memory_space<vmem>>, vector<16xf32>,
            %add3A_451 = arith.addf %mul3A_446, %get3A_450 : vector<16xf32>
            %max3A_452 = arith.constant 0.000000e+00 : f32
            %max3A_453 = vector.broadcast %max3A_452 : f32 to vector<16xf32>
            %max3A_454 = arith.maximumf %add3A_451, %max3A_453 : vector<16xf32>
            %max3A_455 = arith.maximumf %scan3A_415, %max3A_454 : vector<16xf32>
            %add3A_456 = arith.addi %mul3A_406, %scan3A_413 : i32
            %get3A_457 = arith.index_cast %add3A_456 : i32 to index
            %get3A_458 = arith.constant 32 : index
            %get3A_459 = tpu.vector_load %arg19[%get3A_457, %get3A_458] {strides = array<i32>} : memref<112x72xf32, #tpu.memory_space<vmem>>, vector<16xf32>,
            %mul3A_460 = vector.broadcast %squeeze3A : f32 to vector<16xf32>
            %mul3A_461 = arith.mulf %get3A_459, %mul3A_460 : vector<16xf32>
            %add3A_462 = arith.addi %mul3A_406, %scan3A_413 : i32
            %get3A_463 = arith.index_cast %add3A_462 : i32 to index
            %get3A_464 = arith.constant 32 : index
            %get3A_465 = tpu.vector_load %arg20[%get3A_463, %get3A_464] {strides = array<i32>} : memref<112x64xf32, #tpu.memory_space<vmem>>, vector<16xf32>,
            %add3A_466 = arith.addf %mul3A_461, %get3A_465 : vector<16xf32>
            %max3A_467 = arith.constant 0.000000e+00 : f32
            %max3A_468 = vector.broadcast %max3A_467 : f32 to vector<16xf32>
            %max3A_469 = arith.maximumf %add3A_466, %max3A_468 : vector<16xf32>
            %max3A_470 = arith.maximumf %scan3A_416, %max3A_469 : vector<16xf32>
            %add3A_471 = arith.addi %mul3A_406, %scan3A_413 : i32
            %get3A_472 = arith.index_cast %add3A_471 : i32 to index
            %get3A_473 = arith.constant 48 : index
            %get3A_474 = tpu.vector_load %arg19[%get3A_472, %get3A_473] {strides = array<i32>} : memref<112x72xf32, #tpu.memory_space<vmem>>, vector<16xf32>,
            %mul3A_475 = vector.broadcast %squeeze3A : f32 to vector<16xf32>
            %mul3A_476 = arith.mulf %get3A_474, %mul3A_475 : vector<16xf32>
            %add3A_477 = arith.addi %mul3A_406, %scan3A_413 : i32
            %get3A_478 = arith.index_cast %add3A_477 : i32 to index
            %get3A_479 = arith.constant 48 : index
            %get3A_480 = tpu.vector_load %arg20[%get3A_478, %get3A_479] {strides = array<i32>} : memref<112x64xf32, #tpu.memory_space<vmem>>, vector<16xf32>,
            %add3A_481 = arith.addf %mul3A_476, %get3A_480 : vector<16xf32>
            %max3A_482 = arith.constant 0.000000e+00 : f32
            %max3A_483 = vector.broadcast %max3A_482 : f32 to vector<16xf32>
            %max3A_484 = arith.maximumf %add3A_481, %max3A_483 : vector<16xf32>
            %max3A_485 = arith.maximumf %scan3A_417, %max3A_484 : vector<16xf32>
            scf.yield %max3A_440, %max3A_455, %max3A_470, %max3A_485 : vector<16xf32>, vector<16xf32>, vector<16xf32>, vector<16xf32>
          }
          %scan3A_412 = arith.constant 56 : i32
          scf.yield %scan3A_411#0, %scan3A_411#1, %scan3A_411#2, %scan3A_411#3 : vector<16xf32>, vector<16xf32>, vector<16xf32>, vector<16xf32>
        }
        %scan3A_281 = arith.constant 10 : i32
        scf.yield %scan3A_280#0, %scan3A_280#1, %scan3A_280#2, %scan3A_280#3 : vector<16xf32>, vector<16xf32>, vector<16xf32>, vector<16xf32>
      }
      %scan3A_37 = arith.constant 3 : i32
      %swap3A = arith.constant 0 : i32
      %swap3A_38 = arith.index_cast %swap3A : i32 to index
      %swap3A_39 = arith.constant 0 : index
      %swap3A_40 = tpu.vector_load %arg21[%swap3A_38, %swap3A_39] {strides = array<i32>} : memref<1x64xf32, #tpu.memory_space<vmem>>, vector<16xf32>,
      tpu.vector_store %arg21[%swap3A_38, %swap3A_39], %scan3A_36#0 {strides = array<i32>} : memref<1x64xf32, #tpu.memory_space<vmem>>, vector<16xf32>,
      %swap3A_41 = arith.constant 0 : i32
      %swap3A_42 = arith.index_cast %swap3A_41 : i32 to index
      %swap3A_43 = arith.constant 16 : index
      %swap3A_44 = tpu.vector_load %arg21[%swap3A_42, %swap3A_43] {strides = array<i32>} : memref<1x64xf32, #tpu.memory_space<vmem>>, vector<16xf32>,
      tpu.vector_store %arg21[%swap3A_42, %swap3A_43], %scan3A_36#1 {strides = array<i32>} : memref<1x64xf32, #tpu.memory_space<vmem>>, vector<16xf32>,
      %swap3A_45 = arith.constant 0 : i32
      %swap3A_46 = arith.index_cast %swap3A_45 : i32 to index
      %swap3A_47 = arith.constant 32 : index
      %swap3A_48 = tpu.vector_load %arg21[%swap3A_46, %swap3A_47] {strides = array<i32>} : memref<1x64xf32, #tpu.memory_space<vmem>>, vector<16xf32>,
      tpu.vector_store %arg21[%swap3A_46, %swap3A_47], %scan3A_36#2 {strides = array<i32>} : memref<1x64xf32, #tpu.memory_space<vmem>>, vector<16xf32>,
      %swap3A_49 = arith.constant 0 : i32
      %swap3A_50 = arith.index_cast %swap3A_49 : i32 to index
      %swap3A_51 = arith.constant 48 : index
      %swap3A_52 = tpu.vector_load %arg21[%swap3A_50, %swap3A_51] {strides = array<i32>} : memref<1x64xf32, #tpu.memory_space<vmem>>, vector<16xf32>,
      tpu.vector_store %arg21[%swap3A_50, %swap3A_51], %scan3A_36#3 {strides = array<i32>} : memref<1x64xf32, #tpu.memory_space<vmem>>, vector<16xf32>,
      "tpu.region"() ({
        %run_scoped3A = tpu.sem_alloc : memref<!tpu.dma_semaphore, #tpu.memory_space<semaphore_mem>>
        %dma_start3A = arith.constant 0 : i32
        %dma_start3A_54 = tpu.memref_slice %arg8[%arg0, %arg1, %scan3A_19, %dma_start3A] : memref<2x16x10x64xf32, #tpu.memory_space<hbm>> -> memref<1x1x1x64xf32, #tpu.memory_space<hbm>>
        %dma_start3A_55 = tpu.memref_squeeze %dma_start3A_54 : memref<1x1x1x64xf32, #tpu.memory_space<hbm>> -> memref<1x64xf32, #tpu.memory_space<hbm>>
        %dma_start3A_56 = arith.constant 0 : i32
        %dma_start3A_57 = tpu.memref_slice %arg8[%arg0, %arg1, %scan3A_19, %dma_start3A_56] : memref<2x16x10x64xf32, #tpu.memory_space<hbm>> -> memref<1x1x1x64xf32, #tpu.memory_space<hbm>>
        %dma_start3A_58 = tpu.memref_squeeze %dma_start3A_57 : memref<1x1x1x64xf32, #tpu.memory_space<hbm>> -> memref<1x64xf32, #tpu.memory_space<hbm>>
        tpu.enqueue_dma source(%arg21 : memref<1x64xf32, #tpu.memory_space<vmem>>) target(%dma_start3A_58 : memref<1x64xf32, #tpu.memory_space<hbm>>) target_semaphore(%run_scoped3A : memref<!tpu.dma_semaphore, #tpu.memory_space<semaphore_mem>>)
        %dma_wait3A = arith.constant 0 : i32
        %dma_wait3A_59 = tpu.memref_slice %arg8[%arg0, %arg1, %scan3A_19, %dma_wait3A] : memref<2x16x10x64xf32, #tpu.memory_space<hbm>> -> memref<1x1x1x64xf32, #tpu.memory_space<hbm>>
        %dma_wait3A_60 = tpu.memref_squeeze %dma_wait3A_59 : memref<1x1x1x64xf32, #tpu.memory_space<hbm>> -> memref<1x64xf32, #tpu.memory_space<hbm>>
        %dma_wait3A_61 = arith.constant 0 : i32
        %dma_wait3A_62 = tpu.memref_slice %arg8[%arg0, %arg1, %scan3A_19, %dma_wait3A_61] : memref<2x16x10x64xf32, #tpu.memory_space<hbm>> -> memref<1x1x1x64xf32, #tpu.memory_space<hbm>>
        %dma_wait3A_63 = tpu.memref_squeeze %dma_wait3A_62 : memref<1x1x1x64xf32, #tpu.memory_space<hbm>> -> memref<1x64xf32, #tpu.memory_space<hbm>>
        tpu.wait_dma2 semaphore(%run_scoped3A : memref<!tpu.dma_semaphore, #tpu.memory_space<semaphore_mem>>) src(%arg21 : memref<1x64xf32, #tpu.memory_space<vmem>>) dst(%dma_wait3A_63 : memref<1x64xf32, #tpu.memory_space<hbm>>)
        tpu.yield
      }) : () -> ()
      %scan3A_53 = arith.constant 0 : i32
      scf.yield %scan3A_53 : i32
    }
    %scan3A_18 = arith.constant 10 : i32
    return
  }
}

module attributes {stable_mosaic.version = 14 : i64} {
  func.func @body(%arg0: i32, %arg1: memref<6496x64xf32, #tpu.memory_space<vmem>>, %arg2: memref<64x64xf32, #tpu.memory_space<vmem>>, %arg3: memref<6496x64xf32, #tpu.memory_space<vmem>>) attributes {dimension_semantics = [#tpu.dimension_semantics<arbitrary>], iteration_bounds = array<i64: 8>, scalar_prefetch = 0 : i64, scratch_operands = 0 : i64, tpu.core_type = #tpu.core_type<tc>, window_params = [{transform_indices = @transform_0, window_bounds = array<i64: 6496, 64>}, {pipeline_mode = #tpu.pipeline_mode<synchronous>, transform_indices = @transform_1, window_bounds = array<i64: 64, 64>}, {transform_indices = @transform_2, window_bounds = array<i64: 6496, 64>}]} {
    %get3A = arith.constant 0 : index
    %get3A_0 = arith.constant 0 : index
    %get3A_1 = vector.load %arg1[%get3A, %get3A_0] : memref<6496x64xf32, #tpu.memory_space<vmem>>, vector<6496x64xf32>
    %get3A_2 = arith.constant 0 : index
    %get3A_3 = arith.constant 0 : index
    %get3A_4 = vector.load %arg2[%get3A_2, %get3A_3] : memref<64x64xf32, #tpu.memory_space<vmem>>, vector<64x64xf32>
    %dot_general3A = arith.constant dense<0.000000e+00> : vector<6496x64xf32>
    %dot_general3A_5 = tpu.matmul %get3A_1, %get3A_4, %dot_general3A {dimension_numbers = #tpu.dot_dimension_numbers<[1], [0], [0], [1], [0, 0, 1, 1], [], []>, transpose_lhs_hint = false} : vector<6496x64xf32>, vector<64x64xf32>, vector<6496x64xf32> -> vector<6496x64xf32>
    %swap3A = arith.constant 0 : index
    %swap3A_6 = arith.constant 0 : index
    %swap3A_7 = vector.load %arg3[%swap3A, %swap3A_6] : memref<6496x64xf32, #tpu.memory_space<vmem>>, vector<6496x64xf32>
    tpu.vector_store %arg3[%swap3A, %swap3A_6], %dot_general3A_5 {strides = array<i32>} : memref<6496x64xf32, #tpu.memory_space<vmem>>, vector<6496x64xf32>,
    return
  }
  func.func @transform_0(%arg0: i32) -> (i32, i32) {
    %c0_i32 = arith.constant 0 : i32
    %c0_i32_0 = arith.constant 0 : i32
    return %arg0, %c0_i32 : i32, i32
  }
  func.func @transform_1(%arg0: i32) -> (i32, i32) {
    %c0_i32 = arith.constant 0 : i32
    %c0_i32_0 = arith.constant 0 : i32
    %c0_i32_1 = arith.constant 0 : i32
    return %c0_i32, %c0_i32_0 : i32, i32
  }
  func.func @transform_2(%arg0: i32) -> (i32, i32) {
    %c0_i32 = arith.constant 0 : i32
    %c0_i32_0 = arith.constant 0 : i32
    return %arg0, %c0_i32 : i32, i32
  }
}

module attributes {stable_mosaic.version = 14 : i64} {
  func.func @body(%arg0: memref<2x16x10x64xf32, #tpu.memory_space<vmem>>, %arg1: memref<64x192xf32, #tpu.memory_space<vmem>>, %arg2: memref<64x192xf32, #tpu.memory_space<vmem>>, %arg3: memref<1x192xf32, #tpu.memory_space<vmem>>, %arg4: memref<1x192xf32, #tpu.memory_space<vmem>>, %arg5: memref<1x64xf32, #tpu.memory_space<vmem>>) attributes {dimension_semantics = [], scalar_prefetch = 0 : i64, scratch_operands = 0 : i64, tpu.core_type = #tpu.core_type<tc>} {
    %get3A = arith.constant 0 : index
    %get3A_0 = arith.constant 0 : index
    %get3A_1 = arith.constant 0 : index
    %get3A_2 = arith.constant 0 : index
    %get3A_3 = vector.load %arg0[%get3A, %get3A_0, %get3A_1, %get3A_2] : memref<2x16x10x64xf32, #tpu.memory_space<vmem>>, vector<2x16x10x64xf32>
    %reduce_max3A = arith.constant dense<0xFF800000> : vector<10x64xf32>
    %reduce_max3A_4 = vector.multi_reduction <maximumf>, %get3A_3, %reduce_max3A [0, 1] : vector<2x16x10x64xf32> to vector<10x64xf32>
    %get3A_5 = arith.constant 0 : index
    %get3A_6 = arith.constant 0 : index
    %get3A_7 = vector.load %arg3[%get3A_5, %get3A_6] : memref<1x192xf32, #tpu.memory_space<vmem>>, vector<1x192xf32>
    %get3A_8 = arith.constant 0 : index
    %get3A_9 = arith.constant 0 : index
    %get3A_10 = vector.load %arg4[%get3A_8, %get3A_9] : memref<1x192xf32, #tpu.memory_space<vmem>>, vector<1x192xf32>
    %broadcast_in_dim3A = arith.constant 0.000000e+00 : f32
    %broadcast_in_dim3A_11 = vector.broadcast %broadcast_in_dim3A : f32 to vector<1x64xf32>
    %slice3A = vector.extract_strided_slice %reduce_max3A_4 {offsets = [0, 0], sizes = [1, 64], strides = [1, 1]} : vector<10x64xf32> to vector<1x64xf32>
    %get3A_12 = arith.constant 0 : index
    %get3A_13 = arith.constant 0 : index
    %get3A_14 = vector.load %arg1[%get3A_12, %get3A_13] : memref<64x192xf32, #tpu.memory_space<vmem>>, vector<64x192xf32>
    %dot_general3A = arith.constant dense<0.000000e+00> : vector<1x192xf32>
    %dot_general3A_15 = tpu.matmul %slice3A, %get3A_14, %dot_general3A {dimension_numbers = #tpu.dot_dimension_numbers<[1], [0], [0], [1], [0, 0, 1, 1], [], []>, transpose_lhs_hint = false} : vector<1x64xf32>, vector<64x192xf32>, vector<1x192xf32> -> vector<1x192xf32>
    %add3A = arith.addf %dot_general3A_15, %get3A_7 : vector<1x192xf32>
    %get3A_16 = arith.constant 0 : index
    %get3A_17 = arith.constant 0 : index
    %get3A_18 = vector.load %arg2[%get3A_16, %get3A_17] : memref<64x192xf32, #tpu.memory_space<vmem>>, vector<64x192xf32>
    %dot_general3A_19 = arith.constant dense<0.000000e+00> : vector<1x192xf32>
    %dot_general3A_20 = tpu.matmul %broadcast_in_dim3A_11, %get3A_18, %dot_general3A_19 {dimension_numbers = #tpu.dot_dimension_numbers<[1], [0], [0], [1], [0, 0, 1, 1], [], []>, transpose_lhs_hint = false} : vector<1x64xf32>, vector<64x192xf32>, vector<1x192xf32> -> vector<1x192xf32>
    %add3A_21 = arith.addf %dot_general3A_20, %get3A_10 : vector<1x192xf32>
    %slice3A_22 = vector.extract_strided_slice %add3A {offsets = [0, 0], sizes = [1, 64], strides = [1, 1]} : vector<1x192xf32> to vector<1x64xf32>
    %slice3A_23 = vector.extract_strided_slice %add3A {offsets = [0, 64], sizes = [1, 64], strides = [1, 1]} : vector<1x192xf32> to vector<1x64xf32>
    %slice3A_24 = vector.extract_strided_slice %add3A {offsets = [0, 128], sizes = [1, 64], strides = [1, 1]} : vector<1x192xf32> to vector<1x64xf32>
    %slice3A_25 = vector.extract_strided_slice %add3A_21 {offsets = [0, 0], sizes = [1, 64], strides = [1, 1]} : vector<1x192xf32> to vector<1x64xf32>
    %slice3A_26 = vector.extract_strided_slice %add3A_21 {offsets = [0, 64], sizes = [1, 64], strides = [1, 1]} : vector<1x192xf32> to vector<1x64xf32>
    %slice3A_27 = vector.extract_strided_slice %add3A_21 {offsets = [0, 128], sizes = [1, 64], strides = [1, 1]} : vector<1x192xf32> to vector<1x64xf32>
    %add3A_28 = arith.addf %slice3A_22, %slice3A_25 : vector<1x64xf32>
    %logistic3A = arith.negf %add3A_28 : vector<1x64xf32>
    %logistic3A_29 = math.exp %logistic3A : vector<1x64xf32>
    %logistic3A_30 = arith.constant 1.000000e+00 : f32
    %logistic3A_31 = vector.broadcast %logistic3A_30 : f32 to vector<1x64xf32>
    %logistic3A_32 = arith.addf %logistic3A_31, %logistic3A_29 : vector<1x64xf32>
    %logistic3A_33 = arith.divf %logistic3A_31, %logistic3A_32 : vector<1x64xf32>
    %add3A_34 = arith.addf %slice3A_23, %slice3A_26 : vector<1x64xf32>
    %logistic3A_35 = arith.negf %add3A_34 : vector<1x64xf32>
    %logistic3A_36 = math.exp %logistic3A_35 : vector<1x64xf32>
    %logistic3A_37 = arith.constant 1.000000e+00 : f32
    %logistic3A_38 = vector.broadcast %logistic3A_37 : f32 to vector<1x64xf32>
    %logistic3A_39 = arith.addf %logistic3A_38, %logistic3A_36 : vector<1x64xf32>
    %logistic3A_40 = arith.divf %logistic3A_38, %logistic3A_39 : vector<1x64xf32>
    %mul3A = arith.mulf %logistic3A_33, %slice3A_27 : vector<1x64xf32>
    %add3A_41 = arith.addf %slice3A_24, %mul3A : vector<1x64xf32>
    %tanh3A = math.tanh %add3A_41 : vector<1x64xf32>
    %sub3A = arith.constant 1.000000e+00 : f32
    %sub3A_42 = vector.broadcast %sub3A : f32 to vector<1x64xf32>
    %sub3A_43 = arith.subf %sub3A_42, %logistic3A_40 : vector<1x64xf32>
    %mul3A_44 = arith.mulf %sub3A_43, %tanh3A : vector<1x64xf32>
    %mul3A_45 = arith.mulf %logistic3A_40, %broadcast_in_dim3A_11 : vector<1x64xf32>
    %add3A_46 = arith.addf %mul3A_44, %mul3A_45 : vector<1x64xf32>
    %slice3A_47 = vector.extract_strided_slice %reduce_max3A_4 {offsets = [1, 0], sizes = [1, 64], strides = [1, 1]} : vector<10x64xf32> to vector<1x64xf32>
    %get3A_48 = arith.constant 0 : index
    %get3A_49 = arith.constant 0 : index
    %get3A_50 = vector.load %arg1[%get3A_48, %get3A_49] : memref<64x192xf32, #tpu.memory_space<vmem>>, vector<64x192xf32>
    %dot_general3A_51 = arith.constant dense<0.000000e+00> : vector<1x192xf32>
    %dot_general3A_52 = tpu.matmul %slice3A_47, %get3A_50, %dot_general3A_51 {dimension_numbers = #tpu.dot_dimension_numbers<[1], [0], [0], [1], [0, 0, 1, 1], [], []>, transpose_lhs_hint = false} : vector<1x64xf32>, vector<64x192xf32>, vector<1x192xf32> -> vector<1x192xf32>
    %add3A_53 = arith.addf %dot_general3A_52, %get3A_7 : vector<1x192xf32>
    %get3A_54 = arith.constant 0 : index
    %get3A_55 = arith.constant 0 : index
    %get3A_56 = vector.load %arg2[%get3A_54, %get3A_55] : memref<64x192xf32, #tpu.memory_space<vmem>>, vector<64x192xf32>
    %dot_general3A_57 = arith.constant dense<0.000000e+00> : vector<1x192xf32>
    %dot_general3A_58 = tpu.matmul %add3A_46, %get3A_56, %dot_general3A_57 {dimension_numbers = #tpu.dot_dimension_numbers<[1], [0], [0], [1], [0, 0, 1, 1], [], []>, transpose_lhs_hint = false} : vector<1x64xf32>, vector<64x192xf32>, vector<1x192xf32> -> vector<1x192xf32>
    %add3A_59 = arith.addf %dot_general3A_58, %get3A_10 : vector<1x192xf32>
    %slice3A_60 = vector.extract_strided_slice %add3A_53 {offsets = [0, 0], sizes = [1, 64], strides = [1, 1]} : vector<1x192xf32> to vector<1x64xf32>
    %slice3A_61 = vector.extract_strided_slice %add3A_53 {offsets = [0, 64], sizes = [1, 64], strides = [1, 1]} : vector<1x192xf32> to vector<1x64xf32>
    %slice3A_62 = vector.extract_strided_slice %add3A_53 {offsets = [0, 128], sizes = [1, 64], strides = [1, 1]} : vector<1x192xf32> to vector<1x64xf32>
    %slice3A_63 = vector.extract_strided_slice %add3A_59 {offsets = [0, 0], sizes = [1, 64], strides = [1, 1]} : vector<1x192xf32> to vector<1x64xf32>
    %slice3A_64 = vector.extract_strided_slice %add3A_59 {offsets = [0, 64], sizes = [1, 64], strides = [1, 1]} : vector<1x192xf32> to vector<1x64xf32>
    %slice3A_65 = vector.extract_strided_slice %add3A_59 {offsets = [0, 128], sizes = [1, 64], strides = [1, 1]} : vector<1x192xf32> to vector<1x64xf32>
    %add3A_66 = arith.addf %slice3A_60, %slice3A_63 : vector<1x64xf32>
    %logistic3A_67 = arith.negf %add3A_66 : vector<1x64xf32>
    %logistic3A_68 = math.exp %logistic3A_67 : vector<1x64xf32>
    %logistic3A_69 = arith.constant 1.000000e+00 : f32
    %logistic3A_70 = vector.broadcast %logistic3A_69 : f32 to vector<1x64xf32>
    %logistic3A_71 = arith.addf %logistic3A_70, %logistic3A_68 : vector<1x64xf32>
    %logistic3A_72 = arith.divf %logistic3A_70, %logistic3A_71 : vector<1x64xf32>
    %add3A_73 = arith.addf %slice3A_61, %slice3A_64 : vector<1x64xf32>
    %logistic3A_74 = arith.negf %add3A_73 : vector<1x64xf32>
    %logistic3A_75 = math.exp %logistic3A_74 : vector<1x64xf32>
    %logistic3A_76 = arith.constant 1.000000e+00 : f32
    %logistic3A_77 = vector.broadcast %logistic3A_76 : f32 to vector<1x64xf32>
    %logistic3A_78 = arith.addf %logistic3A_77, %logistic3A_75 : vector<1x64xf32>
    %logistic3A_79 = arith.divf %logistic3A_77, %logistic3A_78 : vector<1x64xf32>
    %mul3A_80 = arith.mulf %logistic3A_72, %slice3A_65 : vector<1x64xf32>
    %add3A_81 = arith.addf %slice3A_62, %mul3A_80 : vector<1x64xf32>
    %tanh3A_82 = math.tanh %add3A_81 : vector<1x64xf32>
    %sub3A_83 = arith.constant 1.000000e+00 : f32
    %sub3A_84 = vector.broadcast %sub3A_83 : f32 to vector<1x64xf32>
    %sub3A_85 = arith.subf %sub3A_84, %logistic3A_79 : vector<1x64xf32>
    %mul3A_86 = arith.mulf %sub3A_85, %tanh3A_82 : vector<1x64xf32>
    %mul3A_87 = arith.mulf %logistic3A_79, %add3A_46 : vector<1x64xf32>
    %add3A_88 = arith.addf %mul3A_86, %mul3A_87 : vector<1x64xf32>
    %slice3A_89 = vector.extract_strided_slice %reduce_max3A_4 {offsets = [2, 0], sizes = [1, 64], strides = [1, 1]} : vector<10x64xf32> to vector<1x64xf32>
    %get3A_90 = arith.constant 0 : index
    %get3A_91 = arith.constant 0 : index
    %get3A_92 = vector.load %arg1[%get3A_90, %get3A_91] : memref<64x192xf32, #tpu.memory_space<vmem>>, vector<64x192xf32>
    %dot_general3A_93 = arith.constant dense<0.000000e+00> : vector<1x192xf32>
    %dot_general3A_94 = tpu.matmul %slice3A_89, %get3A_92, %dot_general3A_93 {dimension_numbers = #tpu.dot_dimension_numbers<[1], [0], [0], [1], [0, 0, 1, 1], [], []>, transpose_lhs_hint = false} : vector<1x64xf32>, vector<64x192xf32>, vector<1x192xf32> -> vector<1x192xf32>
    %add3A_95 = arith.addf %dot_general3A_94, %get3A_7 : vector<1x192xf32>
    %get3A_96 = arith.constant 0 : index
    %get3A_97 = arith.constant 0 : index
    %get3A_98 = vector.load %arg2[%get3A_96, %get3A_97] : memref<64x192xf32, #tpu.memory_space<vmem>>, vector<64x192xf32>
    %dot_general3A_99 = arith.constant dense<0.000000e+00> : vector<1x192xf32>
    %dot_general3A_100 = tpu.matmul %add3A_88, %get3A_98, %dot_general3A_99 {dimension_numbers = #tpu.dot_dimension_numbers<[1], [0], [0], [1], [0, 0, 1, 1], [], []>, transpose_lhs_hint = false} : vector<1x64xf32>, vector<64x192xf32>, vector<1x192xf32> -> vector<1x192xf32>
    %add3A_101 = arith.addf %dot_general3A_100, %get3A_10 : vector<1x192xf32>
    %slice3A_102 = vector.extract_strided_slice %add3A_95 {offsets = [0, 0], sizes = [1, 64], strides = [1, 1]} : vector<1x192xf32> to vector<1x64xf32>
    %slice3A_103 = vector.extract_strided_slice %add3A_95 {offsets = [0, 64], sizes = [1, 64], strides = [1, 1]} : vector<1x192xf32> to vector<1x64xf32>
    %slice3A_104 = vector.extract_strided_slice %add3A_95 {offsets = [0, 128], sizes = [1, 64], strides = [1, 1]} : vector<1x192xf32> to vector<1x64xf32>
    %slice3A_105 = vector.extract_strided_slice %add3A_101 {offsets = [0, 0], sizes = [1, 64], strides = [1, 1]} : vector<1x192xf32> to vector<1x64xf32>
    %slice3A_106 = vector.extract_strided_slice %add3A_101 {offsets = [0, 64], sizes = [1, 64], strides = [1, 1]} : vector<1x192xf32> to vector<1x64xf32>
    %slice3A_107 = vector.extract_strided_slice %add3A_101 {offsets = [0, 128], sizes = [1, 64], strides = [1, 1]} : vector<1x192xf32> to vector<1x64xf32>
    %add3A_108 = arith.addf %slice3A_102, %slice3A_105 : vector<1x64xf32>
    %logistic3A_109 = arith.negf %add3A_108 : vector<1x64xf32>
    %logistic3A_110 = math.exp %logistic3A_109 : vector<1x64xf32>
    %logistic3A_111 = arith.constant 1.000000e+00 : f32
    %logistic3A_112 = vector.broadcast %logistic3A_111 : f32 to vector<1x64xf32>
    %logistic3A_113 = arith.addf %logistic3A_112, %logistic3A_110 : vector<1x64xf32>
    %logistic3A_114 = arith.divf %logistic3A_112, %logistic3A_113 : vector<1x64xf32>
    %add3A_115 = arith.addf %slice3A_103, %slice3A_106 : vector<1x64xf32>
    %logistic3A_116 = arith.negf %add3A_115 : vector<1x64xf32>
    %logistic3A_117 = math.exp %logistic3A_116 : vector<1x64xf32>
    %logistic3A_118 = arith.constant 1.000000e+00 : f32
    %logistic3A_119 = vector.broadcast %logistic3A_118 : f32 to vector<1x64xf32>
    %logistic3A_120 = arith.addf %logistic3A_119, %logistic3A_117 : vector<1x64xf32>
    %logistic3A_121 = arith.divf %logistic3A_119, %logistic3A_120 : vector<1x64xf32>
    %mul3A_122 = arith.mulf %logistic3A_114, %slice3A_107 : vector<1x64xf32>
    %add3A_123 = arith.addf %slice3A_104, %mul3A_122 : vector<1x64xf32>
    %tanh3A_124 = math.tanh %add3A_123 : vector<1x64xf32>
    %sub3A_125 = arith.constant 1.000000e+00 : f32
    %sub3A_126 = vector.broadcast %sub3A_125 : f32 to vector<1x64xf32>
    %sub3A_127 = arith.subf %sub3A_126, %logistic3A_121 : vector<1x64xf32>
    %mul3A_128 = arith.mulf %sub3A_127, %tanh3A_124 : vector<1x64xf32>
    %mul3A_129 = arith.mulf %logistic3A_121, %add3A_88 : vector<1x64xf32>
    %add3A_130 = arith.addf %mul3A_128, %mul3A_129 : vector<1x64xf32>
    %slice3A_131 = vector.extract_strided_slice %reduce_max3A_4 {offsets = [3, 0], sizes = [1, 64], strides = [1, 1]} : vector<10x64xf32> to vector<1x64xf32>
    %get3A_132 = arith.constant 0 : index
    %get3A_133 = arith.constant 0 : index
    %get3A_134 = vector.load %arg1[%get3A_132, %get3A_133] : memref<64x192xf32, #tpu.memory_space<vmem>>, vector<64x192xf32>
    %dot_general3A_135 = arith.constant dense<0.000000e+00> : vector<1x192xf32>
    %dot_general3A_136 = tpu.matmul %slice3A_131, %get3A_134, %dot_general3A_135 {dimension_numbers = #tpu.dot_dimension_numbers<[1], [0], [0], [1], [0, 0, 1, 1], [], []>, transpose_lhs_hint = false} : vector<1x64xf32>, vector<64x192xf32>, vector<1x192xf32> -> vector<1x192xf32>
    %add3A_137 = arith.addf %dot_general3A_136, %get3A_7 : vector<1x192xf32>
    %get3A_138 = arith.constant 0 : index
    %get3A_139 = arith.constant 0 : index
    %get3A_140 = vector.load %arg2[%get3A_138, %get3A_139] : memref<64x192xf32, #tpu.memory_space<vmem>>, vector<64x192xf32>
    %dot_general3A_141 = arith.constant dense<0.000000e+00> : vector<1x192xf32>
    %dot_general3A_142 = tpu.matmul %add3A_130, %get3A_140, %dot_general3A_141 {dimension_numbers = #tpu.dot_dimension_numbers<[1], [0], [0], [1], [0, 0, 1, 1], [], []>, transpose_lhs_hint = false} : vector<1x64xf32>, vector<64x192xf32>, vector<1x192xf32> -> vector<1x192xf32>
    %add3A_143 = arith.addf %dot_general3A_142, %get3A_10 : vector<1x192xf32>
    %slice3A_144 = vector.extract_strided_slice %add3A_137 {offsets = [0, 0], sizes = [1, 64], strides = [1, 1]} : vector<1x192xf32> to vector<1x64xf32>
    %slice3A_145 = vector.extract_strided_slice %add3A_137 {offsets = [0, 64], sizes = [1, 64], strides = [1, 1]} : vector<1x192xf32> to vector<1x64xf32>
    %slice3A_146 = vector.extract_strided_slice %add3A_137 {offsets = [0, 128], sizes = [1, 64], strides = [1, 1]} : vector<1x192xf32> to vector<1x64xf32>
    %slice3A_147 = vector.extract_strided_slice %add3A_143 {offsets = [0, 0], sizes = [1, 64], strides = [1, 1]} : vector<1x192xf32> to vector<1x64xf32>
    %slice3A_148 = vector.extract_strided_slice %add3A_143 {offsets = [0, 64], sizes = [1, 64], strides = [1, 1]} : vector<1x192xf32> to vector<1x64xf32>
    %slice3A_149 = vector.extract_strided_slice %add3A_143 {offsets = [0, 128], sizes = [1, 64], strides = [1, 1]} : vector<1x192xf32> to vector<1x64xf32>
    %add3A_150 = arith.addf %slice3A_144, %slice3A_147 : vector<1x64xf32>
    %logistic3A_151 = arith.negf %add3A_150 : vector<1x64xf32>
    %logistic3A_152 = math.exp %logistic3A_151 : vector<1x64xf32>
    %logistic3A_153 = arith.constant 1.000000e+00 : f32
    %logistic3A_154 = vector.broadcast %logistic3A_153 : f32 to vector<1x64xf32>
    %logistic3A_155 = arith.addf %logistic3A_154, %logistic3A_152 : vector<1x64xf32>
    %logistic3A_156 = arith.divf %logistic3A_154, %logistic3A_155 : vector<1x64xf32>
    %add3A_157 = arith.addf %slice3A_145, %slice3A_148 : vector<1x64xf32>
    %logistic3A_158 = arith.negf %add3A_157 : vector<1x64xf32>
    %logistic3A_159 = math.exp %logistic3A_158 : vector<1x64xf32>
    %logistic3A_160 = arith.constant 1.000000e+00 : f32
    %logistic3A_161 = vector.broadcast %logistic3A_160 : f32 to vector<1x64xf32>
    %logistic3A_162 = arith.addf %logistic3A_161, %logistic3A_159 : vector<1x64xf32>
    %logistic3A_163 = arith.divf %logistic3A_161, %logistic3A_162 : vector<1x64xf32>
    %mul3A_164 = arith.mulf %logistic3A_156, %slice3A_149 : vector<1x64xf32>
    %add3A_165 = arith.addf %slice3A_146, %mul3A_164 : vector<1x64xf32>
    %tanh3A_166 = math.tanh %add3A_165 : vector<1x64xf32>
    %sub3A_167 = arith.constant 1.000000e+00 : f32
    %sub3A_168 = vector.broadcast %sub3A_167 : f32 to vector<1x64xf32>
    %sub3A_169 = arith.subf %sub3A_168, %logistic3A_163 : vector<1x64xf32>
    %mul3A_170 = arith.mulf %sub3A_169, %tanh3A_166 : vector<1x64xf32>
    %mul3A_171 = arith.mulf %logistic3A_163, %add3A_130 : vector<1x64xf32>
    %add3A_172 = arith.addf %mul3A_170, %mul3A_171 : vector<1x64xf32>
    %slice3A_173 = vector.extract_strided_slice %reduce_max3A_4 {offsets = [4, 0], sizes = [1, 64], strides = [1, 1]} : vector<10x64xf32> to vector<1x64xf32>
    %get3A_174 = arith.constant 0 : index
    %get3A_175 = arith.constant 0 : index
    %get3A_176 = vector.load %arg1[%get3A_174, %get3A_175] : memref<64x192xf32, #tpu.memory_space<vmem>>, vector<64x192xf32>
    %dot_general3A_177 = arith.constant dense<0.000000e+00> : vector<1x192xf32>
    %dot_general3A_178 = tpu.matmul %slice3A_173, %get3A_176, %dot_general3A_177 {dimension_numbers = #tpu.dot_dimension_numbers<[1], [0], [0], [1], [0, 0, 1, 1], [], []>, transpose_lhs_hint = false} : vector<1x64xf32>, vector<64x192xf32>, vector<1x192xf32> -> vector<1x192xf32>
    %add3A_179 = arith.addf %dot_general3A_178, %get3A_7 : vector<1x192xf32>
    %get3A_180 = arith.constant 0 : index
    %get3A_181 = arith.constant 0 : index
    %get3A_182 = vector.load %arg2[%get3A_180, %get3A_181] : memref<64x192xf32, #tpu.memory_space<vmem>>, vector<64x192xf32>
    %dot_general3A_183 = arith.constant dense<0.000000e+00> : vector<1x192xf32>
    %dot_general3A_184 = tpu.matmul %add3A_172, %get3A_182, %dot_general3A_183 {dimension_numbers = #tpu.dot_dimension_numbers<[1], [0], [0], [1], [0, 0, 1, 1], [], []>, transpose_lhs_hint = false} : vector<1x64xf32>, vector<64x192xf32>, vector<1x192xf32> -> vector<1x192xf32>
    %add3A_185 = arith.addf %dot_general3A_184, %get3A_10 : vector<1x192xf32>
    %slice3A_186 = vector.extract_strided_slice %add3A_179 {offsets = [0, 0], sizes = [1, 64], strides = [1, 1]} : vector<1x192xf32> to vector<1x64xf32>
    %slice3A_187 = vector.extract_strided_slice %add3A_179 {offsets = [0, 64], sizes = [1, 64], strides = [1, 1]} : vector<1x192xf32> to vector<1x64xf32>
    %slice3A_188 = vector.extract_strided_slice %add3A_179 {offsets = [0, 128], sizes = [1, 64], strides = [1, 1]} : vector<1x192xf32> to vector<1x64xf32>
    %slice3A_189 = vector.extract_strided_slice %add3A_185 {offsets = [0, 0], sizes = [1, 64], strides = [1, 1]} : vector<1x192xf32> to vector<1x64xf32>
    %slice3A_190 = vector.extract_strided_slice %add3A_185 {offsets = [0, 64], sizes = [1, 64], strides = [1, 1]} : vector<1x192xf32> to vector<1x64xf32>
    %slice3A_191 = vector.extract_strided_slice %add3A_185 {offsets = [0, 128], sizes = [1, 64], strides = [1, 1]} : vector<1x192xf32> to vector<1x64xf32>
    %add3A_192 = arith.addf %slice3A_186, %slice3A_189 : vector<1x64xf32>
    %logistic3A_193 = arith.negf %add3A_192 : vector<1x64xf32>
    %logistic3A_194 = math.exp %logistic3A_193 : vector<1x64xf32>
    %logistic3A_195 = arith.constant 1.000000e+00 : f32
    %logistic3A_196 = vector.broadcast %logistic3A_195 : f32 to vector<1x64xf32>
    %logistic3A_197 = arith.addf %logistic3A_196, %logistic3A_194 : vector<1x64xf32>
    %logistic3A_198 = arith.divf %logistic3A_196, %logistic3A_197 : vector<1x64xf32>
    %add3A_199 = arith.addf %slice3A_187, %slice3A_190 : vector<1x64xf32>
    %logistic3A_200 = arith.negf %add3A_199 : vector<1x64xf32>
    %logistic3A_201 = math.exp %logistic3A_200 : vector<1x64xf32>
    %logistic3A_202 = arith.constant 1.000000e+00 : f32
    %logistic3A_203 = vector.broadcast %logistic3A_202 : f32 to vector<1x64xf32>
    %logistic3A_204 = arith.addf %logistic3A_203, %logistic3A_201 : vector<1x64xf32>
    %logistic3A_205 = arith.divf %logistic3A_203, %logistic3A_204 : vector<1x64xf32>
    %mul3A_206 = arith.mulf %logistic3A_198, %slice3A_191 : vector<1x64xf32>
    %add3A_207 = arith.addf %slice3A_188, %mul3A_206 : vector<1x64xf32>
    %tanh3A_208 = math.tanh %add3A_207 : vector<1x64xf32>
    %sub3A_209 = arith.constant 1.000000e+00 : f32
    %sub3A_210 = vector.broadcast %sub3A_209 : f32 to vector<1x64xf32>
    %sub3A_211 = arith.subf %sub3A_210, %logistic3A_205 : vector<1x64xf32>
    %mul3A_212 = arith.mulf %sub3A_211, %tanh3A_208 : vector<1x64xf32>
    %mul3A_213 = arith.mulf %logistic3A_205, %add3A_172 : vector<1x64xf32>
    %add3A_214 = arith.addf %mul3A_212, %mul3A_213 : vector<1x64xf32>
    %slice3A_215 = vector.extract_strided_slice %reduce_max3A_4 {offsets = [5, 0], sizes = [1, 64], strides = [1, 1]} : vector<10x64xf32> to vector<1x64xf32>
    %get3A_216 = arith.constant 0 : index
    %get3A_217 = arith.constant 0 : index
    %get3A_218 = vector.load %arg1[%get3A_216, %get3A_217] : memref<64x192xf32, #tpu.memory_space<vmem>>, vector<64x192xf32>
    %dot_general3A_219 = arith.constant dense<0.000000e+00> : vector<1x192xf32>
    %dot_general3A_220 = tpu.matmul %slice3A_215, %get3A_218, %dot_general3A_219 {dimension_numbers = #tpu.dot_dimension_numbers<[1], [0], [0], [1], [0, 0, 1, 1], [], []>, transpose_lhs_hint = false} : vector<1x64xf32>, vector<64x192xf32>, vector<1x192xf32> -> vector<1x192xf32>
    %add3A_221 = arith.addf %dot_general3A_220, %get3A_7 : vector<1x192xf32>
    %get3A_222 = arith.constant 0 : index
    %get3A_223 = arith.constant 0 : index
    %get3A_224 = vector.load %arg2[%get3A_222, %get3A_223] : memref<64x192xf32, #tpu.memory_space<vmem>>, vector<64x192xf32>
    %dot_general3A_225 = arith.constant dense<0.000000e+00> : vector<1x192xf32>
    %dot_general3A_226 = tpu.matmul %add3A_214, %get3A_224, %dot_general3A_225 {dimension_numbers = #tpu.dot_dimension_numbers<[1], [0], [0], [1], [0, 0, 1, 1], [], []>, transpose_lhs_hint = false} : vector<1x64xf32>, vector<64x192xf32>, vector<1x192xf32> -> vector<1x192xf32>
    %add3A_227 = arith.addf %dot_general3A_226, %get3A_10 : vector<1x192xf32>
    %slice3A_228 = vector.extract_strided_slice %add3A_221 {offsets = [0, 0], sizes = [1, 64], strides = [1, 1]} : vector<1x192xf32> to vector<1x64xf32>
    %slice3A_229 = vector.extract_strided_slice %add3A_221 {offsets = [0, 64], sizes = [1, 64], strides = [1, 1]} : vector<1x192xf32> to vector<1x64xf32>
    %slice3A_230 = vector.extract_strided_slice %add3A_221 {offsets = [0, 128], sizes = [1, 64], strides = [1, 1]} : vector<1x192xf32> to vector<1x64xf32>
    %slice3A_231 = vector.extract_strided_slice %add3A_227 {offsets = [0, 0], sizes = [1, 64], strides = [1, 1]} : vector<1x192xf32> to vector<1x64xf32>
    %slice3A_232 = vector.extract_strided_slice %add3A_227 {offsets = [0, 64], sizes = [1, 64], strides = [1, 1]} : vector<1x192xf32> to vector<1x64xf32>
    %slice3A_233 = vector.extract_strided_slice %add3A_227 {offsets = [0, 128], sizes = [1, 64], strides = [1, 1]} : vector<1x192xf32> to vector<1x64xf32>
    %add3A_234 = arith.addf %slice3A_228, %slice3A_231 : vector<1x64xf32>
    %logistic3A_235 = arith.negf %add3A_234 : vector<1x64xf32>
    %logistic3A_236 = math.exp %logistic3A_235 : vector<1x64xf32>
    %logistic3A_237 = arith.constant 1.000000e+00 : f32
    %logistic3A_238 = vector.broadcast %logistic3A_237 : f32 to vector<1x64xf32>
    %logistic3A_239 = arith.addf %logistic3A_238, %logistic3A_236 : vector<1x64xf32>
    %logistic3A_240 = arith.divf %logistic3A_238, %logistic3A_239 : vector<1x64xf32>
    %add3A_241 = arith.addf %slice3A_229, %slice3A_232 : vector<1x64xf32>
    %logistic3A_242 = arith.negf %add3A_241 : vector<1x64xf32>
    %logistic3A_243 = math.exp %logistic3A_242 : vector<1x64xf32>
    %logistic3A_244 = arith.constant 1.000000e+00 : f32
    %logistic3A_245 = vector.broadcast %logistic3A_244 : f32 to vector<1x64xf32>
    %logistic3A_246 = arith.addf %logistic3A_245, %logistic3A_243 : vector<1x64xf32>
    %logistic3A_247 = arith.divf %logistic3A_245, %logistic3A_246 : vector<1x64xf32>
    %mul3A_248 = arith.mulf %logistic3A_240, %slice3A_233 : vector<1x64xf32>
    %add3A_249 = arith.addf %slice3A_230, %mul3A_248 : vector<1x64xf32>
    %tanh3A_250 = math.tanh %add3A_249 : vector<1x64xf32>
    %sub3A_251 = arith.constant 1.000000e+00 : f32
    %sub3A_252 = vector.broadcast %sub3A_251 : f32 to vector<1x64xf32>
    %sub3A_253 = arith.subf %sub3A_252, %logistic3A_247 : vector<1x64xf32>
    %mul3A_254 = arith.mulf %sub3A_253, %tanh3A_250 : vector<1x64xf32>
    %mul3A_255 = arith.mulf %logistic3A_247, %add3A_214 : vector<1x64xf32>
    %add3A_256 = arith.addf %mul3A_254, %mul3A_255 : vector<1x64xf32>
    %slice3A_257 = vector.extract_strided_slice %reduce_max3A_4 {offsets = [6, 0], sizes = [1, 64], strides = [1, 1]} : vector<10x64xf32> to vector<1x64xf32>
    %get3A_258 = arith.constant 0 : index
    %get3A_259 = arith.constant 0 : index
    %get3A_260 = vector.load %arg1[%get3A_258, %get3A_259] : memref<64x192xf32, #tpu.memory_space<vmem>>, vector<64x192xf32>
    %dot_general3A_261 = arith.constant dense<0.000000e+00> : vector<1x192xf32>
    %dot_general3A_262 = tpu.matmul %slice3A_257, %get3A_260, %dot_general3A_261 {dimension_numbers = #tpu.dot_dimension_numbers<[1], [0], [0], [1], [0, 0, 1, 1], [], []>, transpose_lhs_hint = false} : vector<1x64xf32>, vector<64x192xf32>, vector<1x192xf32> -> vector<1x192xf32>
    %add3A_263 = arith.addf %dot_general3A_262, %get3A_7 : vector<1x192xf32>
    %get3A_264 = arith.constant 0 : index
    %get3A_265 = arith.constant 0 : index
    %get3A_266 = vector.load %arg2[%get3A_264, %get3A_265] : memref<64x192xf32, #tpu.memory_space<vmem>>, vector<64x192xf32>
    %dot_general3A_267 = arith.constant dense<0.000000e+00> : vector<1x192xf32>
    %dot_general3A_268 = tpu.matmul %add3A_256, %get3A_266, %dot_general3A_267 {dimension_numbers = #tpu.dot_dimension_numbers<[1], [0], [0], [1], [0, 0, 1, 1], [], []>, transpose_lhs_hint = false} : vector<1x64xf32>, vector<64x192xf32>, vector<1x192xf32> -> vector<1x192xf32>
    %add3A_269 = arith.addf %dot_general3A_268, %get3A_10 : vector<1x192xf32>
    %slice3A_270 = vector.extract_strided_slice %add3A_263 {offsets = [0, 0], sizes = [1, 64], strides = [1, 1]} : vector<1x192xf32> to vector<1x64xf32>
    %slice3A_271 = vector.extract_strided_slice %add3A_263 {offsets = [0, 64], sizes = [1, 64], strides = [1, 1]} : vector<1x192xf32> to vector<1x64xf32>
    %slice3A_272 = vector.extract_strided_slice %add3A_263 {offsets = [0, 128], sizes = [1, 64], strides = [1, 1]} : vector<1x192xf32> to vector<1x64xf32>
    %slice3A_273 = vector.extract_strided_slice %add3A_269 {offsets = [0, 0], sizes = [1, 64], strides = [1, 1]} : vector<1x192xf32> to vector<1x64xf32>
    %slice3A_274 = vector.extract_strided_slice %add3A_269 {offsets = [0, 64], sizes = [1, 64], strides = [1, 1]} : vector<1x192xf32> to vector<1x64xf32>
    %slice3A_275 = vector.extract_strided_slice %add3A_269 {offsets = [0, 128], sizes = [1, 64], strides = [1, 1]} : vector<1x192xf32> to vector<1x64xf32>
    %add3A_276 = arith.addf %slice3A_270, %slice3A_273 : vector<1x64xf32>
    %logistic3A_277 = arith.negf %add3A_276 : vector<1x64xf32>
    %logistic3A_278 = math.exp %logistic3A_277 : vector<1x64xf32>
    %logistic3A_279 = arith.constant 1.000000e+00 : f32
    %logistic3A_280 = vector.broadcast %logistic3A_279 : f32 to vector<1x64xf32>
    %logistic3A_281 = arith.addf %logistic3A_280, %logistic3A_278 : vector<1x64xf32>
    %logistic3A_282 = arith.divf %logistic3A_280, %logistic3A_281 : vector<1x64xf32>
    %add3A_283 = arith.addf %slice3A_271, %slice3A_274 : vector<1x64xf32>
    %logistic3A_284 = arith.negf %add3A_283 : vector<1x64xf32>
    %logistic3A_285 = math.exp %logistic3A_284 : vector<1x64xf32>
    %logistic3A_286 = arith.constant 1.000000e+00 : f32
    %logistic3A_287 = vector.broadcast %logistic3A_286 : f32 to vector<1x64xf32>
    %logistic3A_288 = arith.addf %logistic3A_287, %logistic3A_285 : vector<1x64xf32>
    %logistic3A_289 = arith.divf %logistic3A_287, %logistic3A_288 : vector<1x64xf32>
    %mul3A_290 = arith.mulf %logistic3A_282, %slice3A_275 : vector<1x64xf32>
    %add3A_291 = arith.addf %slice3A_272, %mul3A_290 : vector<1x64xf32>
    %tanh3A_292 = math.tanh %add3A_291 : vector<1x64xf32>
    %sub3A_293 = arith.constant 1.000000e+00 : f32
    %sub3A_294 = vector.broadcast %sub3A_293 : f32 to vector<1x64xf32>
    %sub3A_295 = arith.subf %sub3A_294, %logistic3A_289 : vector<1x64xf32>
    %mul3A_296 = arith.mulf %sub3A_295, %tanh3A_292 : vector<1x64xf32>
    %mul3A_297 = arith.mulf %logistic3A_289, %add3A_256 : vector<1x64xf32>
    %add3A_298 = arith.addf %mul3A_296, %mul3A_297 : vector<1x64xf32>
    %slice3A_299 = vector.extract_strided_slice %reduce_max3A_4 {offsets = [7, 0], sizes = [1, 64], strides = [1, 1]} : vector<10x64xf32> to vector<1x64xf32>
    %get3A_300 = arith.constant 0 : index
    %get3A_301 = arith.constant 0 : index
    %get3A_302 = vector.load %arg1[%get3A_300, %get3A_301] : memref<64x192xf32, #tpu.memory_space<vmem>>, vector<64x192xf32>
    %dot_general3A_303 = arith.constant dense<0.000000e+00> : vector<1x192xf32>
    %dot_general3A_304 = tpu.matmul %slice3A_299, %get3A_302, %dot_general3A_303 {dimension_numbers = #tpu.dot_dimension_numbers<[1], [0], [0], [1], [0, 0, 1, 1], [], []>, transpose_lhs_hint = false} : vector<1x64xf32>, vector<64x192xf32>, vector<1x192xf32> -> vector<1x192xf32>
    %add3A_305 = arith.addf %dot_general3A_304, %get3A_7 : vector<1x192xf32>
    %get3A_306 = arith.constant 0 : index
    %get3A_307 = arith.constant 0 : index
    %get3A_308 = vector.load %arg2[%get3A_306, %get3A_307] : memref<64x192xf32, #tpu.memory_space<vmem>>, vector<64x192xf32>
    %dot_general3A_309 = arith.constant dense<0.000000e+00> : vector<1x192xf32>
    %dot_general3A_310 = tpu.matmul %add3A_298, %get3A_308, %dot_general3A_309 {dimension_numbers = #tpu.dot_dimension_numbers<[1], [0], [0], [1], [0, 0, 1, 1], [], []>, transpose_lhs_hint = false} : vector<1x64xf32>, vector<64x192xf32>, vector<1x192xf32> -> vector<1x192xf32>
    %add3A_311 = arith.addf %dot_general3A_310, %get3A_10 : vector<1x192xf32>
    %slice3A_312 = vector.extract_strided_slice %add3A_305 {offsets = [0, 0], sizes = [1, 64], strides = [1, 1]} : vector<1x192xf32> to vector<1x64xf32>
    %slice3A_313 = vector.extract_strided_slice %add3A_305 {offsets = [0, 64], sizes = [1, 64], strides = [1, 1]} : vector<1x192xf32> to vector<1x64xf32>
    %slice3A_314 = vector.extract_strided_slice %add3A_305 {offsets = [0, 128], sizes = [1, 64], strides = [1, 1]} : vector<1x192xf32> to vector<1x64xf32>
    %slice3A_315 = vector.extract_strided_slice %add3A_311 {offsets = [0, 0], sizes = [1, 64], strides = [1, 1]} : vector<1x192xf32> to vector<1x64xf32>
    %slice3A_316 = vector.extract_strided_slice %add3A_311 {offsets = [0, 64], sizes = [1, 64], strides = [1, 1]} : vector<1x192xf32> to vector<1x64xf32>
    %slice3A_317 = vector.extract_strided_slice %add3A_311 {offsets = [0, 128], sizes = [1, 64], strides = [1, 1]} : vector<1x192xf32> to vector<1x64xf32>
    %add3A_318 = arith.addf %slice3A_312, %slice3A_315 : vector<1x64xf32>
    %logistic3A_319 = arith.negf %add3A_318 : vector<1x64xf32>
    %logistic3A_320 = math.exp %logistic3A_319 : vector<1x64xf32>
    %logistic3A_321 = arith.constant 1.000000e+00 : f32
    %logistic3A_322 = vector.broadcast %logistic3A_321 : f32 to vector<1x64xf32>
    %logistic3A_323 = arith.addf %logistic3A_322, %logistic3A_320 : vector<1x64xf32>
    %logistic3A_324 = arith.divf %logistic3A_322, %logistic3A_323 : vector<1x64xf32>
    %add3A_325 = arith.addf %slice3A_313, %slice3A_316 : vector<1x64xf32>
    %logistic3A_326 = arith.negf %add3A_325 : vector<1x64xf32>
    %logistic3A_327 = math.exp %logistic3A_326 : vector<1x64xf32>
    %logistic3A_328 = arith.constant 1.000000e+00 : f32
    %logistic3A_329 = vector.broadcast %logistic3A_328 : f32 to vector<1x64xf32>
    %logistic3A_330 = arith.addf %logistic3A_329, %logistic3A_327 : vector<1x64xf32>
    %logistic3A_331 = arith.divf %logistic3A_329, %logistic3A_330 : vector<1x64xf32>
    %mul3A_332 = arith.mulf %logistic3A_324, %slice3A_317 : vector<1x64xf32>
    %add3A_333 = arith.addf %slice3A_314, %mul3A_332 : vector<1x64xf32>
    %tanh3A_334 = math.tanh %add3A_333 : vector<1x64xf32>
    %sub3A_335 = arith.constant 1.000000e+00 : f32
    %sub3A_336 = vector.broadcast %sub3A_335 : f32 to vector<1x64xf32>
    %sub3A_337 = arith.subf %sub3A_336, %logistic3A_331 : vector<1x64xf32>
    %mul3A_338 = arith.mulf %sub3A_337, %tanh3A_334 : vector<1x64xf32>
    %mul3A_339 = arith.mulf %logistic3A_331, %add3A_298 : vector<1x64xf32>
    %add3A_340 = arith.addf %mul3A_338, %mul3A_339 : vector<1x64xf32>
    %slice3A_341 = vector.extract_strided_slice %reduce_max3A_4 {offsets = [8, 0], sizes = [1, 64], strides = [1, 1]} : vector<10x64xf32> to vector<1x64xf32>
    %get3A_342 = arith.constant 0 : index
    %get3A_343 = arith.constant 0 : index
    %get3A_344 = vector.load %arg1[%get3A_342, %get3A_343] : memref<64x192xf32, #tpu.memory_space<vmem>>, vector<64x192xf32>
    %dot_general3A_345 = arith.constant dense<0.000000e+00> : vector<1x192xf32>
    %dot_general3A_346 = tpu.matmul %slice3A_341, %get3A_344, %dot_general3A_345 {dimension_numbers = #tpu.dot_dimension_numbers<[1], [0], [0], [1], [0, 0, 1, 1], [], []>, transpose_lhs_hint = false} : vector<1x64xf32>, vector<64x192xf32>, vector<1x192xf32> -> vector<1x192xf32>
    %add3A_347 = arith.addf %dot_general3A_346, %get3A_7 : vector<1x192xf32>
    %get3A_348 = arith.constant 0 : index
    %get3A_349 = arith.constant 0 : index
    %get3A_350 = vector.load %arg2[%get3A_348, %get3A_349] : memref<64x192xf32, #tpu.memory_space<vmem>>, vector<64x192xf32>
    %dot_general3A_351 = arith.constant dense<0.000000e+00> : vector<1x192xf32>
    %dot_general3A_352 = tpu.matmul %add3A_340, %get3A_350, %dot_general3A_351 {dimension_numbers = #tpu.dot_dimension_numbers<[1], [0], [0], [1], [0, 0, 1, 1], [], []>, transpose_lhs_hint = false} : vector<1x64xf32>, vector<64x192xf32>, vector<1x192xf32> -> vector<1x192xf32>
    %add3A_353 = arith.addf %dot_general3A_352, %get3A_10 : vector<1x192xf32>
    %slice3A_354 = vector.extract_strided_slice %add3A_347 {offsets = [0, 0], sizes = [1, 64], strides = [1, 1]} : vector<1x192xf32> to vector<1x64xf32>
    %slice3A_355 = vector.extract_strided_slice %add3A_347 {offsets = [0, 64], sizes = [1, 64], strides = [1, 1]} : vector<1x192xf32> to vector<1x64xf32>
    %slice3A_356 = vector.extract_strided_slice %add3A_347 {offsets = [0, 128], sizes = [1, 64], strides = [1, 1]} : vector<1x192xf32> to vector<1x64xf32>
    %slice3A_357 = vector.extract_strided_slice %add3A_353 {offsets = [0, 0], sizes = [1, 64], strides = [1, 1]} : vector<1x192xf32> to vector<1x64xf32>
    %slice3A_358 = vector.extract_strided_slice %add3A_353 {offsets = [0, 64], sizes = [1, 64], strides = [1, 1]} : vector<1x192xf32> to vector<1x64xf32>
    %slice3A_359 = vector.extract_strided_slice %add3A_353 {offsets = [0, 128], sizes = [1, 64], strides = [1, 1]} : vector<1x192xf32> to vector<1x64xf32>
    %add3A_360 = arith.addf %slice3A_354, %slice3A_357 : vector<1x64xf32>
    %logistic3A_361 = arith.negf %add3A_360 : vector<1x64xf32>
    %logistic3A_362 = math.exp %logistic3A_361 : vector<1x64xf32>
    %logistic3A_363 = arith.constant 1.000000e+00 : f32
    %logistic3A_364 = vector.broadcast %logistic3A_363 : f32 to vector<1x64xf32>
    %logistic3A_365 = arith.addf %logistic3A_364, %logistic3A_362 : vector<1x64xf32>
    %logistic3A_366 = arith.divf %logistic3A_364, %logistic3A_365 : vector<1x64xf32>
    %add3A_367 = arith.addf %slice3A_355, %slice3A_358 : vector<1x64xf32>
    %logistic3A_368 = arith.negf %add3A_367 : vector<1x64xf32>
    %logistic3A_369 = math.exp %logistic3A_368 : vector<1x64xf32>
    %logistic3A_370 = arith.constant 1.000000e+00 : f32
    %logistic3A_371 = vector.broadcast %logistic3A_370 : f32 to vector<1x64xf32>
    %logistic3A_372 = arith.addf %logistic3A_371, %logistic3A_369 : vector<1x64xf32>
    %logistic3A_373 = arith.divf %logistic3A_371, %logistic3A_372 : vector<1x64xf32>
    %mul3A_374 = arith.mulf %logistic3A_366, %slice3A_359 : vector<1x64xf32>
    %add3A_375 = arith.addf %slice3A_356, %mul3A_374 : vector<1x64xf32>
    %tanh3A_376 = math.tanh %add3A_375 : vector<1x64xf32>
    %sub3A_377 = arith.constant 1.000000e+00 : f32
    %sub3A_378 = vector.broadcast %sub3A_377 : f32 to vector<1x64xf32>
    %sub3A_379 = arith.subf %sub3A_378, %logistic3A_373 : vector<1x64xf32>
    %mul3A_380 = arith.mulf %sub3A_379, %tanh3A_376 : vector<1x64xf32>
    %mul3A_381 = arith.mulf %logistic3A_373, %add3A_340 : vector<1x64xf32>
    %add3A_382 = arith.addf %mul3A_380, %mul3A_381 : vector<1x64xf32>
    %slice3A_383 = vector.extract_strided_slice %reduce_max3A_4 {offsets = [9, 0], sizes = [1, 64], strides = [1, 1]} : vector<10x64xf32> to vector<1x64xf32>
    %get3A_384 = arith.constant 0 : index
    %get3A_385 = arith.constant 0 : index
    %get3A_386 = vector.load %arg1[%get3A_384, %get3A_385] : memref<64x192xf32, #tpu.memory_space<vmem>>, vector<64x192xf32>
    %dot_general3A_387 = arith.constant dense<0.000000e+00> : vector<1x192xf32>
    %dot_general3A_388 = tpu.matmul %slice3A_383, %get3A_386, %dot_general3A_387 {dimension_numbers = #tpu.dot_dimension_numbers<[1], [0], [0], [1], [0, 0, 1, 1], [], []>, transpose_lhs_hint = false} : vector<1x64xf32>, vector<64x192xf32>, vector<1x192xf32> -> vector<1x192xf32>
    %add3A_389 = arith.addf %dot_general3A_388, %get3A_7 : vector<1x192xf32>
    %get3A_390 = arith.constant 0 : index
    %get3A_391 = arith.constant 0 : index
    %get3A_392 = vector.load %arg2[%get3A_390, %get3A_391] : memref<64x192xf32, #tpu.memory_space<vmem>>, vector<64x192xf32>
    %dot_general3A_393 = arith.constant dense<0.000000e+00> : vector<1x192xf32>
    %dot_general3A_394 = tpu.matmul %add3A_382, %get3A_392, %dot_general3A_393 {dimension_numbers = #tpu.dot_dimension_numbers<[1], [0], [0], [1], [0, 0, 1, 1], [], []>, transpose_lhs_hint = false} : vector<1x64xf32>, vector<64x192xf32>, vector<1x192xf32> -> vector<1x192xf32>
    %add3A_395 = arith.addf %dot_general3A_394, %get3A_10 : vector<1x192xf32>
    %slice3A_396 = vector.extract_strided_slice %add3A_389 {offsets = [0, 0], sizes = [1, 64], strides = [1, 1]} : vector<1x192xf32> to vector<1x64xf32>
    %slice3A_397 = vector.extract_strided_slice %add3A_389 {offsets = [0, 64], sizes = [1, 64], strides = [1, 1]} : vector<1x192xf32> to vector<1x64xf32>
    %slice3A_398 = vector.extract_strided_slice %add3A_389 {offsets = [0, 128], sizes = [1, 64], strides = [1, 1]} : vector<1x192xf32> to vector<1x64xf32>
    %slice3A_399 = vector.extract_strided_slice %add3A_395 {offsets = [0, 0], sizes = [1, 64], strides = [1, 1]} : vector<1x192xf32> to vector<1x64xf32>
    %slice3A_400 = vector.extract_strided_slice %add3A_395 {offsets = [0, 64], sizes = [1, 64], strides = [1, 1]} : vector<1x192xf32> to vector<1x64xf32>
    %slice3A_401 = vector.extract_strided_slice %add3A_395 {offsets = [0, 128], sizes = [1, 64], strides = [1, 1]} : vector<1x192xf32> to vector<1x64xf32>
    %add3A_402 = arith.addf %slice3A_396, %slice3A_399 : vector<1x64xf32>
    %logistic3A_403 = arith.negf %add3A_402 : vector<1x64xf32>
    %logistic3A_404 = math.exp %logistic3A_403 : vector<1x64xf32>
    %logistic3A_405 = arith.constant 1.000000e+00 : f32
    %logistic3A_406 = vector.broadcast %logistic3A_405 : f32 to vector<1x64xf32>
    %logistic3A_407 = arith.addf %logistic3A_406, %logistic3A_404 : vector<1x64xf32>
    %logistic3A_408 = arith.divf %logistic3A_406, %logistic3A_407 : vector<1x64xf32>
    %add3A_409 = arith.addf %slice3A_397, %slice3A_400 : vector<1x64xf32>
    %logistic3A_410 = arith.negf %add3A_409 : vector<1x64xf32>
    %logistic3A_411 = math.exp %logistic3A_410 : vector<1x64xf32>
    %logistic3A_412 = arith.constant 1.000000e+00 : f32
    %logistic3A_413 = vector.broadcast %logistic3A_412 : f32 to vector<1x64xf32>
    %logistic3A_414 = arith.addf %logistic3A_413, %logistic3A_411 : vector<1x64xf32>
    %logistic3A_415 = arith.divf %logistic3A_413, %logistic3A_414 : vector<1x64xf32>
    %mul3A_416 = arith.mulf %logistic3A_408, %slice3A_401 : vector<1x64xf32>
    %add3A_417 = arith.addf %slice3A_398, %mul3A_416 : vector<1x64xf32>
    %tanh3A_418 = math.tanh %add3A_417 : vector<1x64xf32>
    %sub3A_419 = arith.constant 1.000000e+00 : f32
    %sub3A_420 = vector.broadcast %sub3A_419 : f32 to vector<1x64xf32>
    %sub3A_421 = arith.subf %sub3A_420, %logistic3A_415 : vector<1x64xf32>
    %mul3A_422 = arith.mulf %sub3A_421, %tanh3A_418 : vector<1x64xf32>
    %mul3A_423 = arith.mulf %logistic3A_415, %add3A_382 : vector<1x64xf32>
    %add3A_424 = arith.addf %mul3A_422, %mul3A_423 : vector<1x64xf32>
    %swap3A = arith.constant 0 : index
    %swap3A_425 = arith.constant 0 : index
    %swap3A_426 = vector.load %arg5[%swap3A, %swap3A_425] : memref<1x64xf32, #tpu.memory_space<vmem>>, vector<1x64xf32>
    tpu.vector_store %arg5[%swap3A, %swap3A_425], %add3A_424 {strides = array<i32>} : memref<1x64xf32, #tpu.memory_space<vmem>>, vector<1x64xf32>,
    return
  }
}

module attributes {stable_mosaic.version = 14 : i64} {
  func.func @body(%arg0: i32, %arg1: memref<1x64xf32, #tpu.memory_space<vmem>>, %arg2: memref<64x1024xf32, #tpu.memory_space<vmem>>, %arg3: memref<1x1024xf32, #tpu.memory_space<vmem>>, %arg4: memref<64x1024xf32, #tpu.memory_space<vmem>>, %arg5: memref<1x1xf32, #tpu.memory_space<vmem>>, %arg6: memref<4xf32, #tpu.memory_space<smem>>) attributes {dimension_semantics = [#tpu.dimension_semantics<arbitrary>], iteration_bounds = array<i64: 49>, scalar_prefetch = 0 : i64, scratch_operands = 1 : i64, tpu.core_type = #tpu.core_type<tc>, window_params = [{pipeline_mode = #tpu.pipeline_mode<synchronous>, transform_indices = @transform_0, window_bounds = array<i64: 1, 64>}, {transform_indices = @transform_1, window_bounds = array<i64: 64, 1024>}, {transform_indices = @transform_2, window_bounds = array<i64: 1, 1024>}, {transform_indices = @transform_3, window_bounds = array<i64: 64, 1024>}, {pipeline_mode = #tpu.pipeline_mode<synchronous>, transform_indices = @transform_4, window_bounds = array<i64: 1, 1>}]} {
    %eq3A = arith.constant 0 : i32
    %eq3A_0 = arith.cmpi eq, %arg0, %eq3A : i32
    %convert_element_type3A = arith.extui %eq3A_0 : i1 to i32
    %cond3A = arith.constant 0 : i32
    %cond3A_1 = arith.cmpi ne, %convert_element_type3A, %cond3A : i32
    scf.if %cond3A_1 {
      %swap3A_54 = arith.constant -1.000000e+30 : f32
      %swap3A_55 = arith.constant 0 : index
      %swap3A_56 = memref.load %arg6[%swap3A_55] : memref<4xf32, #tpu.memory_space<smem>>
      memref.store %swap3A_54, %arg6[%swap3A_55] : memref<4xf32, #tpu.memory_space<smem>>
      %swap3A_57 = arith.constant 0.000000e+00 : f32
      %swap3A_58 = arith.constant 1 : index
      %swap3A_59 = memref.load %arg6[%swap3A_58] : memref<4xf32, #tpu.memory_space<smem>>
      memref.store %swap3A_57, %arg6[%swap3A_58] : memref<4xf32, #tpu.memory_space<smem>>
      %swap3A_60 = arith.constant 0.000000e+00 : f32
      %swap3A_61 = arith.constant 2 : index
      %swap3A_62 = memref.load %arg6[%swap3A_61] : memref<4xf32, #tpu.memory_space<smem>>
      memref.store %swap3A_60, %arg6[%swap3A_61] : memref<4xf32, #tpu.memory_space<smem>>
    } else {
    }
    %get3A = arith.constant 0 : index
    %get3A_2 = arith.constant 0 : index
    %get3A_3 = vector.load %arg1[%get3A, %get3A_2] : memref<1x64xf32, #tpu.memory_space<vmem>>, vector<1x64xf32>
    %get3A_4 = arith.constant 0 : index
    %get3A_5 = arith.constant 0 : index
    %get3A_6 = vector.load %arg2[%get3A_4, %get3A_5] : memref<64x1024xf32, #tpu.memory_space<vmem>>, vector<64x1024xf32>
    %dot_general3A = arith.constant dense<0.000000e+00> : vector<1x1024xf32>
    %dot_general3A_7 = tpu.matmul %get3A_3, %get3A_6, %dot_general3A {dimension_numbers = #tpu.dot_dimension_numbers<[1], [0], [0], [1], [0, 0, 1, 1], [], []>, transpose_lhs_hint = false} : vector<1x64xf32>, vector<64x1024xf32>, vector<1x1024xf32> -> vector<1x1024xf32>
    %get3A_8 = arith.constant 0 : index
    %get3A_9 = arith.constant 0 : index
    %get3A_10 = vector.load %arg3[%get3A_8, %get3A_9] : memref<1x1024xf32, #tpu.memory_space<vmem>>, vector<1x1024xf32>
    %add3A = arith.addf %dot_general3A_7, %get3A_10 : vector<1x1024xf32>
    %get3A_11 = arith.constant 0 : index
    %get3A_12 = arith.constant 0 : index
    %get3A_13 = vector.load %arg4[%get3A_11, %get3A_12] : memref<64x1024xf32, #tpu.memory_space<vmem>>, vector<64x1024xf32>
    %reduce_sum3A = arith.constant dense<0.000000e+00> : vector<1024xf32>
    %reduce_sum3A_14 = vector.multi_reduction <add>, %get3A_13, %reduce_sum3A [0] : vector<64x1024xf32> to vector<1024xf32>
    %broadcast_in_dim3A = vector.shape_cast %reduce_sum3A_14 : vector<1024xf32> to vector<1x1024xf32>
    %mul3A = arith.constant 1.562500e-02 : f32
    %mul3A_15 = vector.broadcast %mul3A : f32 to vector<1x1024xf32>
    %mul3A_16 = arith.mulf %broadcast_in_dim3A, %mul3A_15 : vector<1x1024xf32>
    %get3A_17 = arith.constant 0 : index
    %get3A_18 = memref.load %arg6[%get3A_17] : memref<4xf32, #tpu.memory_space<smem>>
    %reduce_max3A = vector.shape_cast %add3A : vector<1x1024xf32> to vector<1x1x1024xf32>
    %reduce_max3A_19 = arith.constant dense<0xFF800000> : vector<1xf32>
    %reduce_max3A_20 = vector.multi_reduction <maximumf>, %reduce_max3A, %reduce_max3A_19 [1, 2] : vector<1x1x1024xf32> to vector<1xf32>
    %reduce_max3A_21 = vector.shape_cast %reduce_max3A_20 : vector<1xf32> to vector<1x1x1xf32>
    %reduce_max3A_22 = vector.extract %reduce_max3A_21[0, 0, 0] : f32 from vector<1x1x1xf32>
    %max3A = arith.maximumf %get3A_18, %reduce_max3A_22 : f32
    %get3A_23 = arith.constant 1 : index
    %get3A_24 = memref.load %arg6[%get3A_23] : memref<4xf32, #tpu.memory_space<smem>>
    %sub3A = arith.subf %get3A_18, %max3A : f32
    %exp3A = math.exp %sub3A : f32
    %mul3A_25 = arith.mulf %get3A_24, %exp3A : f32
    %sub3A_26 = vector.broadcast %max3A : f32 to vector<1x1024xf32>
    %sub3A_27 = arith.subf %add3A, %sub3A_26 : vector<1x1024xf32>
    %exp3A_28 = math.exp %sub3A_27 : vector<1x1024xf32>
    %reduce_sum3A_29 = vector.shape_cast %exp3A_28 : vector<1x1024xf32> to vector<1x1x1024xf32>
    %reduce_sum3A_30 = arith.constant dense<0.000000e+00> : vector<1xf32>
    %reduce_sum3A_31 = vector.multi_reduction <add>, %reduce_sum3A_29, %reduce_sum3A_30 [1, 2] : vector<1x1x1024xf32> to vector<1xf32>
    %reduce_sum3A_32 = vector.shape_cast %reduce_sum3A_31 : vector<1xf32> to vector<1x1x1xf32>
    %reduce_sum3A_33 = vector.extract %reduce_sum3A_32[0, 0, 0] : f32 from vector<1x1x1xf32>
    %add3A_34 = arith.addf %mul3A_25, %reduce_sum3A_33 : f32
    %swap3A = arith.constant 0 : index
    %swap3A_35 = memref.load %arg6[%swap3A] : memref<4xf32, #tpu.memory_space<smem>>
    memref.store %max3A, %arg6[%swap3A] : memref<4xf32, #tpu.memory_space<smem>>
    %swap3A_36 = arith.constant 1 : index
    %swap3A_37 = memref.load %arg6[%swap3A_36] : memref<4xf32, #tpu.memory_space<smem>>
    memref.store %add3A_34, %arg6[%swap3A_36] : memref<4xf32, #tpu.memory_space<smem>>
    %get3A_38 = arith.constant 2 : index
    %get3A_39 = memref.load %arg6[%get3A_38] : memref<4xf32, #tpu.memory_space<smem>>
    %mul3A_40 = arith.mulf %mul3A_16, %add3A : vector<1x1024xf32>
    %reduce_sum3A_41 = vector.shape_cast %mul3A_40 : vector<1x1024xf32> to vector<1x1x1024xf32>
    %reduce_sum3A_42 = arith.constant dense<0.000000e+00> : vector<1xf32>
    %reduce_sum3A_43 = vector.multi_reduction <add>, %reduce_sum3A_41, %reduce_sum3A_42 [1, 2] : vector<1x1x1024xf32> to vector<1xf32>
    %reduce_sum3A_44 = vector.shape_cast %reduce_sum3A_43 : vector<1xf32> to vector<1x1x1xf32>
    %reduce_sum3A_45 = vector.extract %reduce_sum3A_44[0, 0, 0] : f32 from vector<1x1x1xf32>
    %add3A_46 = arith.addf %get3A_39, %reduce_sum3A_45 : f32
    %swap3A_47 = arith.constant 2 : index
    %swap3A_48 = memref.load %arg6[%swap3A_47] : memref<4xf32, #tpu.memory_space<smem>>
    memref.store %add3A_46, %arg6[%swap3A_47] : memref<4xf32, #tpu.memory_space<smem>>
    %eq3A_49 = arith.constant 48 : i32
    %eq3A_50 = arith.cmpi eq, %arg0, %eq3A_49 : i32
    %convert_element_type3A_51 = arith.extui %eq3A_50 : i1 to i32
    %cond3A_52 = arith.constant 0 : i32
    %cond3A_53 = arith.cmpi ne, %convert_element_type3A_51, %cond3A_52 : i32
    scf.if %cond3A_53 {
      %get3A_54 = arith.constant 0 : index
      %get3A_55 = memref.load %arg6[%get3A_54] : memref<4xf32, #tpu.memory_space<smem>>
      %get3A_56 = arith.constant 1 : index
      %get3A_57 = memref.load %arg6[%get3A_56] : memref<4xf32, #tpu.memory_space<smem>>
      %log3A = math.log %get3A_57 : f32
      %add3A_58 = arith.addf %get3A_55, %log3A : f32
      %get3A_59 = arith.constant 2 : index
      %get3A_60 = memref.load %arg6[%get3A_59] : memref<4xf32, #tpu.memory_space<smem>>
      %sub3A_61 = arith.subf %add3A_58, %get3A_60 : f32
      %broadcast_in_dim3A_62 = vector.broadcast %sub3A_61 : f32 to vector<1x1xf32>
      %swap3A_63 = arith.constant 0 : index
      %swap3A_64 = arith.constant 0 : index
      %swap3A_65 = vector.load %arg5[%swap3A_63, %swap3A_64] : memref<1x1xf32, #tpu.memory_space<vmem>>, vector<1x1xf32>
      tpu.vector_store %arg5[%swap3A_63, %swap3A_64], %broadcast_in_dim3A_62 {strides = array<i32>} : memref<1x1xf32, #tpu.memory_space<vmem>>, vector<1x1xf32>,
    } else {
    }
    return
  }
  func.func @transform_0(%arg0: i32) -> (i32, i32) {
    %c0_i32 = arith.constant 0 : i32
    %c0_i32_0 = arith.constant 0 : i32
    %c0_i32_1 = arith.constant 0 : i32
    return %c0_i32, %c0_i32_0 : i32, i32
  }
  func.func @transform_1(%arg0: i32) -> (i32, i32) {
    %c0_i32 = arith.constant 0 : i32
    %c0_i32_0 = arith.constant 0 : i32
    return %c0_i32, %arg0 : i32, i32
  }
  func.func @transform_2(%arg0: i32) -> (i32, i32) {
    %c0_i32 = arith.constant 0 : i32
    %c0_i32_0 = arith.constant 0 : i32
    return %c0_i32, %arg0 : i32, i32
  }
  func.func @transform_3(%arg0: i32) -> (i32, i32) {
    %c0_i32 = arith.constant 0 : i32
    %c0_i32_0 = arith.constant 0 : i32
    return %c0_i32, %arg0 : i32, i32
  }
  func.func @transform_4(%arg0: i32) -> (i32, i32) {
    %c0_i32 = arith.constant 0 : i32
    %c0_i32_0 = arith.constant 0 : i32
    %c0_i32_1 = arith.constant 0 : i32
    return %c0_i32, %c0_i32_0 : i32, i32
  }
}

</mosaic_0001>

<sc_bundles>
// kernel: kernel.6.cloned.1.call-start
scs
__scs_entry_jumppad:
0x0: {  	(pc) =	sbr.rel $0x88, $3  }
0x1: {  	(tag) =	ssettag $0x0;
	lr =	simm.s32 $0x1  }
0x2: {  	[smem:$0x3F95] =	sst lr;
	_ =	strace $0xD0000000  }
0x3: {  	_ = 	snop  }
0x4: {  	_ = 	snop  }
0x5: {  	_ = 	snop  }
0x6: {  	_ = 	snop  }
0x7: {  	_ = 	snop  }
__scs_overlays_trampoline_lowered:
0x8: {  	[smem:$0x3FA4] =	sst s0  }
0x9: {  	[smem:$0x3FA5] =	sst s1  }
0xa: {  	[smem:$0x3FA6] =	sst s2  }
0xb: {  	[smem:$0x3FA7] =	sst s3  }
0xc: {  	[smem:$0x3FA8] =	sst s4  }
0xd: {  	[smem:$0x3FA9] =	sst s5  }
0xe: {  	[smem:$0x3FAA] =	sst s6  }
0xf: {  	[smem:$0x3FAB] =	sst s7  }
0x10: {  	[smem:$0x3FAC] =	sst s8  }
0x11: {  	[smem:$0x3FAD] =	sst s9;
	s0 =	simm.s32 @!p0 $0x0  }
0x12: {  	s1 =	sld [smem:$0x3F93];
	s0 =	simm.s32 @p0 $0x1  }
0x13: {  	[smem:$0x3FAE] =	sst s0;
	s0 =	simm.s32 @!p1 $0x0  }
0x14: {  	s2 =	sld [smem:$0x3F92];
	s0 =	simm.s32 @p1 $0x1  }
0x15: {  	[smem:$0x3FAF] =	sst s0;
	s0 =	simm.s32 @!p2 $0x0  }
0x16: {  	s3 =	sld [smem:$0x3FDB];
	s0 =	simm.s32 @p2 $0x1  }
0x17: {  	s4 =	simm.s32 $0x1BF5;
	[smem:$0x3FB1] =	sst s0  }
0x18: {  	s0 =	sld [smem:$0x3F94];
	_ =	swait.ge [sflag:s4], $0x0  }
0x19: {  	s7 =	sld [smem:$0x3F95]  }
0x1a: {  	s8 =	sadd.s32 $0xFFFFE003, lr  }
0x1b: {  	s9 =	sadd.s32 $0xFFFFFEF7, lr;
	s5 =	simm.s32 $0xFFFFFFFF;
	p2 =	slt.u32 s8, $0xFFFFF086  }
0x1c: {  	p1 =	slt.u32 s9, $0xF7A;
	s5 =	simm.s32 @!p2 $0x0  }
0x1d: {  	s5 =	simm.s32 @p1 $0x1;
	p0 =	seq.s32 s7, s2  }
0x1e: {  	s7 =	smul.u32 @!p0 $0xF7A, s2;
	p2 =	seq.s32 @!p0 s5, $0x0  }
0x1f: {  	s9 =	smul.u32 $0xF7A, s1;
	s8 =	simm.s32 @!p0 $0x1BF5;
	p2 =	por !p2, p0  }
0x20: {  	[sflag:s8] =	ssyncset.s32 @!p0 $0xFFFFF086;
	s6 =	sadd.s32 @!p0 s3, s7;
	s7 =	simm.s32 @!p0 $0x108  }
0x21: {  	s3 =	sadd.s32 s3, s9;
	s6 =	sadd.s32 @!p0 $0x88, s6;
	s7 =	simm.s32 @p2 $0x1082  }
0x22: {  	[simem:s7], [sflag:s8] =	dma.local @!p0 [hbm:s6], $0xF7A  }
0x23: {  	s9 =	sor.u32 $0xD0000000, s2;
	s6 =	simm.s32 $0x108;
	_ =	swait.ge @!p0 [sflag:s8], $0x0  }
0x24: {  	s3 =	sadd.s32 $0x88, s3;
	s6 =	simm.s32 @!p1 $0x1082;
	[sflag:s4] =	ssyncset.s32 $0xFFFFF086  }
0x25: {  	[simem:s6], [sflag:s4] =	dma.local [hbm:s3], $0xF7A  }
0x26: {  	[smem:$0x3F95] =	sst s1;
	(tag) =	ssettag s2;
	_ =	strace s9  }
0x27: {  	s1 =	sld [smem:$0x3FA5]  }
0x28: {  	s2 =	sld [smem:$0x3FA6]  }
0x29: {  	s4 =	sld [smem:$0x3FA8]  }
0x2a: {  	p0 =	seq.s32 s5, $0x0;
	s5 =	sld [smem:$0x3FA9]  }
0x2b: {  	s6 =	sld [smem:$0x3FAA]  }
0x2c: {  	s7 =	sld [smem:$0x3FAB]  }
0x2d: {  	s3 =	simm.s32 $0x108;
	s8 =	sld [smem:$0x3FAC]  }
0x2e: {  	s3 =	simm.s32 @!p0 $0x1082;
	s9 =	sld [smem:$0x3FAD]  }
0x2f: {  	lr =	sadd.s32 s0, s3;
	s0 =	sld [smem:$0x3FA4]  }
0x30: {  	s3 =	sld [smem:$0x3FA7]  }
0x31: {  	[smem:$0x3FB0] =	sst s10  }
0x32: {  	s10 =	sld [smem:$0x3FAE];
	_ =	sdelay $0x3  }
0x33: {  	p0 =	seq.s32 s10, $0x1;
	s10 =	sld [smem:$0x3FB0];
	_ =	sdelay $0x3  }
0x34: {  	[smem:$0x3FB0] =	sst s10  }
0x35: {  	s10 =	sld [smem:$0x3FAF];
	_ =	sdelay $0x3  }
0x36: {  	p1 =	seq.s32 s10, $0x1;
	s10 =	sld [smem:$0x3FB0];
	_ =	sdelay $0x3  }
0x37: {  	[smem:$0x3FB0] =	sst s10  }
0x38: {  	s10 =	sld [smem:$0x3FB1]  }
0x39: {  	_ = 	snop;
	(pc) =	sbr.ind lr, $3  }
0x3a: {  	_ = 	snop  }
0x3b: {  	_ = 	snop  }
0x3c: {  	p2 =	seq.s32 s10, $0x1;
	s10 =	sld [smem:$0x3FB0]  }
0x3d: {  	_ =	shalt  }
0x3e: {  	_ =	shalt  }
0x3f: {  	_ =	shalt  }
0x40: {  	_ =	shalt  }
0x41: {  	_ =	shalt  }
0x42: {  	_ =	shalt  }
0x43: {  	_ =	shalt  }
0x44: {  	_ =	shalt  }
0x45: {  	_ =	shalt  }
0x46: {  	_ =	shalt  }
0x47: {  	_ =	shalt  }
0x48: {  	_ =	shalt  }
0x49: {  	_ =	shalt  }
0x4a: {  	_ =	shalt  }
0x4b: {  	_ =	shalt  }
0x4c: {  	_ =	shalt  }
0x4d: {  	_ =	shalt  }
0x4e: {  	_ =	shalt  }
0x4f: {  	_ =	shalt  }
0x50: {  	_ =	shalt  }
0x51: {  	_ =	shalt  }
0x52: {  	_ =	shalt  }
0x53: {  	_ =	shalt  }
0x54: {  	_ =	shalt  }
0x55: {  	_ =	shalt  }
0x56: {  	_ =	shalt  }
0x57: {  	_ =	shalt  }
0x58: {  	_ =	shalt  }
0x59: {  	_ =	shalt  }
0x5a: {  	_ =	shalt  }
0x5b: {  	_ =	shalt  }
0x5c: {  	_ =	shalt  }
0x5d: {  	_ =	shalt  }
0x5e: {  	_ =	shalt  }
0x5f: {  	_ =	shalt  }
0x60: {  	_ =	shalt  }
0x61: {  	_ =	shalt  }
0x62: {  	_ =	shalt  }
0x63: {  	_ =	shalt  }
0x64: {  	_ =	shalt  }
0x65: {  	_ =	shalt  }
0x66: {  	_ =	shalt  }
0x67: {  	_ =	shalt  }
0x68: {  	_ =	shalt  }
0x69: {  	_ =	shalt  }
0x6a: {  	_ =	shalt  }
0x6b: {  	_ =	shalt  }
0x6c: {  	_ =	shalt  }
0x6d: {  	_ =	shalt  }
0x6e: {  	_ =	shalt  }
0x6f: {  	_ =	shalt  }
0x70: {  	_ =	shalt  }
0x71: {  	_ =	shalt  }
0x72: {  	_ =	shalt  }
0x73: {  	_ =	shalt  }
0x74: {  	_ =	shalt  }
0x75: {  	_ =	shalt  }
0x76: {  	_ =	shalt  }
0x77: {  	_ =	shalt  }
0x78: {  	_ =	shalt  }
0x79: {  	_ =	shalt  }
0x7a: {  	_ =	shalt  }
0x7b: {  	_ =	shalt  }
0x7c: {  	_ =	shalt  }
0x7d: {  	_ =	shalt  }
0x7e: {  	_ =	shalt  }
0x7f: {  	_ =	shalt  }
0x80: {  	_ =	shalt  }
0x81: {  	_ =	shalt  }
0x82: {  	_ =	shalt  }
0x83: {  	_ =	shalt  }
0x84: {  	_ =	shalt  }
0x85: {  	_ =	shalt  }
0x86: {  	_ =	shalt  }
0x87: {  	_ =	shalt  }
.Lfunc_end0:
.L_simem_size_0:
called_computation_lowered:
.L_overlay_start_0:
0x88: {  	s2 =	sld [smem:$0x3FD9]  }
0x89: {  	s3 =	sld [smem:$0x3FFE];
	_ =	sdelay $0x1  }
0x8a: {  	s1 =	srdreg.scid  }
0x8b: {  	s0 =	sand.u32 $0x1, s1  }
0x8c: {  	s16 =	sshll.u32 s0, $0xA;
	s2 =	sadd.s32 s3, s2  }
0x8d: {  	s2 =	sadd.s32 s2, s16  }
0x8e: {  	[smem:$0x3FBC] =	sst s2  }
0x8f: {  	_ = 	snop  }
0x90: {  	(tm) =	ssettm $0x1  }
0x91: {  	s17 =	sld [smem:$0x3FFB];
	_ =	sdelay $0x3  }
0x92: {  	_ =	strace s17  }
0x93: {  	s2 =	sld [smem:$0x3FFC];
	_ =	sdelay $0x3  }
0x94: {  	_ =	strace s2  }
0x95: {  	s2 =	sld [smem:$0x3FFD];
	_ =	sdelay $0x3  }
0x96: {  	_ =	strace s2  }
0x97: {  	_ =	strace $0x8FFFFFFF  }
0x98: {  	s18 =	sld [smem:$0x3FDB];
	_ =	sdelay $0x1  }
0x99: {  	s19 =	simm.s32 $_scs_section_size  }
0x9a: {  	s4 =	simm.s32 $_size__tile_overlayer_lowered;
	s5 =	simm.s32 $_tile_overlayer_lowered  }
0x9b: {  	s22 =	simm.s32 $0x1BFF;
	s21 =	sshll.u32 s5, $0x1;
	s2 =	sadd.s32 s19, s18  }
0x9c: {  	s6 =	simm.s32 $0x0;
	s20 =	sshll.u32 s4, $0x1;
	s4 =	sadd.s32 s21, s2  }
0x9d: {  	[timem:s6], [sflag:s22] =	dma.local [hbm:s4], s20  }
0x9e: {  	_ =	swait.ge [sflag:s22], s20  }
0x9f: {  	s3 =	ssub.s32 $0x0, s20;
	[sflag:s22] =	ssyncset.done $0x0  }
0xa0: {  	[sflag:s22] =	ssyncadd.s32 s3;
	_ =	sdelay $0x1  }
0xa1: {  	s23 =	simm.s32 $0x1B8B  }
0xa2: {  	_ =	swait.ge [sflag:s23], $0x1  }
0xa3: {  	[sflag:s23] =	ssyncset.done $0x0  }
0xa4: {  	s25 =	simm.s32 $0x1B8E;
	s24 =	sld [smem:$0x3FFE];
	[sflag:s23] =	ssyncadd.s32 $0xFFFFFFFF  }
0xa5: {  	s26 =	simm.s32 $execute0_lowered;
	[smem:$0x3FD2] =	sst s25  }
0xa6: {  	s4 =	sshll.u32 s26, $0x1;
	_ =	strace $0x80000046;
	[dreg:$0x1] =	wrdreg $0xFFFFFFFF  }
0xa7: {  	s28 =	simm.s32 $_size_execute0_lowered;
	s2 =	sadd.s32 s2, s4;
	[dreg:$0x0] =	wrdreg $0x0  }
0xa8: {  	s4 =	sshll.u32 s28, $0x1;
	[dreg:$0x2] =	wrdreg s2  }
0xa9: {  	[dreg:$0x3] =	wrdreg s4  }
0xaa: {  	[dreg:$0x4] =	wrdreg $0xC0  }
0xab: {  	_ =	task [dreg:s6], $0x5FFFF  }
0xac: {  	[dreg:$0x1] =	wrdreg $0xFFFFFFFF  }
0xad: {  	[dreg:$0x0] =	wrdreg $0x60  }
0xae: {  	[dreg:$0x2] =	wrdreg s24  }
0xaf: {  	[dreg:$0x3] =	wrdreg $0x14CB00  }
0xb0: {  	[dreg:$0x4] =	wrdreg $0x9  }
0xb1: {  	_ =	task.clear_ibuf [dreg:s6], $0x5FFFF;
	_ =	strace $0x90000046  }
0xb2: {  	s29 =	simm.s32 $0x9;
	_ =	strace $0x80000048  }
0xb3: {  	_ =	swait.ge [sflag:s29], $0x1  }
0xb4: {  	[sflag:s29] =	ssyncadd.s32 $0xFFFFFFFF  }
0xb5: {  	_ =	strace $0x90000048  }
0xb6: {  	_ =	sfence  }
0xb7: {  	s30 =	sld [smem:$0x0];
	_ =	sdelay $0x2  }
0xb8: {  	s31 =	sshll.u32 s1, $0xD;
	s1 =	sshrl.u32 s1, $0x2  }
0xb9: {  	s3 =	sand.u32 $0x4000, s31;
	s1 =	sadd.s32 s1, s30  }
0xba: {  	s0 =	sor.u32 s3, s0;
	s1 =	sshll.u32 s1, $0x11  }
0xbb: {  	s0 =	sor.u32 s1, s0  }
0xbc: {  	s0 =	sadd.s32 $0x8F2B, s0  }
0xbd: {  	[sflag:s0] =	ssyncadd.remote.s32 $0x1  }
0xbe: {  	_ =	sfence.sel $0xFFFF  }
0xbf: {  	[dreg:$0x0] =	wrdreg $0xFFFFFFFF;
	(pc) =	sbr.abs _section_cstart, $3  }
0xc0: {  	[dreg:$0x1] =	wrdreg $0xFFFFFFFF  }
0xc1: {  	_ =	task.clear_ibuf [dreg:s6], $0x2FFFF;
	_ =	strace $0x9FFFFFFF  }
0xc2: {  	(tm) =	ssettm $0x7FFFFFFF  }
0xc3: {  	_ =	shalt  }
tec
execute0_lowered:
.L_overlay_start_1:
0x0: {  	(tag) =	ssettag $0x1  }
0x1: {  	s0 =	rddreg [dreg:$0x0]  }
0x2: {  	s1 =	rddreg [dreg:$0x1];
	s2 =	simm.s32 $0x0;
	s21 =	srdreg.scid  }
0x3: {  	s8 =	stileid.u32;
	s30 =	simm.s32 $0xECF0;
	s31 =	simm.s32 $0x3  }
0x4: {  	s9 =	simm.s32 $0x13070;
	[smem:$0x7FF] =	sst s2;
	s3 =	sadd.s32 $0x81E00, s0  }
0x5: {  	s4 =	sadd.s32 $0x68E00, s0;
	s22 =	sadd.s32 $0x9AE00, s0;
	s7 =	sadd.s32 $0xCE600, s0  }
0x6: {  	s24 =	sadd.s32 $0xB3E00, s0;
	_ =	strace $0x80000047;
	[dreg:$0x3] =	wrdreg s3  }
0x7: {  	s10 =	sadd.s32 $0x3600, s0;
	s25 =	smul.u32 $0x27600, s8;
	[dreg:$0x4] =	wrdreg s4  }
0x8: {  	s0 =	sadd.s32 $0xB4600, s0;
	s6 =	smul.u32 $0x280, s8;
	[dreg:$0x5] =	wrdreg s22  }
0x9: {  	s12 =	smul.u32 $0x230, s8;
	s3 =	sand.u32 $0x1, s21;
	[dreg:$0x7] =	wrdreg s24  }
0xa: {  	s15 =	simm.s32 $0x2;
	[dreg:$0x8] =	wrdreg s0;
	s23 =	smul.u32 $0x61A8, s3  }
0xb: {  	s26 =	ssub.s32 $0x2, s3;
	s3 =	smul.u32 $0x2800, s3;
	s4 =	sshrl.u32 s25, $0x2  }
0xc: {  	s25 =	simm.s32 $0x110F0;
	s5 =	sshrl.u32 s26, $0x1;
	s13 =	sadd.s32 s4, s1  }
0xd: {  	s4 =	simm.s32 $0x4;
	[dreg:$0x6] =	wrdreg s23;
	s0 =	ssub.s32 s26, s5  }
0xe: {  	s3 =	sadd.s32 s6, s3;
	s28 =	sadd.s32 $0xFC0, s13;
	s29 =	sadd.s32 $0x1F80, s13  }
0xf: {  	s18 =	sadd.s32 $0x2F40, s13;
	s19 =	sadd.s32 $0x3F00, s13;
	s20 =	sadd.s32 $0x4EC0, s13  }
0x10: {  	s21 =	sadd.s32 $0x5E80, s13;
	s22 =	sadd.s32 $0x6E40, s13;
	[dreg:$0x9] =	wrdreg s3  }
0x11: {  	v0 =	vimm.f32 $1.000000000e+00;
	s23 =	sadd.s32 $0x7E00, s13;
	s24 =	sadd.s32 $0x8DC0, s13;
	[dreg:$0xb] =	wrdreg s28  }
0x12: {  	vm0 =	vcmask $0x1F00;
	v1 =	vimm.f32 $0.0e+00;
	v2 =	vimm.s32 $0x0;
	s6 =	simm.s32 $0x5;
	s0 =	smax.u32 s0, $0x1;
	[dreg:$0xc] =	wrdreg s29  }
0x13: {  	v3 =	vlaneseq.u32;
	v4 =	vimm.s32 $0x2300;
	v0 =	vsel vm0, $0x0, v0;
	s5 =	simm.s32 $0x0;
	[dreg:$0xa] =	wrdreg s0;
	s0 =	simm.s32 $0x1  }
.LBB2_1:
0x14: {  	[dreg:$0xd] =	wrdreg s5  }
0x15: {  	s3 =	rddreg [dreg:$0x7];
	s29 =	simm.s32 $0x8CF0  }
0x16: {  	[tilespmem:s29], [sflag:$0x5] =	stream.linear.gather [hbm4b:s3+s2], $0x4000, $0x38;
	[tilespmem:$0x1EA58] =	vst v63  }
0x17: {  	_ =	swait.ge [sflag:s6], $0x4000  }
0x18: {  	[sflag:s6] =	ssyncset.done $0x0  }
0x19: {  	s5 =	simm.s32 $0x38;
	s3 =	simm.s32 $0x200;
	[sflag:s6] =	ssyncadd.s32 $0xFFFFC000  }
.LBB2_2:
0x1a: {  	p0 =	sne.s32 s3, $0x8FC0;
	[tilespmem:s5+$0xECF0] =	vst v0;
	s5 =	smov.u32 s3;
	s3 =	sadd.s32 $0x120, s3  }
.Ltmp0:
0x1b: {  	(pc) =	sbr.rel @p0 .LBB2_2-.Ltmp0, $2  }
0x1c: {  	_ =	sdelay $0x2  }
0x1d: {  	s5 =	sshra.s32 s5, $0x2  }
0x1e: {  	[tilespmem:s5+$0xECF0] =	vst v0;
	s8 =	simm.s32 $0x0  }
.LBB2_4:
0x1f: {  	s3 =	sshll.u32 s8, $0x4;
	s5 =	stileid.u32  }
0x20: {  	s3 =	sor.u32 s5, s3  }
0x21: {  	s3 =	smul.u32 $0x280, s3  }
0x22: {  	s16 =	rddreg [dreg:$0x3]  }
0x23: {  	[dreg:$0xe] =	wrdreg s8;
	s11 =	simm.s32 $0x0;
	s5 =	sadd.s32 s16, s3  }
0x24: {  	[tilespmem:s11], [sflag:$0x5] =	stream.linear.gather [hbm4b:s5+s11], $0x1400, $0x38;
	[tilespmem:$0x1EA58] =	vst v63  }
0x25: {  	_ =	swait.ge [sflag:s6], $0x1400  }
0x26: {  	[sflag:s6] =	ssyncset.done $0x0;
	s17 =	rddreg [dreg:$0x5]  }
0x27: {  	s26 =	simm.s32 $0x1400;
	[sflag:s6] =	ssyncadd.s32 $0xFFFFEC00;
	s5 =	sadd.s32 s17, s3  }
0x28: {  	[tilespmem:s26], [sflag:$0x5] =	stream.linear.gather [hbm4b:s5+s11], $0x1400, $0x38;
	[tilespmem:$0x1EA58] =	vst v63  }
0x29: {  	_ =	swait.ge [sflag:s6], $0x1400  }
0x2a: {  	[sflag:s6] =	ssyncset.done $0x0;
	s28 =	rddreg [dreg:$0x4]  }
0x2b: {  	s29 =	simm.s32 $0x2800;
	[sflag:s6] =	ssyncadd.s32 $0xFFFFEC00;
	s3 =	sadd.s32 s28, s3  }
0x2c: {  	[tilespmem:s29], [sflag:$0x5] =	stream.linear.gather [hbm4b:s3+s11], $0x1400, $0x38;
	[tilespmem:$0x1EA58] =	vst v63  }
0x2d: {  	_ =	swait.ge [sflag:s6], $0x1400  }
0x2e: {  	v6 =	vimm.f32 $0.0e+00;
	[sflag:s6] =	ssyncset.done $0x0  }
0x2f: {  	v5 =	vimm.f32 $0.0e+00;
	v7 =	vimm.f32 $0.0e+00;
	v8 =	vimm.f32 $0.0e+00;
	s3 =	simm.s32 $0x0;
	[sflag:s6] =	ssyncadd.s32 $0xFFFFEC00  }
.LBB2_5:
0x30: {  	s5 =	simm.s32 $0x0  }
0x31: {  	s6 =	simm.s32 $0x120;
	[tilespmem:s5+$0xED10] =	vst v1  }
.LBB2_6:
0x32: {  	p0 =	sne.s32 s6, $0x3DE0;
	[tilespmem:s5+$0xED00] =	vst v1;
	s8 =	smov.u32 s6;
	s6 =	sadd.s32 $0x120, s6  }
.Ltmp1:
0x33: {  	[tilespmem:s5+$0xED20] =	vst v1;
	(pc) =	sbr.rel @p0 .LBB2_6-.Ltmp1, $4  }
0x34: {  	[tilespmem:s5+$0xED28] =	vst v1  }
0x35: {  	[tilespmem:s5+$0xECF0] =	vst v1  }
0x36: {  	s5 =	sshra.s32 s8, $0x2  }
0x37: {  	[tilespmem:s5+$0xED10] =	vst v1  }
0x38: {  	[tilespmem:s5+$0xED00] =	vst v1  }
0x39: {  	[tilespmem:s5+$0xED20] =	vst v1  }
0x3a: {  	[tilespmem:s5+$0xECF0] =	vst v1  }
0x3b: {  	[tilespmem:s5+$0xED28] =	vst v1  }
0x3c: {  	[spmem:s13] =	stream.linear.scatter [tilespmem:s30], [sflag:$0x3], $0xFC0, $0x38;
	[tilespmem:$0x1EA58] =	vst v63  }
0x3d: {  	s16 =	rddreg [dreg:$0xb]  }
0x3e: {  	[spmem:s16] =	stream.linear.scatter [tilespmem:s30], [sflag:$0x3], $0xFC0, $0x38;
	[tilespmem:$0x1EA58] =	vst v63  }
0x3f: {  	s17 =	rddreg [dreg:$0xc]  }
0x40: {  	[spmem:s17] =	stream.linear.scatter [tilespmem:s30], [sflag:$0x3], $0xFC0, $0x38;
	[tilespmem:$0x1EA58] =	vst v63  }
0x41: {  	_ = 	snop  }
0x42: {  	[spmem:s18] =	stream.linear.scatter [tilespmem:s30], [sflag:$0x3], $0xFC0, $0x38;
	[tilespmem:$0x1EA58] =	vst v63  }
0x43: {  	_ = 	snop  }
0x44: {  	[spmem:s19] =	stream.linear.scatter [tilespmem:s30], [sflag:$0x3], $0xFC0, $0x38;
	[tilespmem:$0x1EA58] =	vst v63  }
0x45: {  	_ = 	snop  }
0x46: {  	[spmem:s20] =	stream.linear.scatter [tilespmem:s30], [sflag:$0x3], $0xFC0, $0x38;
	[tilespmem:$0x1EA58] =	vst v63  }
0x47: {  	_ = 	snop  }
0x48: {  	[spmem:s21] =	stream.linear.scatter [tilespmem:s30], [sflag:$0x3], $0xFC0, $0x38;
	[tilespmem:$0x1EA58] =	vst v63  }
0x49: {  	_ = 	snop  }
0x4a: {  	[spmem:s22] =	stream.linear.scatter [tilespmem:s30], [sflag:$0x3], $0xFC0, $0x38;
	[tilespmem:$0x1EA58] =	vst v63  }
0x4b: {  	_ = 	snop  }
0x4c: {  	[spmem:s23] =	stream.linear.scatter [tilespmem:s30], [sflag:$0x3], $0xFC0, $0x38;
	[tilespmem:$0x1EA58] =	vst v63  }
0x4d: {  	s26 =	smul.u32 $0x2300, s3;
	s28 =	simm.s32 $0x0  }
0x4e: {  	[spmem:s24] =	stream.linear.scatter [tilespmem:s30], [sflag:$0x3], $0xFC0, $0x38;
	[tilespmem:$0x1EA58] =	vst v63  }
0x4f: {  	s6 =	rddreg [dreg:$0x6];
	v11 =	vld [tilespmem:s28+$0x2800]  }
0x50: {  	s5 =	sadd.s32 s6, s26  }
0x51: {  	s6 =	smin.u32 s5, $0xA050  }
0x52: {  	s6 =	sadd.s32 $0x2300, s6  }
0x53: {  	v9 =	vmov s5;
	v10 =	vmov s6  }
0x54: {  	vm0 =	vge.s32 v11, v9;
	vm1 =	vlt.s32 v11, v10  }
0x55: {  	vm0 =	vmand vm0, vm1  }
0x56: {  	v12 =	vsel vm0, $0x1, v2;
	v13 =	vmpcnt.ones.xlane vm0  }
0x57: {  	v12 =	vxor.u32 $0x80000001, v12  }
0x58: {  	(xrf1) =	vsort.ascd.msk.u32 $0xffff, v12, v3;
	(v2sf) =	vpush v13, $0x0;
	_ =	sdelay $0x9  }
0x59: {  	v12 =	vld [tilespmem:s28+$0x0]  }
0x5a: {  	v13 =	vld [tilespmem:s28+$0x1400];
	_ =	sdelay $0x2  }
0x5b: {  	v11 =	vsub.s32 v11, v9;
	_, v14, _ =	vpop (xrf1)  }
0x5c: {  	v15 =	vnsel vm0, $0x2300, v11;
	v12 =	vperm.xlane v12, v14;
	s29 =	spop (v2sf)  }
0x5d: {  	s8 =	simm.s32 $0x0;
	s11 =	simm.s32 $0x40;
	v11 =	vperm.xlane v13, v14;
	v13 =	vperm.xlane v15, v14;
	s6 =	sadd.s32 $0x0, s29  }
.LBB2_8:
0x5e: {  	p0 =	seq.s32 s11, $0x4FC0;
	[tilespmem:s8+$0x3C00] =	vst v12;
	s14 =	smov.u32 s11;
	s11 =	sadd.s32 $0x40, s11  }
0x5f: {  	[tilespmem:s8+$0x64A0] =	vst v13  }
0x60: {  	s14 =	sshra.s32 s14, $0x2;
	[tilespmem:s8+$0x5050] =	vst v11;
	s8 =	smov.u32 s6  }
0x61: {  	v11 =	vld [tilespmem:s14+$0x2800];
	_ =	sdelay $0x4  }
0x62: {  	vm0 =	vge.s32 v11, v9;
	vm1 =	vlt.s32 v11, v10  }
0x63: {  	vm0 =	vmand vm0, vm1  }
0x64: {  	v12 =	vsel vm0, $0x1, v2;
	v13 =	vmpcnt.ones.xlane vm0  }
0x65: {  	v12 =	vxor.u32 $0x80000001, v12  }
0x66: {  	(xrf1) =	vsort.ascd.msk.u32 $0xffff, v12, v3;
	(v2sf) =	vpush v13, $0x0;
	_ =	sdelay $0x8  }
0x67: {  	v13 =	vld [tilespmem:s14+$0x1400]  }
0x68: {  	v12 =	vld [tilespmem:s14+$0x0];
	_ =	sdelay $0x1  }
.Ltmp2:
0x69: {  	(pc) =	sbr.rel @!p0 .LBB2_8-.Ltmp2, $4  }
0x6a: {  	v11 =	vsub.s32 v11, v9  }
0x6b: {  	v14 =	vnsel vm0, $0x2300, v11;
	_, v15, _ =	vpop (xrf1)  }
0x6c: {  	v12 =	vperm.xlane v12, v15;
	v11 =	vperm.xlane v13, v15;
	s14 =	spop (v2sf)  }
0x6d: {  	v13 =	vperm.xlane v14, v15;
	s6 =	sadd.s32 s6, s14  }
0x6e: {  	[tilespmem:s8+$0x3C00] =	vst v12  }
0x6f: {  	[tilespmem:s8+$0x5050] =	vst v11  }
0x70: {  	[tilespmem:s8+$0x64A0] =	vst v13  }
0x71: {  	_ =	swait.ge [sflag:s31], $0xFC0  }
0x72: {  	[sflag:s31] =	ssyncset.done $0x0  }
0x73: {  	[sflag:s31] =	ssyncadd.s32 $0xFFFFF040  }
0x74: {  	_ =	swait.ge [sflag:s31], $0xFC0  }
0x75: {  	[sflag:s31] =	ssyncset.done $0x0  }
0x76: {  	[sflag:s31] =	ssyncadd.s32 $0xFFFFF040  }
0x77: {  	_ =	swait.ge [sflag:s31], $0xFC0  }
0x78: {  	[sflag:s31] =	ssyncset.done $0x0  }
0x79: {  	[sflag:s31] =	ssyncadd.s32 $0xFFFFF040  }
0x7a: {  	_ =	swait.ge [sflag:s31], $0xFC0  }
0x7b: {  	[sflag:s31] =	ssyncset.done $0x0  }
0x7c: {  	[sflag:s31] =	ssyncadd.s32 $0xFFFFF040  }
0x7d: {  	_ =	swait.ge [sflag:s31], $0xFC0  }
0x7e: {  	[sflag:s31] =	ssyncset.done $0x0  }
0x7f: {  	[sflag:s31] =	ssyncadd.s32 $0xFFFFF040  }
0x80: {  	_ =	swait.ge [sflag:s31], $0xFC0  }
0x81: {  	[sflag:s31] =	ssyncset.done $0x0  }
0x82: {  	[sflag:s31] =	ssyncadd.s32 $0xFFFFF040  }
0x83: {  	_ =	swait.ge [sflag:s31], $0xFC0  }
0x84: {  	[sflag:s31] =	ssyncset.done $0x0  }
0x85: {  	[sflag:s31] =	ssyncadd.s32 $0xFFFFF040  }
0x86: {  	_ =	swait.ge [sflag:s31], $0xFC0  }
0x87: {  	[sflag:s31] =	ssyncset.done $0x0  }
0x88: {  	[sflag:s31] =	ssyncadd.s32 $0xFFFFF040  }
0x89: {  	_ =	swait.ge [sflag:s31], $0xFC0  }
0x8a: {  	[sflag:s31] =	ssyncset.done $0x0  }
0x8b: {  	[sflag:s31] =	ssyncadd.s32 $0xFFFFF040  }
0x8c: {  	_ =	swait.ge [sflag:s31], $0xFC0  }
0x8d: {  	[sflag:s31] =	ssyncset.done $0x0  }
0x8e: {  	s11 =	simm.s32 $0x38;
	s8 =	simm.s32 $0x200;
	[sflag:s31] =	ssyncadd.s32 $0xFFFFF040  }
.LBB2_10:
0x8f: {  	p0 =	sne.s32 s8, $0x3EC0;
	[tilespmem:s11+$0xECF0] =	vst v0;
	s11 =	smov.u32 s8;
	s8 =	sadd.s32 $0x120, s8  }
.Ltmp3:
0x90: {  	(pc) =	sbr.rel @p0 .LBB2_10-.Ltmp3, $2  }
0x91: {  	_ =	sdelay $0x2  }
0x92: {  	s11 =	sshra.s32 s11, $0x2  }
0x93: {  	[tilespmem:s11+$0xECF0] =	vst v0  }
0x94: {  	[tilespmem:s6+$0x3C00] =	vst v2  }
0x95: {  	[tilespmem:s6+$0x5050] =	vst v2  }
0x96: {  	[tilespmem:s6+$0x64A0] =	vst v4  }
0x97: {  	[tilespmem:s6+$0x3C10] =	vst v2  }
0x98: {  	[tilespmem:s6+$0x5060] =	vst v2  }
0x99: {  	s8 =	sadd.s32 $0x3F, s6;
	[tilespmem:s6+$0x64B0] =	vst v4  }
0x9a: {  	[tilespmem:s6+$0x3C20] =	vst v2;
	s28 =	sand.u32 $0x3F, s8  }
0x9b: {  	[tilespmem:s6+$0x5070] =	vst v2;
	s14 =	sshra.s32 s8, $0x1F;
	p0 =	slt.s32 s8, $0x1;
	p1 =	sne.s32 s28, $0x0  }
0x9c: {  	[tilespmem:s6+$0x64C0] =	vst v4;
	s29 =	sshrl.u32 s14, $0x1A;
	p0 =	por !p0, !p1  }
0x9d: {  	s11 =	simm.s32 $0x1;
	[tilespmem:s6+$0x3C30] =	vst v2;
	s8 =	sadd.s32 s29, s8;
	p0 =	por !p0, !p0  }
0x9e: {  	[tilespmem:s6+$0x5080] =	vst v2;
	s8 =	sshra.s32 s8, $0x6;
	s11 =	simm.s32 @!p0 $0x0  }
.Ltmp4:
0x9f: {  	[tilespmem:s6+$0x64D0] =	vst v4;
	s6 =	ssub.s32 s8, s11;
	(pc) =	sbr.rel .LBB2_12-.Ltmp4, $4  }
0xa0: {  	[bflag:$0x0] =	sbarrier.arrive $0xFFFF;
	p0 =	slt.s32 s6, $0x1  }
0xa1: {  	s8 =	simm.s32 @!p0 $0x40;
	s11 =	simm.s32 @!p0 $0x3C00;
	s14 =	simm.s32 @!p0 $0xCCF0  }
0xa2: {  	[tilespmem:s14], [sflag:$0x1] =	stream.indirect.gather @!p0 [hbm4b:s7+s8], $0x40, s11, s8, $0xb8;
	[tilespmem:$0x1EA58] =	vst v63  }
0xa3: {  	p1 =	por $0x0, $0x0;
	s8 =	simm.s32 $0x0;
	s11 =	simm.s32 $0x5050  }
.LBB2_13:
0xa4: {  	s14 =	sadd.s32 $0x1, s8  }
.LBB2_17:
0xa5: {  	p2 =	sne.s32 s14, $0x50  }
.Ltmp5:
0xa6: {  	_ = 	snop;
	(pc) =	sbr.rel @!p2 .LBB2_18-.Ltmp5, $2  }
0xa7: {  	_ =	sdelay $0x2  }
0xa8: {  	s11 =	sadd.s32 $0x40, s11;
	p1 =	por !p1, !p1;
	s8 =	smov.u32 s14  }
.LBB2_12:
0xa9: {  	p2 =	slt.s32 s8, s6  }
.Ltmp6:
0xaa: {  	_ = 	snop;
	(pc) =	sbr.rel @!p2 .LBB2_13-.Ltmp6, $1  }
0xab: {  	_ =	sdelay $0x3  }
0xac: {  	s16 =	sshll.u32 s8, $0x6  }
0xad: {  	v9 =	vld [tilespmem:s16+$0x64A0]  }
0xae: {  	v10 =	vld [tilespmem:s16+$0x64B0]  }
0xaf: {  	v11 =	vld [tilespmem:s16+$0x64C0]  }
0xb0: {  	v12 =	vld [tilespmem:s16+$0x64D0];
	_ =	sdelay $0x1  }
0xb1: {  	[tilespmem:s16+$0x78F0] =	vst v9  }
0xb2: {  	s29 =	sand.u32 $0x1, s8;
	s26 =	simm.s32 $0x1;
	s14 =	sadd.s32 $0x1, s8;
	[tilespmem:s16+$0x7900] =	vst v10  }
0xb3: {  	p2 =	seq.s32 s29, $0x0;
	p3 =	sge.s32 s14, s6;
	p5 =	seq.s32 s29, $0x1;
	[tilespmem:s16+$0x7910] =	vst v11  }
0xb4: {  	s26 =	simm.s32 @!p2 $0x2;
	p4 =	por !p5, p3;
	[tilespmem:s16+$0x7920] =	vst v12  }
0xb5: {  	s16 =	sshll.u32 @!p4 s14, $0x6;
	_ =	swait.ge [sflag:s26], $0x1000  }
0xb6: {  	s28 =	simm.s32 @!p4 $0xCCF0;
	s16 =	sand.u32 @!p4 $0x3FFFFFC0, s16;
	[sflag:s26] =	ssyncset.done $0x0  }
0xb7: {  	s16 =	sadd.s32 @!p4 $0x3C00, s16;
	[sflag:s26] =	ssyncadd.s32 $0xFFFFF000;
	s26 =	simm.s32 @!p4 $0x40  }
0xb8: {  	[tilespmem:s28], [sflag:$0x1] =	stream.indirect.gather @!p4 [hbm4b:s7+s26], $0x40, s16, s26, $0xb8;
	[tilespmem:$0x1EA58] =	vst v63  }
0xb9: {  	s26 =	sand.u32 $0x1, s14  }
0xba: {  	p6 =	seq.s32 s26, $0x1  }
0xbb: {  	p3 =	por !p6, p3  }
0xbc: {  	s16 =	sshll.u32 @!p3 s14, $0x6  }
0xbd: {  	s16 =	sand.u32 @!p3 $0x3FFFFFC0, s16  }
0xbe: {  	s26 =	simm.s32 @!p3 $0x40;
	s28 =	simm.s32 @!p3 $0xDCF0;
	s16 =	sadd.s32 @!p3 $0x3C00, s16  }
0xbf: {  	[tilespmem:s28], [sflag:$0x2] =	stream.indirect.gather @!p3 [hbm4b:s7+s26], $0x40, s16, s26, $0xb8;
	[tilespmem:$0x1EA58] =	vst v63  }
0xc0: {  	p3 =	slt.u32 s8, $0x2  }
0xc1: {  	p4 =	sne.s32 @!p3 s29, $0x0  }
0xc2: {  	p4 =	por p4, p3  }
0xc3: {  	s26 =	simm.s32 @!p4 $0x3  }
0xc4: {  	p2 =	por !p5, !p5;
	s16 =	simm.s32 $0x1;
	_ =	swait.ge @!p4 [sflag:s26], $0x1200  }
0xc5: {  	s16 =	simm.s32 @!p1 $0x0;
	p2 =	por p3, p2;
	[sflag:s26] =	ssyncset.done @!p4 $0x0  }
0xc6: {  	v9 =	vmov s11;
	s28 =	smul.u32 $0x4800, s16;
	s17 =	simm.s32 @!p2 $0x4;
	[sflag:s26] =	ssyncadd.s32 @!p4 $0xFFFFEE00  }
0xc7: {  	s8 =	sshll.u32 s8, $0x8;
	s16 =	sshll.u32 s16, $0xC;
	_ =	swait.ge @!p2 [sflag:s17], $0x1200  }
0xc8: {  	s26 =	sshrl.u32 s28, $0x2;
	s28 =	sor.u32 $0xCEF0, s16;
	[sflag:s17] =	ssyncset.done @!p2 $0x0  }
0xc9: {  	s16 =	simm.s32 $0x0;
	s26 =	sadd.s32 $0xEF30, s26;
	[sflag:s17] =	ssyncadd.s32 @!p2 $0xFFFFEE00  }
.LBB2_15:
0xca: {  	s17 =	sshra.s32 s16, $0x2  }
0xcb: {  	v10 =	vld.idx.msk [tilespmem:v9+s17+$0x0 ss:$0x1], $0xffff;
	_ =	sdelay $0x4  }
0xcc: {  	v10 =	vshll.u32 v10, $0x8  }
0xcd: {  	v10 =	vshra.s32 v10, $0x2  }
0xce: {  	(v2sf) =	vpush v10, $0x0;
	_ =	sdelay $0xe  }
0xcf: {  	v11 =	vld [tilespmem:s28+$0xFFFFFE00];
	s17 =	spop (v2sf)  }
0xd0: {  	v12 =	vld [tilespmem:s17+$0x8CF0];
	_ =	sdelay $0x4  }
0xd1: {  	v11 =	vmul.f32 v12, v11;
	_ =	sdelay $0x1  }
0xd2: {  	[tilespmem:s26+$0xFFFFFDC0] =	vst v11  }
0xd3: {  	v11 =	vld [tilespmem:s28+$0xFFFFFE10]  }
0xd4: {  	v54 =	vld [tilespmem:s17+$0x8D00];
	_ =	sdelay $0x4  }
0xd5: {  	v11 =	vmul.f32 v54, v11;
	_ =	sdelay $0x1  }
0xd6: {  	[tilespmem:s26+$0xFFFFFDD0] =	vst v11  }
0xd7: {  	v11 =	vld [tilespmem:s28+$0xFFFFFE20]  }
0xd8: {  	v55 =	vld [tilespmem:s17+$0x8D10];
	_ =	sdelay $0x1  }
0xd9: {  	(v2sf) =	vpush v10, $0x1;
	_ =	sdelay $0x2  }
0xda: {  	v11 =	vmul.f32 v55, v11;
	_ =	sdelay $0x1  }
0xdb: {  	[tilespmem:s26+$0xFFFFFDE0] =	vst v11  }
0xdc: {  	v11 =	vld [tilespmem:s28+$0xFFFFFE30]  }
0xdd: {  	v56 =	vld [tilespmem:s17+$0x8D20];
	_ =	sdelay $0x4  }
0xde: {  	v11 =	vmul.f32 v56, v11;
	_ =	sdelay $0x1  }
0xdf: {  	[tilespmem:s26+$0xFFFFFDF0] =	vst v11  }
0xe0: {  	s17 =	spop (v2sf);
	v11 =	vld [tilespmem:s28+$0xFFFFFE40]  }
0xe1: {  	v57 =	vld [tilespmem:s17+$0x8CF0];
	_ =	sdelay $0x4  }
0xe2: {  	v11 =	vmul.f32 v57, v11;
	_ =	sdelay $0x1  }
0xe3: {  	[tilespmem:s26+$0xFFFFFE08] =	vst v11  }
0xe4: {  	v11 =	vld [tilespmem:s28+$0xFFFFFE50]  }
0xe5: {  	v58 =	vld [tilespmem:s17+$0x8D00];
	_ =	sdelay $0x4  }
0xe6: {  	v11 =	vmul.f32 v58, v11;
	_ =	sdelay $0x1  }
0xe7: {  	[tilespmem:s26+$0xFFFFFE18] =	vst v11  }
0xe8: {  	v11 =	vld [tilespmem:s28+$0xFFFFFE60]  }
0xe9: {  	v59 =	vld [tilespmem:s17+$0x8D10];
	_ =	sdelay $0x1  }
0xea: {  	(v2sf) =	vpush v10, $0x2;
	_ =	sdelay $0x2  }
0xeb: {  	v11 =	vmul.f32 v59, v11;
	_ =	sdelay $0x1  }
0xec: {  	[tilespmem:s26+$0xFFFFFE28] =	vst v11  }
0xed: {  	v11 =	vld [tilespmem:s28+$0xFFFFFE70]  }
0xee: {  	v60 =	vld [tilespmem:s17+$0x8D20];
	_ =	sdelay $0x4  }
0xef: {  	v11 =	vmul.f32 v60, v11;
	_ =	sdelay $0x1  }
0xf0: {  	[tilespmem:s26+$0xFFFFFE38] =	vst v11  }
0xf1: {  	s17 =	spop (v2sf);
	v11 =	vld [tilespmem:s28+$0xFFFFFE80]  }
0xf2: {  	v61 =	vld [tilespmem:s17+$0x8CF0];
	_ =	sdelay $0x4  }
0xf3: {  	v11 =	vmul.f32 v61, v11;
	_ =	sdelay $0x1  }
0xf4: {  	[tilespmem:s26+$0xFFFFFE50] =	vst v11  }
0xf5: {  	v11 =	vld [tilespmem:s28+$0xFFFFFE90]  }
0xf6: {  	v62 =	vld [tilespmem:s17+$0x8D00];
	_ =	sdelay $0x4  }
0xf7: {  	v11 =	vmul.f32 v62, v11;
	_ =	sdelay $0x1  }
0xf8: {  	[tilespmem:s26+$0xFFFFFE60] =	vst v11  }
0xf9: {  	v11 =	vld [tilespmem:s28+$0xFFFFFEA0]  }
0xfa: {  	v63 =	vld [tilespmem:s17+$0x8D10];
	_ =	sdelay $0x1  }
0xfb: {  	(v2sf) =	vpush v10, $0x3;
	_ =	sdelay $0x2  }
0xfc: {  	v11 =	vmul.f32 v63, v11;
	_ =	sdelay $0x1  }
0xfd: {  	[tilespmem:s26+$0xFFFFFE70] =	vst v11  }
0xfe: {  	v11 =	vld [tilespmem:s28+$0xFFFFFEB0]  }
0xff: {  	v16 =	vld [tilespmem:s17+$0x8D20];
	_ =	sdelay $0x4  }
0x100: {  	v11 =	vmul.f32 v16, v11;
	_ =	sdelay $0x1  }
0x101: {  	[tilespmem:s26+$0xFFFFFE80] =	vst v11  }
0x102: {  	s17 =	spop (v2sf);
	v11 =	vld [tilespmem:s28+$0xFFFFFEC0]  }
0x103: {  	v17 =	vld [tilespmem:s17+$0x8CF0];
	_ =	sdelay $0x4  }
0x104: {  	v11 =	vmul.f32 v17, v11;
	_ =	sdelay $0x1  }
0x105: {  	[tilespmem:s26+$0xFFFFFE98] =	vst v11  }
0x106: {  	v11 =	vld [tilespmem:s28+$0xFFFFFED0]  }
0x107: {  	v18 =	vld [tilespmem:s17+$0x8D00];
	_ =	sdelay $0x4  }
0x108: {  	v11 =	vmul.f32 v18, v11;
	_ =	sdelay $0x1  }
0x109: {  	[tilespmem:s26+$0xFFFFFEA8] =	vst v11  }
0x10a: {  	v11 =	vld [tilespmem:s28+$0xFFFFFEE0]  }
0x10b: {  	v19 =	vld [tilespmem:s17+$0x8D10];
	_ =	sdelay $0x1  }
0x10c: {  	(v2sf) =	vpush v10, $0x4;
	_ =	sdelay $0x2  }
0x10d: {  	v11 =	vmul.f32 v19, v11;
	_ =	sdelay $0x1  }
0x10e: {  	[tilespmem:s26+$0xFFFFFEB8] =	vst v11  }
0x10f: {  	v11 =	vld [tilespmem:s28+$0xFFFFFEF0]  }
0x110: {  	v20 =	vld [tilespmem:s17+$0x8D20];
	_ =	sdelay $0x4  }
0x111: {  	v11 =	vmul.f32 v20, v11;
	_ =	sdelay $0x1  }
0x112: {  	[tilespmem:s26+$0xFFFFFEC8] =	vst v11  }
0x113: {  	s17 =	spop (v2sf);
	v11 =	vld [tilespmem:s28+$0xFFFFFF00]  }
0x114: {  	v21 =	vld [tilespmem:s17+$0x8CF0];
	_ =	sdelay $0x4  }
0x115: {  	v11 =	vmul.f32 v21, v11;
	_ =	sdelay $0x1  }
0x116: {  	[tilespmem:s26+$0xFFFFFEE0] =	vst v11  }
0x117: {  	v11 =	vld [tilespmem:s28+$0xFFFFFF10]  }
0x118: {  	v22 =	vld [tilespmem:s17+$0x8D00];
	_ =	sdelay $0x4  }
0x119: {  	v11 =	vmul.f32 v22, v11;
	_ =	sdelay $0x1  }
0x11a: {  	[tilespmem:s26+$0xFFFFFEF0] =	vst v11  }
0x11b: {  	v11 =	vld [tilespmem:s28+$0xFFFFFF20]  }
0x11c: {  	v23 =	vld [tilespmem:s17+$0x8D10];
	_ =	sdelay $0x1  }
0x11d: {  	(v2sf) =	vpush v10, $0x5;
	_ =	sdelay $0x2  }
0x11e: {  	v11 =	vmul.f32 v23, v11;
	_ =	sdelay $0x1  }
0x11f: {  	[tilespmem:s26+$0xFFFFFF00] =	vst v11  }
0x120: {  	v11 =	vld [tilespmem:s28+$0xFFFFFF30]  }
0x121: {  	v24 =	vld [tilespmem:s17+$0x8D20];
	_ =	sdelay $0x4  }
0x122: {  	v11 =	vmul.f32 v24, v11;
	_ =	sdelay $0x1  }
0x123: {  	[tilespmem:s26+$0xFFFFFF10] =	vst v11  }
0x124: {  	s17 =	spop (v2sf);
	v11 =	vld [tilespmem:s28+$0xFFFFFF40]  }
0x125: {  	v25 =	vld [tilespmem:s17+$0x8CF0];
	_ =	sdelay $0x4  }
0x126: {  	v11 =	vmul.f32 v25, v11;
	_ =	sdelay $0x1  }
0x127: {  	[tilespmem:s26+$0xFFFFFF28] =	vst v11  }
0x128: {  	v11 =	vld [tilespmem:s28+$0xFFFFFF50]  }
0x129: {  	v26 =	vld [tilespmem:s17+$0x8D00];
	_ =	sdelay $0x4  }
0x12a: {  	v11 =	vmul.f32 v26, v11;
	_ =	sdelay $0x1  }
0x12b: {  	[tilespmem:s26+$0xFFFFFF38] =	vst v11  }
0x12c: {  	v11 =	vld [tilespmem:s28+$0xFFFFFF60]  }
0x12d: {  	v27 =	vld [tilespmem:s17+$0x8D10];
	_ =	sdelay $0x1  }
0x12e: {  	(v2sf) =	vpush v10, $0x6;
	_ =	sdelay $0x2  }
0x12f: {  	v11 =	vmul.f32 v27, v11;
	_ =	sdelay $0x1  }
0x130: {  	[tilespmem:s26+$0xFFFFFF48] =	vst v11  }
0x131: {  	v11 =	vld [tilespmem:s28+$0xFFFFFF70]  }
0x132: {  	v28 =	vld [tilespmem:s17+$0x8D20];
	_ =	sdelay $0x4  }
0x133: {  	v11 =	vmul.f32 v28, v11;
	_ =	sdelay $0x1  }
0x134: {  	[tilespmem:s26+$0xFFFFFF58] =	vst v11  }
0x135: {  	s17 =	spop (v2sf);
	v11 =	vld [tilespmem:s28+$0xFFFFFF80]  }
0x136: {  	v29 =	vld [tilespmem:s17+$0x8CF0];
	_ =	sdelay $0x4  }
0x137: {  	v11 =	vmul.f32 v29, v11;
	_ =	sdelay $0x1  }
0x138: {  	[tilespmem:s26+$0xFFFFFF70] =	vst v11  }
0x139: {  	v11 =	vld [tilespmem:s28+$0xFFFFFF90]  }
0x13a: {  	v30 =	vld [tilespmem:s17+$0x8D00];
	_ =	sdelay $0x4  }
0x13b: {  	v11 =	vmul.f32 v30, v11;
	_ =	sdelay $0x1  }
0x13c: {  	[tilespmem:s26+$0xFFFFFF80] =	vst v11  }
0x13d: {  	v11 =	vld [tilespmem:s28+$0xFFFFFFA0]  }
0x13e: {  	v31 =	vld [tilespmem:s17+$0x8D10];
	_ =	sdelay $0x1  }
0x13f: {  	(v2sf) =	vpush v10, $0x7;
	_ =	sdelay $0x2  }
0x140: {  	v11 =	vmul.f32 v31, v11;
	_ =	sdelay $0x1  }
0x141: {  	[tilespmem:s26+$0xFFFFFF90] =	vst v11  }
0x142: {  	v11 =	vld [tilespmem:s28+$0xFFFFFFB0]  }
0x143: {  	v32 =	vld [tilespmem:s17+$0x8D20];
	_ =	sdelay $0x4  }
0x144: {  	v11 =	vmul.f32 v32, v11;
	_ =	sdelay $0x1  }
0x145: {  	[tilespmem:s26+$0xFFFFFFA0] =	vst v11  }
0x146: {  	s17 =	spop (v2sf);
	v11 =	vld [tilespmem:s28+$0xFFFFFFC0]  }
0x147: {  	v33 =	vld [tilespmem:s17+$0x8CF0];
	_ =	sdelay $0x4  }
0x148: {  	v11 =	vmul.f32 v33, v11;
	_ =	sdelay $0x1  }
0x149: {  	[tilespmem:s26+$0xFFFFFFB8] =	vst v11  }
0x14a: {  	v11 =	vld [tilespmem:s28+$0xFFFFFFD0]  }
0x14b: {  	v34 =	vld [tilespmem:s17+$0x8D00];
	_ =	sdelay $0x4  }
0x14c: {  	v11 =	vmul.f32 v34, v11;
	_ =	sdelay $0x1  }
0x14d: {  	[tilespmem:s26+$0xFFFFFFC8] =	vst v11  }
0x14e: {  	v11 =	vld [tilespmem:s28+$0xFFFFFFE0]  }
0x14f: {  	v35 =	vld [tilespmem:s17+$0x8D10];
	_ =	sdelay $0x1  }
0x150: {  	(v2sf) =	vpush v10, $0x8;
	_ =	sdelay $0x2  }
0x151: {  	v11 =	vmul.f32 v35, v11;
	_ =	sdelay $0x1  }
0x152: {  	[tilespmem:s26+$0xFFFFFFD8] =	vst v11  }
0x153: {  	v11 =	vld [tilespmem:s28+$0xFFFFFFF0]  }
0x154: {  	v36 =	vld [tilespmem:s17+$0x8D20];
	_ =	sdelay $0x4  }
0x155: {  	v11 =	vmul.f32 v36, v11;
	_ =	sdelay $0x1  }
0x156: {  	[tilespmem:s26+$0xFFFFFFE8] =	vst v11  }
0x157: {  	s17 =	spop (v2sf);
	v11 =	vld [tilespmem:s28+$0x0]  }
0x158: {  	v37 =	vld [tilespmem:s17+$0x8CF0];
	_ =	sdelay $0x4  }
0x159: {  	v11 =	vmul.f32 v37, v11;
	_ =	sdelay $0x1  }
0x15a: {  	[tilespmem:s26+$0x0] =	vst v11  }
0x15b: {  	v11 =	vld [tilespmem:s28+$0x10]  }
0x15c: {  	v38 =	vld [tilespmem:s17+$0x8D00];
	_ =	sdelay $0x4  }
0x15d: {  	v11 =	vmul.f32 v38, v11;
	_ =	sdelay $0x1  }
0x15e: {  	[tilespmem:s26+$0x10] =	vst v11  }
0x15f: {  	v11 =	vld [tilespmem:s28+$0x20]  }
0x160: {  	v39 =	vld [tilespmem:s17+$0x8D10];
	_ =	sdelay $0x1  }
0x161: {  	(v2sf) =	vpush v10, $0x9;
	_ =	sdelay $0x2  }
0x162: {  	v11 =	vmul.f32 v39, v11;
	_ =	sdelay $0x1  }
0x163: {  	[tilespmem:s26+$0x20] =	vst v11  }
0x164: {  	v11 =	vld [tilespmem:s28+$0x30]  }
0x165: {  	v40 =	vld [tilespmem:s17+$0x8D20];
	_ =	sdelay $0x4  }
0x166: {  	v11 =	vmul.f32 v40, v11;
	_ =	sdelay $0x1  }
0x167: {  	[tilespmem:s26+$0x30] =	vst v11  }
0x168: {  	s17 =	spop (v2sf);
	v11 =	vld [tilespmem:s28+$0x40]  }
0x169: {  	v41 =	vld [tilespmem:s17+$0x8CF0];
	_ =	sdelay $0x4  }
0x16a: {  	v11 =	vmul.f32 v41, v11;
	_ =	sdelay $0x1  }
0x16b: {  	[tilespmem:s26+$0x48] =	vst v11  }
0x16c: {  	v11 =	vld [tilespmem:s28+$0x50]  }
0x16d: {  	v42 =	vld [tilespmem:s17+$0x8D00];
	_ =	sdelay $0x4  }
0x16e: {  	v11 =	vmul.f32 v42, v11;
	_ =	sdelay $0x1  }
0x16f: {  	[tilespmem:s26+$0x58] =	vst v11  }
0x170: {  	v11 =	vld [tilespmem:s28+$0x60]  }
0x171: {  	v43 =	vld [tilespmem:s17+$0x8D10];
	_ =	sdelay $0x1  }
0x172: {  	(v2sf) =	vpush v10, $0xA;
	_ =	sdelay $0x2  }
0x173: {  	v11 =	vmul.f32 v43, v11;
	_ =	sdelay $0x1  }
0x174: {  	[tilespmem:s26+$0x68] =	vst v11  }
0x175: {  	v11 =	vld [tilespmem:s28+$0x70]  }
0x176: {  	v44 =	vld [tilespmem:s17+$0x8D20];
	_ =	sdelay $0x4  }
0x177: {  	v11 =	vmul.f32 v44, v11;
	_ =	sdelay $0x1  }
0x178: {  	[tilespmem:s26+$0x78] =	vst v11  }
0x179: {  	s17 =	spop (v2sf);
	v11 =	vld [tilespmem:s28+$0x80]  }
0x17a: {  	v45 =	vld [tilespmem:s17+$0x8CF0];
	_ =	sdelay $0x4  }
0x17b: {  	v11 =	vmul.f32 v45, v11;
	_ =	sdelay $0x1  }
0x17c: {  	[tilespmem:s26+$0x90] =	vst v11  }
0x17d: {  	v11 =	vld [tilespmem:s28+$0x90]  }
0x17e: {  	v46 =	vld [tilespmem:s17+$0x8D00];
	_ =	sdelay $0x4  }
0x17f: {  	v11 =	vmul.f32 v46, v11;
	_ =	sdelay $0x1  }
0x180: {  	[tilespmem:s26+$0xA0] =	vst v11  }
0x181: {  	v11 =	vld [tilespmem:s28+$0xA0]  }
0x182: {  	v47 =	vld [tilespmem:s17+$0x8D10];
	_ =	sdelay $0x1  }
0x183: {  	(v2sf) =	vpush v10, $0xB;
	_ =	sdelay $0x2  }
0x184: {  	v11 =	vmul.f32 v47, v11;
	_ =	sdelay $0x1  }
0x185: {  	[tilespmem:s26+$0xB0] =	vst v11  }
0x186: {  	v11 =	vld [tilespmem:s28+$0xB0]  }
0x187: {  	v48 =	vld [tilespmem:s17+$0x8D20];
	_ =	sdelay $0x4  }
0x188: {  	v11 =	vmul.f32 v48, v11;
	_ =	sdelay $0x1  }
0x189: {  	[tilespmem:s26+$0xC0] =	vst v11  }
0x18a: {  	s17 =	spop (v2sf);
	v11 =	vld [tilespmem:s28+$0xC0]  }
0x18b: {  	v49 =	vld [tilespmem:s17+$0x8CF0];
	_ =	sdelay $0x4  }
0x18c: {  	v11 =	vmul.f32 v49, v11;
	_ =	sdelay $0x1  }
0x18d: {  	[tilespmem:s26+$0xD8] =	vst v11  }
0x18e: {  	v11 =	vld [tilespmem:s28+$0xD0]  }
0x18f: {  	v50 =	vld [tilespmem:s17+$0x8D00];
	_ =	sdelay $0x4  }
0x190: {  	v11 =	vmul.f32 v50, v11;
	_ =	sdelay $0x1  }
0x191: {  	[tilespmem:s26+$0xE8] =	vst v11  }
0x192: {  	v11 =	vld [tilespmem:s28+$0xE0]  }
0x193: {  	v51 =	vld [tilespmem:s17+$0x8D10];
	_ =	sdelay $0x1  }
0x194: {  	(v2sf) =	vpush v10, $0xC;
	_ =	sdelay $0x2  }
0x195: {  	v11 =	vmul.f32 v51, v11;
	_ =	sdelay $0x1  }
0x196: {  	[tilespmem:s26+$0xF8] =	vst v11  }
0x197: {  	v11 =	vld [tilespmem:s28+$0xF0]  }
0x198: {  	v52 =	vld [tilespmem:s17+$0x8D20];
	_ =	sdelay $0x4  }
0x199: {  	v11 =	vmul.f32 v52, v11;
	_ =	sdelay $0x1  }
0x19a: {  	[tilespmem:s26+$0x108] =	vst v11  }
0x19b: {  	s17 =	spop (v2sf);
	v11 =	vld [tilespmem:s28+$0x100]  }
0x19c: {  	v53 =	vld [tilespmem:s17+$0x8CF0];
	_ =	sdelay $0x4  }
0x19d: {  	v11 =	vmul.f32 v53, v11;
	_ =	sdelay $0x1  }
0x19e: {  	[tilespmem:s26+$0x120] =	vst v11  }
0x19f: {  	v11 =	vld [tilespmem:s28+$0x110]  }
0x1a0: {  	v54 =	vld [tilespmem:s17+$0x8D00];
	_ =	sdelay $0x4  }
0x1a1: {  	v11 =	vmul.f32 v54, v11;
	_ =	sdelay $0x1  }
0x1a2: {  	[tilespmem:s26+$0x130] =	vst v11  }
0x1a3: {  	v11 =	vld [tilespmem:s28+$0x120]  }
0x1a4: {  	v55 =	vld [tilespmem:s17+$0x8D10];
	_ =	sdelay $0x1  }
0x1a5: {  	(v2sf) =	vpush v10, $0xD;
	_ =	sdelay $0x2  }
0x1a6: {  	v11 =	vmul.f32 v55, v11;
	_ =	sdelay $0x1  }
0x1a7: {  	[tilespmem:s26+$0x140] =	vst v11  }
0x1a8: {  	v11 =	vld [tilespmem:s28+$0x130]  }
0x1a9: {  	v56 =	vld [tilespmem:s17+$0x8D20];
	_ =	sdelay $0x4  }
0x1aa: {  	v11 =	vmul.f32 v56, v11;
	_ =	sdelay $0x1  }
0x1ab: {  	[tilespmem:s26+$0x150] =	vst v11  }
0x1ac: {  	s17 =	spop (v2sf);
	v11 =	vld [tilespmem:s28+$0x140]  }
0x1ad: {  	v57 =	vld [tilespmem:s17+$0x8CF0];
	_ =	sdelay $0x4  }
0x1ae: {  	v11 =	vmul.f32 v57, v11;
	_ =	sdelay $0x1  }
0x1af: {  	[tilespmem:s26+$0x168] =	vst v11  }
0x1b0: {  	v11 =	vld [tilespmem:s28+$0x150]  }
0x1b1: {  	v58 =	vld [tilespmem:s17+$0x8D00];
	_ =	sdelay $0x4  }
0x1b2: {  	v11 =	vmul.f32 v58, v11;
	_ =	sdelay $0x1  }
0x1b3: {  	[tilespmem:s26+$0x178] =	vst v11  }
0x1b4: {  	v11 =	vld [tilespmem:s28+$0x160]  }
0x1b5: {  	v59 =	vld [tilespmem:s17+$0x8D10];
	_ =	sdelay $0x1  }
0x1b6: {  	(v2sf) =	vpush v10, $0xE;
	_ =	sdelay $0x2  }
0x1b7: {  	v11 =	vmul.f32 v59, v11;
	_ =	sdelay $0x1  }
0x1b8: {  	[tilespmem:s26+$0x188] =	vst v11  }
0x1b9: {  	v11 =	vld [tilespmem:s28+$0x170]  }
0x1ba: {  	v60 =	vld [tilespmem:s17+$0x8D20];
	_ =	sdelay $0x4  }
0x1bb: {  	v11 =	vmul.f32 v60, v11;
	_ =	sdelay $0x1  }
0x1bc: {  	[tilespmem:s26+$0x198] =	vst v11  }
0x1bd: {  	s17 =	spop (v2sf);
	v11 =	vld [tilespmem:s28+$0x180]  }
0x1be: {  	v61 =	vld [tilespmem:s17+$0x8CF0];
	_ =	sdelay $0x4  }
0x1bf: {  	v11 =	vmul.f32 v61, v11;
	_ =	sdelay $0x1  }
0x1c0: {  	[tilespmem:s26+$0x1B0] =	vst v11  }
0x1c1: {  	v11 =	vld [tilespmem:s28+$0x190]  }
0x1c2: {  	v62 =	vld [tilespmem:s17+$0x8D00];
	_ =	sdelay $0x4  }
0x1c3: {  	v11 =	vmul.f32 v62, v11;
	_ =	sdelay $0x1  }
0x1c4: {  	[tilespmem:s26+$0x1C0] =	vst v11  }
0x1c5: {  	v11 =	vld [tilespmem:s28+$0x1A0]  }
0x1c6: {  	v63 =	vld [tilespmem:s17+$0x8D10];
	_ =	sdelay $0x1  }
0x1c7: {  	(v2sf) =	vpush v10, $0xF;
	_ =	sdelay $0x2  }
0x1c8: {  	v10 =	vmul.f32 v63, v11;
	_ =	sdelay $0x1  }
0x1c9: {  	[tilespmem:s26+$0x1D0] =	vst v10  }
0x1ca: {  	v10 =	vld [tilespmem:s28+$0x1B0]  }
0x1cb: {  	v11 =	vld [tilespmem:s17+$0x8D20];
	_ =	sdelay $0x4  }
0x1cc: {  	v10 =	vmul.f32 v11, v10;
	_ =	sdelay $0x1  }
0x1cd: {  	[tilespmem:s26+$0x1E0] =	vst v10  }
0x1ce: {  	s17 =	spop (v2sf);
	v10 =	vld [tilespmem:s28+$0x1C0]  }
0x1cf: {  	v11 =	vld [tilespmem:s17+$0x8CF0];
	_ =	sdelay $0x4  }
0x1d0: {  	v10 =	vmul.f32 v11, v10;
	_ =	sdelay $0x1  }
0x1d1: {  	[tilespmem:s26+$0x1F8] =	vst v10  }
0x1d2: {  	v10 =	vld [tilespmem:s28+$0x1D0]  }
0x1d3: {  	v11 =	vld [tilespmem:s17+$0x8D00];
	_ =	sdelay $0x4  }
0x1d4: {  	v10 =	vmul.f32 v11, v10;
	_ =	sdelay $0x1  }
0x1d5: {  	[tilespmem:s26+$0x208] =	vst v10  }
0x1d6: {  	v10 =	vld [tilespmem:s28+$0x1E0]  }
0x1d7: {  	v11 =	vld [tilespmem:s17+$0x8D10];
	_ =	sdelay $0x4  }
0x1d8: {  	v10 =	vmul.f32 v11, v10;
	_ =	sdelay $0x1  }
0x1d9: {  	[tilespmem:s26+$0x218] =	vst v10  }
0x1da: {  	v10 =	vld [tilespmem:s28+$0x1F0]  }
0x1db: {  	v11 =	vld [tilespmem:s17+$0x8D20];
	_ =	sdelay $0x1  }
0x1dc: {  	p2 =	sne.s32 s16, $0xC0  }
.Ltmp7:
0x1dd: {  	_ = 	snop;
	(pc) =	sbr.rel @p2 .LBB2_15-.Ltmp7, $3  }
0x1de: {  	_ = 	snop  }
0x1df: {  	v10 =	vmul.f32 v11, v10;
	_ =	sdelay $0x1  }
0x1e0: {  	s16 =	sadd.s32 $0x40, s16;
	s28 =	sadd.s32 $0x400, s28;
	[tilespmem:s26+$0x228] =	vst v10;
	s26 =	sadd.s32 $0x480, s26  }
.Ltmp8:
0x1e1: {  	p2 =	sne.s32 s29, $0x0;
	s8 =	sshrl.u32 s8, $0x2;
	(pc) =	sbr.rel .LBB2_17-.Ltmp8, $4  }
0x1e2: {  	s8 =	sadd.s32 $0x78F0, s8;
	s16 =	simm.s32 @p2 $0x40;
	s17 =	simm.s32 @p2 $0xFEF0  }
0x1e3: {  	[spmem:s1] =	stream.indirect.scatter.add.f32 @p2 [tilespmem:s17], [sflag:$0x4], $0x48, s8, s16, $0xb8;
	[tilespmem:$0x1EA58] =	vst v63  }
0x1e4: {  	s16 =	simm.s32 @!p2 $0x40;
	s17 =	simm.s32 @!p2 $0xECF0  }
0x1e5: {  	[spmem:s1] =	stream.indirect.scatter.add.f32 @!p2 [tilespmem:s17], [sflag:$0x3], $0x48, s8, s16, $0xb8;
	[tilespmem:$0x1EA58] =	vst v63  }
.LBB2_18:
0x1e6: {  	p1 =	slt.s32 s6, $0x2;
	s6 =	sand.u32 $0x1, s6  }
0x1e7: {  	p2 =	sne.s32 @!p1 s6, $0x0  }
0x1e8: {  	p2 =	por p2, p1  }
0x1e9: {  	s8 =	simm.s32 @!p2 $0x3  }
0x1ea: {  	p3 =	seq.s32 s6, $0x1;
	_ =	swait.ge @!p2 [sflag:s8], $0x1200  }
0x1eb: {  	p1 =	por !p3, p1;
	[sflag:s8] =	ssyncset.done @!p2 $0x0  }
0x1ec: {  	[sflag:s8] =	ssyncadd.s32 @!p2 $0xFFFFEE00;
	s8 =	simm.s32 @!p1 $0x4  }
0x1ed: {  	p6 =	por !p3, !p3;
	_ =	swait.ge @!p1 [sflag:s8], $0x1200  }
0x1ee: {  	p2 =	por p0, p6;
	[sflag:s8] =	ssyncset.done @!p1 $0x0  }
0x1ef: {  	[sflag:s8] =	ssyncadd.s32 @!p1 $0xFFFFEE00;
	s8 =	simm.s32 @!p2 $0x3  }
0x1f0: {  	p1 =	sne.s32 @!p0 s6, $0x0;
	_ =	swait.ge @!p2 [sflag:s8], $0x1200  }
0x1f1: {  	p0 =	por p1, p0;
	[sflag:s8] =	ssyncset.done @!p2 $0x0  }
0x1f2: {  	s6 =	simm.s32 @!p0 $0x4;
	[sflag:s8] =	ssyncadd.s32 @!p2 $0xFFFFEE00  }
0x1f3: {  	_ =	swait.ge @!p0 [sflag:s6], $0x1200  }
0x1f4: {  	[sflag:s6] =	ssyncset.done @!p0 $0x0  }
0x1f5: {  	s28 =	sadd.s32 s12, s5;
	[sflag:s6] =	ssyncadd.s32 @!p0 $0xFFFFEE00  }
0x1f6: {  	s6 =	sshll.u32 s28, $0x3;
	[bflag:$0x0] =	sbarrier.arrive $0xFFFF  }
0x1f7: {  	[tilespmem:s25], [sflag:$0x1] =	stream.linear.gather [spmem:s13], $0xFC0, $0x38;
	[tilespmem:$0x1EA58] =	vst v63  }
0x1f8: {  	s29 =	sadd.s32 s10, s6;
	s6 =	simm.s32 $0x0  }
0x1f9: {  	[tilespmem:s9], [sflag:$0x3] =	stream.linear.gather [hbm4b:s29+s6], $0xE00, $0x38;
	[tilespmem:$0x1EA58] =	vst v63  }
.LBB2_20:
0x1fa: {  	s8 =	sand.u32 $0x1, s6  }
0x1fb: {  	p0 =	seq.s32 s8, $0x1  }
.Ltmp9:
0x1fc: {  	_ = 	snop;
	(pc) =	sbr.rel @!p0 .LBB2_21-.Ltmp9, $1  }
0x1fd: {  	_ =	sdelay $0x3  }
0x1fe: {  	_ =	swait.ge [sflag:s15], $0xFC0;
	p1 =	seq.s32 s6, $0x9  }
.Ltmp10:
0x1ff: {  	[sflag:s15] =	ssyncset.done $0x0;
	(pc) =	sbr.rel @p1 .LBB2_25-.Ltmp10, $4  }
0x200: {  	[sflag:s15] =	ssyncadd.s32 $0xFFFFF040  }
0x201: {  	_ =	swait.ge [sflag:s4], $0xE00  }
0x202: {  	[sflag:s4] =	ssyncset.done $0x0  }
0x203: {  	s14 =	simm.s32 $0xA;
	[sflag:s4] =	ssyncadd.s32 $0xFFFFF200  }
0x204: {  	s14 =	sadd.s32 $0x1, s6  }
0x205: {  	s6 =	smul.u32 $0x38, s14;
	_ =	sdelay $0x1  }
0x206: {  	s6 =	sadd.s32 s12, s6  }
0x207: {  	s8 =	smul.u32 $0x120, s6;
	_ =	sdelay $0x1  }
0x208: {  	s8 =	sshra.s32 s8, $0x2  }
0x209: {  	s8 =	sadd.s32 s8, s1  }
0x20a: {  	[tilespmem:s25], [sflag:$0x1] =	stream.linear.gather [spmem:s8], $0xFC0, $0x38;
	[tilespmem:$0x1EA58] =	vst v63  }
.Ltmp11:
0x20b: {  	s29 =	sadd.s32 s5, s6;
	(pc) =	sbr.rel .LBB2_24-.Ltmp11, $4  }
0x20c: {  	s8 =	sshll.u32 s29, $0x3  }
0x20d: {  	s8 =	sand.u32 $0x1FFFFFC0, s8  }
0x20e: {  	s8 =	sadd.s32 s10, s8  }
0x20f: {  	[tilespmem:s9], [sflag:$0x3] =	stream.linear.gather [hbm4b:s8+s2], $0xE00, $0x38;
	[tilespmem:$0x1EA58] =	vst v63  }
.LBB2_21:
0x210: {  	_ =	swait.ge [sflag:s0], $0xFC0  }
0x211: {  	[sflag:s0] =	ssyncset.done $0x0  }
0x212: {  	s14 =	sor.u32 $0x1, s6;
	[sflag:s0] =	ssyncadd.s32 $0xFFFFF040  }
0x213: {  	s6 =	smul.u32 $0x38, s14;
	_ =	swait.ge [sflag:s31], $0xE00  }
0x214: {  	[sflag:s31] =	ssyncset.done $0x0  }
0x215: {  	s6 =	sadd.s32 s12, s6;
	[sflag:s31] =	ssyncadd.s32 $0xFFFFF200  }
.LBB2_24:
0x216: {  	s8 =	sand.u32 $0x1, s14  }
0x217: {  	p1 =	seq.s32 s8, $0x0  }
0x218: {  	s8 =	smul.u32 @!p1 $0x120, s6  }
0x219: {  	s6 =	sadd.s32 @!p1 s5, s6  }
0x21a: {  	s6 =	sshll.u32 @!p1 s6, $0x3;
	s8 =	sshra.s32 @!p1 s8, $0x2  }
0x21b: {  	s11 =	simm.s32 @!p1 $0x120B0;
	s6 =	sand.u32 @!p1 $0x1FFFFFC0, s6;
	s8 =	sadd.s32 @!p1 s8, s1  }
0x21c: {  	[tilespmem:s11], [sflag:$0x2] =	stream.linear.gather @!p1 [spmem:s8], $0xFC0, $0x38;
	[tilespmem:$0x1EA58] =	vst v63  }
0x21d: {  	s6 =	sadd.s32 @!p1 s10, s6;
	s8 =	simm.s32 @!p1 $0x0;
	s11 =	simm.s32 @!p1 $0x13E70  }
0x21e: {  	[tilespmem:s11], [sflag:$0x4] =	stream.linear.gather @!p1 [hbm4b:s6+s8], $0xE00, $0x38;
	[tilespmem:$0x1EA58] =	vst v63  }
.LBB2_25:
0x21f: {  	s6 =	simm.s32 $0x38  }
0x220: {  	s6 =	simm.s32 @!p0 $0x0  }
0x221: {  	s8 =	smul.u32 $0x120, s6;
	_ =	sdelay $0x1  }
0x222: {  	s8 =	sshrl.u32 s8, $0x2  }
0x223: {  	s8 =	sadd.s32 $0x11110, s8  }
0x224: {  	v9 =	vld [tilespmem:s8+$0x18];
	_ =	sdelay $0x4  }
0x225: {  	v9 =	vmax.f32 v9, $1.000000000e+00  }
0x226: {  	v21 =	vld [tilespmem:s8+$0xFFFFFFE0];
	(erf) = vrcp.f32 v9  }
0x227: {  	v14 =	vld [tilespmem:s8+$0xFFFFFFF0]  }
0x228: {  	s6 =	sshll.u32 s6, $0x6;
	v13 =	vld [tilespmem:s8+$0x0];
	s11 =	sadd.s32 $0x48, s8  }
0x229: {  	s6 =	sor.u32 $0x13090, s6;
	v17 =	vld [tilespmem:s11+$0x18]  }
0x22a: {  	v22 =	vld [tilespmem:s8+$0x10];
	v9 =	vmov s6  }
0x22b: {  	v11 =	vld [tilespmem:s11+$0xFFFFFFE0]  }
0x22c: {  	v12 =	vld [tilespmem:s11+$0xFFFFFFF0]  }
0x22d: {  	v10 =	vld [tilespmem:s11+$0x0];
	s8 =	sadd.s32 $0x48, s11  }
0x22e: {  	s29 =	simm.s32 $0x0;
	v20 =	vld [tilespmem:s8+$0x18];
	v17 =	vmax.f32 v17, $1.000000000e+00  }
0x22f: {  	v15 =	vld.idx.msk [tilespmem:v9+s29+$0x10 ss:$0x1], $0xffff;
	v18 =	vpop (erf);
	(erf) = vrcp.f32 v17  }
0x230: {  	v16 =	vld.idx.msk [tilespmem:v9+s29+$0xFFFFFFE0 ss:$0x1], $0xffff;
	v19 =	vbroadcast v18, $0x8  }
0x231: {  	s16 =	simm.s32 $0x100;
	v18 =	vld.idx.msk [tilespmem:v9+s29+$0xFFFFFFF0 ss:$0x1], $0xffff  }
0x232: {  	s26 =	simm.s32 $0x300;
	s6 =	smov.u32 s14;
	s14 =	simm.s32 $0x200;
	v17 =	vld.idx.msk [tilespmem:v9+s29+$0x0 ss:$0x1], $0xffff;
	v21 =	vmul.f32 v19, v21;
	v22 =	vmul.f32 v22, v19  }
.LBB2_26:
0x233: {  	p0 =	seq.s32 s26, $0x3700;
	v23 =	vld [tilespmem:s8+$0xFFFFFFE0];
	v24 =	vmul.f32 v19, v14;
	v19 =	vmul.f32 v13, v19;
	v14 =	vmovc v12;
	v13 =	vmov v10  }
0x234: {  	v12 =	vld [tilespmem:s8+$0xFFFFFFF0];
	v15 =	vadd.f32 v15, v22  }
0x235: {  	v21 =	vadd.f32 v21, v16;
	v10 =	vld [tilespmem:s8+$0x0]  }
0x236: {  	s17 =	sshra.s32 s16, $0x2;
	s16 =	smov.u32 s14;
	v18 =	vadd.f32 v18, v24;
	v22 =	vld [tilespmem:s11+$0x10];
	v16 =	vmax.f32 v15, $0.0e+00;
	s11 =	smov.u32 s8  }
.Ltmp12:
0x237: {  	s14 =	smov.u32 s26;
	v17 =	vadd.f32 v17, v19;
	v20 =	vmax.f32 v20, $1.000000000e+00;
	v15 =	vld.idx.msk [tilespmem:v9+s17+$0x10 ss:$0x1], $0xffff;
	v6 =	vmax.f32 v6, v16;
	(pc) =	sbr.rel @!p0 .LBB2_26-.Ltmp12, $4  }
0x238: {  	(erf) = vrcp.f32 v20;
	v16 =	vld.idx.msk [tilespmem:v9+s17+$0xFFFFFFE0 ss:$0x1], $0xffff;
	v19 =	vpop (erf);
	v20 =	vmax.f32 v21, $0.0e+00;
	v21 =	vmax.f32 v18, $0.0e+00  }
0x239: {  	v19 =	vbroadcast v19, $0x8;
	v18 =	vld.idx.msk [tilespmem:v9+s17+$0xFFFFFFF0 ss:$0x1], $0xffff;
	v8 =	vmax.f32 v8, v20;
	v20 =	vmax.f32 v17, $0.0e+00  }
0x23a: {  	s8 =	sadd.s32 $0x48, s8;
	v7 =	vmax.f32 v7, v21;
	v17 =	vld.idx.msk [tilespmem:v9+s17+$0x0 ss:$0x1], $0xffff;
	v5 =	vmax.f32 v5, v20  }
0x23b: {  	s26 =	sadd.s32 $0x100, s26;
	v20 =	vld [tilespmem:s8+$0x18];
	v21 =	vmul.f32 v19, v11;
	v22 =	vmul.f32 v22, v19;
	v11 =	vmov v23  }
0x23c: {  	_ =	sdelay $0x2  }
0x23d: {  	v23 =	vld [tilespmem:s8+$0xFFFFFFE0]  }
0x23e: {  	v24 =	vld [tilespmem:s8+$0xFFFFFFF0];
	v20 =	vmax.f32 v20, $1.000000000e+00  }
0x23f: {  	v45 =	vld [tilespmem:s8+$0x0];
	(erf) = vrcp.f32 v20  }
0x240: {  	s16 =	sshra.s32 s16, $0x2;
	v25 =	vld [tilespmem:s11+$0x10]  }
0x241: {  	v14 =	vmul.f32 v19, v14;
	v46 =	vld.idx.msk [tilespmem:v9+s16+$0x10 ss:$0x1], $0xffff  }
0x242: {  	v13 =	vmul.f32 v13, v19;
	v15 =	vadd.f32 v15, v22;
	v16 =	vadd.f32 v21, v16;
	v47 =	vld.idx.msk [tilespmem:v9+s16+$0xFFFFFFE0 ss:$0x1], $0xffff;
	v48 =	vpop (erf)  }
0x243: {  	v50 =	vld.idx.msk [tilespmem:v9+s16+$0xFFFFFFF0 ss:$0x1], $0xffff;
	v14 =	vadd.f32 v18, v14;
	v49 =	vbroadcast v48, $0x8  }
0x244: {  	v51 =	vld.idx.msk [tilespmem:v9+s16+$0x0 ss:$0x1], $0xffff;
	v15 =	vmax.f32 v15, $0.0e+00;
	v13 =	vadd.f32 v17, v13;
	v16 =	vmax.f32 v16, $0.0e+00  }
0x245: {  	s29 =	sshra.s32 s14, $0x2;
	v53 =	vld [tilespmem:s8+$0x10];
	v6 =	vmax.f32 v6, v15;
	v14 =	vmax.f32 v14, $0.0e+00;
	v52 =	vmul.f32 v25, v49  }
0x246: {  	v54 =	vld.idx.msk [tilespmem:v9+s29+$0x10 ss:$0x1], $0xffff;
	v8 =	vmax.f32 v8, v16;
	v11 =	vmul.f32 v49, v11;
	v12 =	vmul.f32 v49, v12  }
0x247: {  	v56 =	vld.idx.msk [tilespmem:v9+s29+$0xFFFFFFE0 ss:$0x1], $0xffff;
	v13 =	vmax.f32 v13, $0.0e+00;
	v10 =	vmul.f32 v10, v49;
	v55 =	vadd.f32 v46, v52  }
0x248: {  	v59 =	vld.idx.msk [tilespmem:v9+s29+$0xFFFFFFF0 ss:$0x1], $0xffff;
	v7 =	vmax.f32 v7, v14;
	v11 =	vadd.f32 v11, v47;
	v12 =	vadd.f32 v50, v12;
	v57 =	vpop (erf)  }
0x249: {  	v9 =	vld.idx.msk [tilespmem:v9+s29+$0x0 ss:$0x1], $0xffff;
	v5 =	vmax.f32 v5, v13;
	v10 =	vadd.f32 v51, v10;
	v58 =	vbroadcast v57, $0x8  }
0x24a: {  	v16 =	vmax.f32 v55, $0.0e+00;
	v11 =	vmax.f32 v11, $0.0e+00;
	v12 =	vmax.f32 v12, $0.0e+00  }
0x24b: {  	v10 =	vmax.f32 v10, $0.0e+00;
	v60 =	vmul.f32 v53, v58;
	v61 =	vmul.f32 v58, v23  }
0x24c: {  	v6 =	vmax.f32 v6, v16;
	v62 =	vmul.f32 v58, v24;
	v13 =	vmul.f32 v45, v58  }
0x24d: {  	v8 =	vmax.f32 v8, v11;
	v14 =	vadd.f32 v54, v60;
	v11 =	vadd.f32 v61, v56  }
0x24e: {  	v7 =	vmax.f32 v7, v12;
	v63 =	vadd.f32 v59, v62;
	v9 =	vadd.f32 v9, v13  }
0x24f: {  	v5 =	vmax.f32 v5, v10;
	v14 =	vmax.f32 v14, $0.0e+00;
	v10 =	vmax.f32 v11, $0.0e+00  }
0x250: {  	v11 =	vmax.f32 v63, $0.0e+00;
	v9 =	vmax.f32 v9, $0.0e+00;
	v6 =	vmax.f32 v6, v14  }
0x251: {  	v8 =	vmax.f32 v8, v10;
	v7 =	vmax.f32 v7, v11;
	v5 =	vmax.f32 v5, v9  }
0x252: {  	p0 =	sgt.u32 s6, $0x9  }
.Ltmp13:
0x253: {  	_ = 	snop;
	(pc) =	sbr.rel @!p0 .LBB2_20-.Ltmp13, $1  }
0x254: {  	_ =	sdelay $0x3  }
0x255: {  	s3 =	sadd.s32 $0x1, s3  }
0x256: {  	p0 =	sne.s32 s3, $0x3  }
.Ltmp14:
0x257: {  	_ = 	snop;
	(pc) =	sbr.rel @p0 .LBB2_5-.Ltmp14, $1  }
0x258: {  	_ =	sdelay $0x3  }
0x259: {  	s8 =	rddreg [dreg:$0xe]  }
0x25a: {  	[tilespmem:$0x14C70] =	vst v8;
	s5 =	rddreg [dreg:$0x9];
	s3 =	sshll.u32 s8, $0x6  }
0x25b: {  	[tilespmem:$0x14C80] =	vst v7;
	s28 =	rddreg [dreg:$0x8];
	s8 =	sadd.s32 $0x1, s8;
	s3 =	sadd.s32 s3, s5  }
0x25c: {  	[tilespmem:$0x14C90] =	vst v5;
	s29 =	simm.s32 $0x14C70;
	p0 =	sne.s32 s8, $0xA;
	s3 =	sshrl.u32 s3, $0x3  }
.Ltmp15:
0x25d: {  	[tilespmem:$0x14CA0] =	vst v6;
	s6 =	simm.s32 $0x5;
	s3 =	sadd.s32 s28, s3;
	(pc) =	sbr.rel @p0 .LBB2_4-.Ltmp15, $4  }
0x25e: {  	[hbm4b:s3+s2] =	stream.linear.scatter [tilespmem:s29], [sflag:$0x5], $0x40, $0x38;
	[tilespmem:$0x1EA58] =	vst v63  }
0x25f: {  	_ =	swait.ge [sflag:s6], $0x40  }
0x260: {  	[sflag:s6] =	ssyncset.done $0x0  }
0x261: {  	[sflag:s6] =	ssyncadd.s32 $0xFFFFFFC0  }
0x262: {  	s5 =	rddreg [dreg:$0xd]  }
0x263: {  	s3 =	rddreg [dreg:$0xa];
	s5 =	sadd.s32 $0x1, s5  }
0x264: {  	p0 =	sne.s32 s5, s3  }
.Ltmp16:
0x265: {  	_ = 	snop;
	(pc) =	sbr.rel @p0 .LBB2_1-.Ltmp16, $1  }
0x266: {  	_ =	sdelay $0x3  }
0x267: {  	_ =	sfence.sel $0x180000  }
0x268: {  	[bflag:$0x0] =	sbarrier.arrive $0xFFFF  }
0x269: {  	_ =	strace $0x90000047  }
0x26a: {  	s0 =	stileid.u32;
	[bflag:$0x2] =	sbarrier.arrive $0xFFFF  }
0x26b: {  	p0 =	sne.s32 s0, $0x0;
	s0 =	rddreg [dreg:$0x2]  }
0x26c: {  	s0 =	sadd.s32 @!p0 $0x100000, s0  }
0x26d: {  	[sflag:s0] =	ssyncadd.tile.s32 @!p0 $0x1;
	_ =	shalt  }
.Lfunc_end2:
_tile_overlayer_lowered:
.L_overlay_start_2:
0x26e: {  	(tag) =	ssettag $0x2  }
0x26f: {  	s0 =	rddreg [dreg:$0x0];
	s2 =	stileid.u32  }
0x270: {  	s1 =	rddreg [dreg:$0x1];
	p0 =	sne.s32 s2, $0x0  }
0x271: {  	s3 =	rddreg [dreg:$0x2];
	[bflag:$0x3] =	sbarrier.arrive $0xFFFF;
	s2 =	simm.s32 @!p0 $0x1C05  }
0x272: {  	[timem:s3], [sflag:s2] =	dma.local @!p0 [hbm:s0], s1  }
0x273: {  	s0 =	simm.s32 @!p0 $0x5  }
0x274: {  	_ =	swait.ge @!p0 [sflag:s0], s1  }
0x275: {  	s1 =	ssub.s32 @!p0 $0x0, s1;
	[sflag:s0] =	ssyncset.done @!p0 $0x0  }
0x276: {  	[sflag:s0] =	ssyncadd.s32 @!p0 s1  }
0x277: {  	[bflag:$0x3] =	sbarrier.arrive $0xFFFF  }
0x278: {  	_ =	shalt  }

</sc_bundles>
